<compile_context>
chip_gen: v7x
topology: tpu7x:2x2x1
jax: 0.10.2.dev20260603
libtpu: 0.0.44.dev20260713+nightly
codegen_flags: <defaults>
</compile_context>

<pallas_src>
import functools

import jax
import jax.numpy as jnp
from jax import lax
from jax.experimental import pallas as pl
from jax.experimental.pallas import tpu as pltpu
from jax.experimental.pallas import tpu_sc as plsc

N_NODES = 10000
N_EDGES = 320000
IN_DIM = 128
HIDDEN = 128
NUM_CLASSES = 64
D = 128

NC = 2
NS = 16
CHUNK = 128
PAD_ROWS = 632
N_PAD = PAD_ROWS * NS
DUMMY = N_NODES
CPT = 158
N_CHUNKS = CPT * NS
E_PAD = N_CHUNKS * CHUNK
EPS = 1e-5

CORE_ROWS = N_PAD // NC
ACC_ROWS = 5120
ZPT = ACC_ROWS // NS
OPT = CORE_ROWS // (NS // 2)

_MESH = plsc.VectorSubcoreMesh(
    core_axis_name="c", subcore_axis_name="s", num_cores=NC, num_subcores=NS)


@functools.partial(
    pl.kernel,
    out_type=jax.ShapeDtypeStruct((N_PAD, D), jnp.float32),
    mesh=_MESH,
    scratch_types=[
        pltpu.VMEM((1, CHUNK), jnp.int32),
        pltpu.VMEM((1, CHUNK), jnp.int32),
        pltpu.VMEM((1, CHUNK), jnp.int32),
        pltpu.VMEM((CHUNK, D), jnp.float32),
        pltpu.VMEM((ZPT, D), jnp.float32),
        pltpu.VMEM_SHARED((ACC_ROWS, D), jnp.float32),
        pltpu.SemaphoreType.DMA,
    ],
)
def _sc_agg(g_hbm, src_hbm, dst_hbm, out_hbm,
            sidx, didx, ldidx, rows, zeros_v, acc, sem):
    c = lax.axis_index("c")
    s = lax.axis_index("s")
    base = c * CORE_ROWS

    def fillz(i, _):
        for k in range(D // 16):
            zeros_v[i, pl.ds(16 * k, 16)] = jnp.zeros((16,), jnp.float32)
        return 0

    lax.fori_loop(0, ZPT, fillz, 0)
    pltpu.sync_copy(zeros_v, acc.at[pl.ds(s * ZPT, ZPT)])
    plsc.subcore_barrier()

    def step(j, _):
        chunk = s * CPT + j
        pltpu.sync_copy(src_hbm.at[chunk], sidx)
        pltpu.sync_copy(dst_hbm.at[chunk], didx)
        for k in range(CHUNK // 16):
            t = didx[0, pl.ds(16 * k, 16)] - base
            ok = (t >= 0) & (t < CORE_ROWS)
            ldidx[0, pl.ds(16 * k, 16)] = jnp.where(ok, t, CORE_ROWS)
        pltpu.async_copy(g_hbm.at[sidx.at[0]], rows, sem).wait()
        pltpu.sync_copy(rows, acc.at[ldidx.at[0]], add=True)
        return 0

    lax.fori_loop(0, CPT, step, 0)
    plsc.subcore_barrier()

    @pl.when(s < NS // 2)
    def _copy_out():
        pltpu.sync_copy(acc.at[pl.ds(s * OPT, OPT)],
                        out_hbm.at[pl.ds(base + s * OPT, OPT)])


def _norm_col(deg_ref):
    d = deg_ref[0:N_NODES, 0:1]
    return jnp.where(d > 0, lax.rsqrt(d), 0.0)


def _tc_prescale_body(od_ref, f_ref, o_ref):
    o_ref[0:N_NODES, :] = f_ref[...] * _norm_col(od_ref)
    o_ref[N_NODES:N_PAD, :] = jnp.zeros((N_PAD - N_NODES, IN_DIM), jnp.float32)


_tc_prescale = pl.pallas_call(
    _tc_prescale_body,
    out_shape=jax.ShapeDtypeStruct((N_PAD, IN_DIM), jnp.float32))


def _tc_layer_body(p_ref, od_ref, id_ref, W_ref, b_ref, o_ref):
    agg = p_ref[0:N_NODES, :] * _norm_col(id_ref)
    h = jnp.dot(agg, W_ref[...], preferred_element_type=jnp.float32)
    h = jnp.maximum(h + b_ref[...], 0.0)
    mu = jnp.mean(h, axis=0, keepdims=True)
    var = jnp.mean((h - mu) ** 2, axis=0, keepdims=True)
    g = (h - mu) * lax.rsqrt(var + EPS) * _norm_col(od_ref)
    o_ref[0:N_NODES, :] = g
    o_ref[N_NODES:N_PAD, :] = jnp.zeros((N_PAD - N_NODES, HIDDEN), jnp.float32)


_tc_layer = pl.pallas_call(
    _tc_layer_body,
    out_shape=jax.ShapeDtypeStruct((N_PAD, HIDDEN), jnp.float32))


def _tc_final_body(p_ref, id_ref, W_ref, b_ref, o_ref):
    agg = p_ref[0:N_NODES, :] * _norm_col(id_ref)
    o_ref[...] = jnp.dot(agg, W_ref[...],
                         preferred_element_type=jnp.float32) + b_ref[...]


_tc_final = pl.pallas_call(
    _tc_final_body,
    out_shape=jax.ShapeDtypeStruct((N_NODES, NUM_CLASSES), jnp.float32))


def kernel(features, edge_index, W0, b0, W1, b1, W2, b2):
    src = edge_index[0].astype(jnp.int32)
    dst = edge_index[1].astype(jnp.int32)
    pad = jnp.full((E_PAD - N_EDGES,), DUMMY, jnp.int32)
    src_p = jnp.concatenate([src, pad]).reshape(N_CHUNKS, 1, CHUNK)
    dst_p = jnp.concatenate([dst, pad]).reshape(N_CHUNKS, 1, CHUNK)
    seq_p = (jnp.arange(E_PAD, dtype=jnp.int32) % N_PAD).reshape(
        N_CHUNKS, 1, CHUNK)
    ones = jnp.ones((N_PAD, D), jnp.float32)

    odeg = _sc_agg(ones, seq_p, src_p)
    ones_b, dst_b, seq_b, odeg = lax.optimization_barrier(
        (ones, dst_p, seq_p, odeg))
    ideg = _sc_agg(ones_b, seq_b, dst_b)
    g0 = _tc_prescale(odeg, features)
    p0 = _sc_agg(g0, src_p, dst_p)
    g1 = _tc_layer(p0, odeg, ideg, W0, b0.reshape(1, HIDDEN))
    p1 = _sc_agg(g1, src_p, dst_p)
    g2 = _tc_layer(p1, odeg, ideg, W1, b1.reshape(1, HIDDEN))
    p2 = _sc_agg(g2, src_p, dst_p)
    return _tc_final(p2, ideg, W2, b2.reshape(1, NUM_CLASSES))

# --- scband reference (transcript-rebuilt; emitter-appended) ---
"""Pipeline reference for scband-gcn-33208687133526 (READ-ONLY COPY).

The authoritative reference and input builder live on the scoring server;
editing this copy changes nothing except your own understanding.
"""

import jax, jax.numpy as jnp
import numpy as np

N_NODES = 10000
N_EDGES = 320000
IN_DIM = 128
HIDDEN = 128
NUM_CLASSES = 64


def setup_inputs(seed: int = 0) -> dict:
    key = jax.random.key(seed)
    ks = jax.random.split(key, 8)
    features = jax.random.normal(ks[0], (N_NODES, IN_DIM), dtype=jnp.float32)
    edge_index = jax.random.randint(ks[1], (2, N_EDGES), 0, N_NODES, dtype=jnp.int64)
    W0 = jax.random.normal(ks[2], (IN_DIM, HIDDEN), dtype=jnp.float32) * 0.05
    b0 = jnp.zeros((HIDDEN,), dtype=jnp.float32)
    W1 = jax.random.normal(ks[3], (HIDDEN, HIDDEN), dtype=jnp.float32) * 0.05
    b1 = jnp.zeros((HIDDEN,), dtype=jnp.float32)
    W2 = jax.random.normal(ks[4], (HIDDEN, NUM_CLASSES), dtype=jnp.float32) * 0.05
    b2 = jnp.zeros((NUM_CLASSES,), dtype=jnp.float32)
    return {"features": features, "edge_index": edge_index, "W0": W0, "b0": b0, "W1": W1, "b1": b1, "W2": W2, "b2": b2}


def _graph_conv(h, src, dst, out_norm, in_norm, W, b, activation):
    # DGL GraphConv with norm='both': D_out^{-1/2} A^T D_in^{-1/2} style symmetric norm
    h = h * out_norm[:, None]
    msg = jnp.take(h, src, axis=0)  # gather per-edge source features
    agg = jax.ops.segment_sum(msg, dst, num_segments=N_NODES)  # scatter-add to dst
    agg = agg * in_norm[:, None]
    out = agg @ W + b
    if activation:
        out = jax.nn.relu(out)
    return out


def _batch_norm(h, eps=1e-5):
    # nn.BatchNorm1d(affine=False, track_running_stats=False): normalize with batch stats
    mu = jnp.mean(h, axis=0, keepdims=True)
    var = jnp.var(h, axis=0, keepdims=True)
    return (h - mu) / jnp.sqrt(var + eps)


def reference(features, edge_index, W0, b0, W1, b1, W2, b2):
    src = edge_index[0]
    dst = edge_index[1]
    ones = jnp.ones((src.shape[0],), dtype=jnp.float32)
    out_deg = jax.ops.segment_sum(ones, src, num_segments=N_NODES)
    in_deg = jax.ops.segment_sum(ones, dst, num_segments=N_NODES)
    out_norm = jnp.where(out_deg > 0, out_deg ** -0.5, 0.0)
    in_norm = jnp.where(in_deg > 0, in_deg ** -0.5, 0.0)
    # dropout acts as identity in eval/reference mode
    h = _graph_conv(features, src, dst, out_norm, in_norm, W0, b0, True)
    h = _batch_norm(h)
    h = _graph_conv(h, src, dst, out_norm, in_norm, W1, b1, True)
    h = _batch_norm(h)
    h = _graph_conv(h, src, dst, out_norm, in_norm, W2, b2, False)
    return h

if __name__ == "__main__":
    import jax
    _d = setup_inputs()
    print(jax.jit(kernel)(*tuple(_d.values())))

</pallas_src>

<mosaic_0001>
#map = affine_map<(d0, d1) -> (0, 0)>
#map1 = affine_map<(d0, d1) -> (0, 0, 0)>
module attributes {stable_mosaic.version = 14 : i64} {
  func.func @_sc_agg(%arg0: i32, %arg1: i32, %arg2: memref<10112x128xf32, #tpu.memory_space<hbm>>, %arg3: memref<2528x1x128xi32, #tpu.memory_space<hbm>>, %arg4: memref<2528x1x128xi32, #tpu.memory_space<hbm>>, %arg5: memref<10112x128xf32, #tpu.memory_space<hbm>>, %arg6: memref<1x128xi32, #tpu.memory_space<vmem>>, %arg7: memref<1x128xi32, #tpu.memory_space<vmem>>, %arg8: memref<1x128xi32, #tpu.memory_space<vmem>>, %arg9: memref<128x128xf32, #tpu.memory_space<vmem>>, %arg10: memref<320x128xf32, #tpu.memory_space<vmem>>, %arg11: memref<5120x128xf32, #tpu.memory_space<vmem_shared>>, %arg12: memref<!tpu.dma_semaphore, #tpu.memory_space<semaphore_mem>>) attributes {dimension_semantics = [#tpu.dimension_semantics<core_parallel>, #tpu.dimension_semantics<subcore_parallel>], iteration_bounds = array<i64: 2, 16>, scalar_prefetch = 0 : i64, scratch_operands = 7 : i64, tpu.core_type = #tpu.core_type<sc_vector_subcore>, window_params = [{transform_indices = #map}, {transform_indices = #map1}, {transform_indices = #map1}, {transform_indices = #map}]} {
    %mul3A = arith.constant 5056 : i32
    %mul3A_0 = arith.muli %arg0, %mul3A : i32
    %scan3A = arith.constant 0 : i32
    %scan3A_1 = arith.constant 0 : i32
    %scan3A_2 = arith.constant 320 : i32
    %scan3A_3 = arith.addi %scan3A_1, %scan3A_2 : i32
    %scan3A_4 = arith.constant 1 : i32
    %scan3A_5 = scf.for %scan3A_19 = %scan3A_1 to %scan3A_3 step %scan3A_4 iter_args(%scan3A_20 = %scan3A) -> (i32)  : i32 {
      %broadcast_in_dim3A = arith.constant 0.000000e+00 : f32
      %broadcast_in_dim3A_21 = vector.broadcast %broadcast_in_dim3A : f32 to vector<16xf32>
      %swap3A = arith.index_cast %scan3A_19 : i32 to index
      %swap3A_22 = arith.constant 0 : index
      %swap3A_23 = tpu.vector_load %arg10[%swap3A, %swap3A_22] {strides = array<i32>} : memref<320x128xf32, #tpu.memory_space<vmem>>, vector<1x16xf32>,
      %swap3A_24 = vector.shape_cast %swap3A_23 : vector<1x16xf32> to vector<16xf32>
      %swap3A_25 = vector.shape_cast %broadcast_in_dim3A_21 : vector<16xf32> to vector<1x16xf32>
      tpu.vector_store %arg10[%swap3A, %swap3A_22], %swap3A_25 {strides = array<i32>} : memref<320x128xf32, #tpu.memory_space<vmem>>, vector<1x16xf32>,
      %broadcast_in_dim3A_26 = arith.constant 0.000000e+00 : f32
      %broadcast_in_dim3A_27 = vector.broadcast %broadcast_in_dim3A_26 : f32 to vector<16xf32>
      %swap3A_28 = arith.index_cast %scan3A_19 : i32 to index
      %swap3A_29 = arith.constant 16 : index
      %swap3A_30 = tpu.vector_load %arg10[%swap3A_28, %swap3A_29] {strides = array<i32>} : memref<320x128xf32, #tpu.memory_space<vmem>>, vector<1x16xf32>,
      %swap3A_31 = vector.shape_cast %swap3A_30 : vector<1x16xf32> to vector<16xf32>
      %swap3A_32 = vector.shape_cast %broadcast_in_dim3A_27 : vector<16xf32> to vector<1x16xf32>
      tpu.vector_store %arg10[%swap3A_28, %swap3A_29], %swap3A_32 {strides = array<i32>} : memref<320x128xf32, #tpu.memory_space<vmem>>, vector<1x16xf32>,
      %broadcast_in_dim3A_33 = arith.constant 0.000000e+00 : f32
      %broadcast_in_dim3A_34 = vector.broadcast %broadcast_in_dim3A_33 : f32 to vector<16xf32>
      %swap3A_35 = arith.index_cast %scan3A_19 : i32 to index
      %swap3A_36 = arith.constant 32 : index
      %swap3A_37 = tpu.vector_load %arg10[%swap3A_35, %swap3A_36] {strides = array<i32>} : memref<320x128xf32, #tpu.memory_space<vmem>>, vector<1x16xf32>,
      %swap3A_38 = vector.shape_cast %swap3A_37 : vector<1x16xf32> to vector<16xf32>
      %swap3A_39 = vector.shape_cast %broadcast_in_dim3A_34 : vector<16xf32> to vector<1x16xf32>
      tpu.vector_store %arg10[%swap3A_35, %swap3A_36], %swap3A_39 {strides = array<i32>} : memref<320x128xf32, #tpu.memory_space<vmem>>, vector<1x16xf32>,
      %broadcast_in_dim3A_40 = arith.constant 0.000000e+00 : f32
      %broadcast_in_dim3A_41 = vector.broadcast %broadcast_in_dim3A_40 : f32 to vector<16xf32>
      %swap3A_42 = arith.index_cast %scan3A_19 : i32 to index
      %swap3A_43 = arith.constant 48 : index
      %swap3A_44 = tpu.vector_load %arg10[%swap3A_42, %swap3A_43] {strides = array<i32>} : memref<320x128xf32, #tpu.memory_space<vmem>>, vector<1x16xf32>,
      %swap3A_45 = vector.shape_cast %swap3A_44 : vector<1x16xf32> to vector<16xf32>
      %swap3A_46 = vector.shape_cast %broadcast_in_dim3A_41 : vector<16xf32> to vector<1x16xf32>
      tpu.vector_store %arg10[%swap3A_42, %swap3A_43], %swap3A_46 {strides = array<i32>} : memref<320x128xf32, #tpu.memory_space<vmem>>, vector<1x16xf32>,
      %broadcast_in_dim3A_47 = arith.constant 0.000000e+00 : f32
      %broadcast_in_dim3A_48 = vector.broadcast %broadcast_in_dim3A_47 : f32 to vector<16xf32>
      %swap3A_49 = arith.index_cast %scan3A_19 : i32 to index
      %swap3A_50 = arith.constant 64 : index
      %swap3A_51 = tpu.vector_load %arg10[%swap3A_49, %swap3A_50] {strides = array<i32>} : memref<320x128xf32, #tpu.memory_space<vmem>>, vector<1x16xf32>,
      %swap3A_52 = vector.shape_cast %swap3A_51 : vector<1x16xf32> to vector<16xf32>
      %swap3A_53 = vector.shape_cast %broadcast_in_dim3A_48 : vector<16xf32> to vector<1x16xf32>
      tpu.vector_store %arg10[%swap3A_49, %swap3A_50], %swap3A_53 {strides = array<i32>} : memref<320x128xf32, #tpu.memory_space<vmem>>, vector<1x16xf32>,
      %broadcast_in_dim3A_54 = arith.constant 0.000000e+00 : f32
      %broadcast_in_dim3A_55 = vector.broadcast %broadcast_in_dim3A_54 : f32 to vector<16xf32>
      %swap3A_56 = arith.index_cast %scan3A_19 : i32 to index
      %swap3A_57 = arith.constant 80 : index
      %swap3A_58 = tpu.vector_load %arg10[%swap3A_56, %swap3A_57] {strides = array<i32>} : memref<320x128xf32, #tpu.memory_space<vmem>>, vector<1x16xf32>,
      %swap3A_59 = vector.shape_cast %swap3A_58 : vector<1x16xf32> to vector<16xf32>
      %swap3A_60 = vector.shape_cast %broadcast_in_dim3A_55 : vector<16xf32> to vector<1x16xf32>
      tpu.vector_store %arg10[%swap3A_56, %swap3A_57], %swap3A_60 {strides = array<i32>} : memref<320x128xf32, #tpu.memory_space<vmem>>, vector<1x16xf32>,
      %broadcast_in_dim3A_61 = arith.constant 0.000000e+00 : f32
      %broadcast_in_dim3A_62 = vector.broadcast %broadcast_in_dim3A_61 : f32 to vector<16xf32>
      %swap3A_63 = arith.index_cast %scan3A_19 : i32 to index
      %swap3A_64 = arith.constant 96 : index
      %swap3A_65 = tpu.vector_load %arg10[%swap3A_63, %swap3A_64] {strides = array<i32>} : memref<320x128xf32, #tpu.memory_space<vmem>>, vector<1x16xf32>,
      %swap3A_66 = vector.shape_cast %swap3A_65 : vector<1x16xf32> to vector<16xf32>
      %swap3A_67 = vector.shape_cast %broadcast_in_dim3A_62 : vector<16xf32> to vector<1x16xf32>
      tpu.vector_store %arg10[%swap3A_63, %swap3A_64], %swap3A_67 {strides = array<i32>} : memref<320x128xf32, #tpu.memory_space<vmem>>, vector<1x16xf32>,
      %broadcast_in_dim3A_68 = arith.constant 0.000000e+00 : f32
      %broadcast_in_dim3A_69 = vector.broadcast %broadcast_in_dim3A_68 : f32 to vector<16xf32>
      %swap3A_70 = arith.index_cast %scan3A_19 : i32 to index
      %swap3A_71 = arith.constant 112 : index
      %swap3A_72 = tpu.vector_load %arg10[%swap3A_70, %swap3A_71] {strides = array<i32>} : memref<320x128xf32, #tpu.memory_space<vmem>>, vector<1x16xf32>,
      %swap3A_73 = vector.shape_cast %swap3A_72 : vector<1x16xf32> to vector<16xf32>
      %swap3A_74 = vector.shape_cast %broadcast_in_dim3A_69 : vector<16xf32> to vector<1x16xf32>
      tpu.vector_store %arg10[%swap3A_70, %swap3A_71], %swap3A_74 {strides = array<i32>} : memref<320x128xf32, #tpu.memory_space<vmem>>, vector<1x16xf32>,
      %scan3A_75 = arith.constant 0 : i32
      scf.yield %scan3A_75 : i32
    }
    %scan3A_6 = arith.constant 320 : i32
    %mul3A_7 = arith.constant 320 : i32
    %mul3A_8 = arith.muli %arg1, %mul3A_7 : i32
    "tpu.region"() ({
      %run_scoped3A = tpu.sem_alloc : memref<!tpu.dma_semaphore, #tpu.memory_space<semaphore_mem>>
      %dma_start3A = arith.constant 0 : i32
      %dma_start3A_19 = tpu.memref_slice %arg11[%mul3A_8, %dma_start3A] : memref<5120x128xf32, #tpu.memory_space<vmem_shared>> -> memref<320x128xf32, #tpu.memory_space<vmem_shared>>
      %dma_start3A_20 = arith.constant 0 : i32
      %dma_start3A_21 = tpu.memref_slice %arg11[%mul3A_8, %dma_start3A_20] : memref<5120x128xf32, #tpu.memory_space<vmem_shared>> -> memref<320x128xf32, #tpu.memory_space<vmem_shared>>
      tpu.enqueue_dma source(%arg10 : memref<320x128xf32, #tpu.memory_space<vmem>>) target(%dma_start3A_21 : memref<320x128xf32, #tpu.memory_space<vmem_shared>>) target_semaphore(%run_scoped3A : memref<!tpu.dma_semaphore, #tpu.memory_space<semaphore_mem>>)
      %dma_wait3A = arith.constant 0 : i32
      %dma_wait3A_22 = tpu.memref_slice %arg11[%mul3A_8, %dma_wait3A] : memref<5120x128xf32, #tpu.memory_space<vmem_shared>> -> memref<320x128xf32, #tpu.memory_space<vmem_shared>>
      %dma_wait3A_23 = arith.constant 0 : i32
      %dma_wait3A_24 = tpu.memref_slice %arg11[%mul3A_8, %dma_wait3A_23] : memref<5120x128xf32, #tpu.memory_space<vmem_shared>> -> memref<320x128xf32, #tpu.memory_space<vmem_shared>>
      tpu.wait_dma2 semaphore(%run_scoped3A : memref<!tpu.dma_semaphore, #tpu.memory_space<semaphore_mem>>) src(%arg10 : memref<320x128xf32, #tpu.memory_space<vmem>>) dst(%dma_wait3A_24 : memref<320x128xf32, #tpu.memory_space<vmem_shared>>)
      tpu.yield
    }) : () -> ()
    %barrier3A = arith.constant 0 : index
    tpu.barrier barrier_id(%barrier3A)
    %scan3A_9 = arith.constant 0 : i32
    %scan3A_10 = arith.constant 0 : i32
    %scan3A_11 = arith.constant 158 : i32
    %scan3A_12 = arith.addi %scan3A_10, %scan3A_11 : i32
    %scan3A_13 = arith.constant 1 : i32
    %scan3A_14 = scf.for %scan3A_19 = %scan3A_10 to %scan3A_12 step %scan3A_13 iter_args(%scan3A_20 = %scan3A_9) -> (i32)  : i32 {
      %mul3A_21 = arith.constant 158 : i32
      %mul3A_22 = arith.muli %arg1, %mul3A_21 : i32
      %add3A = arith.addi %mul3A_22, %scan3A_19 : i32
      "tpu.region"() ({
        %run_scoped3A_212 = tpu.sem_alloc : memref<!tpu.dma_semaphore, #tpu.memory_space<semaphore_mem>>
        %dma_start3A_213 = arith.constant 0 : i32
        %dma_start3A_214 = arith.constant 0 : i32
        %dma_start3A_215 = tpu.memref_slice %arg3[%add3A, %dma_start3A_213, %dma_start3A_214] : memref<2528x1x128xi32, #tpu.memory_space<hbm>> -> memref<1x1x128xi32, #tpu.memory_space<hbm>>
        %dma_start3A_216 = tpu.memref_squeeze %dma_start3A_215 : memref<1x1x128xi32, #tpu.memory_space<hbm>> -> memref<1x128xi32, #tpu.memory_space<hbm>>
        %dma_start3A_217 = arith.constant 0 : i32
        %dma_start3A_218 = arith.constant 0 : i32
        %dma_start3A_219 = tpu.memref_slice %arg3[%add3A, %dma_start3A_217, %dma_start3A_218] : memref<2528x1x128xi32, #tpu.memory_space<hbm>> -> memref<1x1x128xi32, #tpu.memory_space<hbm>>
        %dma_start3A_220 = tpu.memref_squeeze %dma_start3A_219 : memref<1x1x128xi32, #tpu.memory_space<hbm>> -> memref<1x128xi32, #tpu.memory_space<hbm>>
        tpu.enqueue_dma source(%dma_start3A_220 : memref<1x128xi32, #tpu.memory_space<hbm>>) target(%arg6 : memref<1x128xi32, #tpu.memory_space<vmem>>) target_semaphore(%run_scoped3A_212 : memref<!tpu.dma_semaphore, #tpu.memory_space<semaphore_mem>>)
        %dma_wait3A_221 = arith.constant 0 : i32
        %dma_wait3A_222 = arith.constant 0 : i32
        %dma_wait3A_223 = tpu.memref_slice %arg3[%add3A, %dma_wait3A_221, %dma_wait3A_222] : memref<2528x1x128xi32, #tpu.memory_space<hbm>> -> memref<1x1x128xi32, #tpu.memory_space<hbm>>
        %dma_wait3A_224 = tpu.memref_squeeze %dma_wait3A_223 : memref<1x1x128xi32, #tpu.memory_space<hbm>> -> memref<1x128xi32, #tpu.memory_space<hbm>>
        %dma_wait3A_225 = arith.constant 0 : i32
        %dma_wait3A_226 = arith.constant 0 : i32
        %dma_wait3A_227 = tpu.memref_slice %arg3[%add3A, %dma_wait3A_225, %dma_wait3A_226] : memref<2528x1x128xi32, #tpu.memory_space<hbm>> -> memref<1x1x128xi32, #tpu.memory_space<hbm>>
        %dma_wait3A_228 = tpu.memref_squeeze %dma_wait3A_227 : memref<1x1x128xi32, #tpu.memory_space<hbm>> -> memref<1x128xi32, #tpu.memory_space<hbm>>
        tpu.wait_dma2 semaphore(%run_scoped3A_212 : memref<!tpu.dma_semaphore, #tpu.memory_space<semaphore_mem>>) src(%dma_wait3A_228 : memref<1x128xi32, #tpu.memory_space<hbm>>) dst(%arg6 : memref<1x128xi32, #tpu.memory_space<vmem>>)
        tpu.yield
      }) : () -> ()
      "tpu.region"() ({
        %run_scoped3A_212 = tpu.sem_alloc : memref<!tpu.dma_semaphore, #tpu.memory_space<semaphore_mem>>
        %dma_start3A_213 = arith.constant 0 : i32
        %dma_start3A_214 = arith.constant 0 : i32
        %dma_start3A_215 = tpu.memref_slice %arg4[%add3A, %dma_start3A_213, %dma_start3A_214] : memref<2528x1x128xi32, #tpu.memory_space<hbm>> -> memref<1x1x128xi32, #tpu.memory_space<hbm>>
        %dma_start3A_216 = tpu.memref_squeeze %dma_start3A_215 : memref<1x1x128xi32, #tpu.memory_space<hbm>> -> memref<1x128xi32, #tpu.memory_space<hbm>>
        %dma_start3A_217 = arith.constant 0 : i32
        %dma_start3A_218 = arith.constant 0 : i32
        %dma_start3A_219 = tpu.memref_slice %arg4[%add3A, %dma_start3A_217, %dma_start3A_218] : memref<2528x1x128xi32, #tpu.memory_space<hbm>> -> memref<1x1x128xi32, #tpu.memory_space<hbm>>
        %dma_start3A_220 = tpu.memref_squeeze %dma_start3A_219 : memref<1x1x128xi32, #tpu.memory_space<hbm>> -> memref<1x128xi32, #tpu.memory_space<hbm>>
        tpu.enqueue_dma source(%dma_start3A_220 : memref<1x128xi32, #tpu.memory_space<hbm>>) target(%arg7 : memref<1x128xi32, #tpu.memory_space<vmem>>) target_semaphore(%run_scoped3A_212 : memref<!tpu.dma_semaphore, #tpu.memory_space<semaphore_mem>>)
        %dma_wait3A_221 = arith.constant 0 : i32
        %dma_wait3A_222 = arith.constant 0 : i32
        %dma_wait3A_223 = tpu.memref_slice %arg4[%add3A, %dma_wait3A_221, %dma_wait3A_222] : memref<2528x1x128xi32, #tpu.memory_space<hbm>> -> memref<1x1x128xi32, #tpu.memory_space<hbm>>
        %dma_wait3A_224 = tpu.memref_squeeze %dma_wait3A_223 : memref<1x1x128xi32, #tpu.memory_space<hbm>> -> memref<1x128xi32, #tpu.memory_space<hbm>>
        %dma_wait3A_225 = arith.constant 0 : i32
        %dma_wait3A_226 = arith.constant 0 : i32
        %dma_wait3A_227 = tpu.memref_slice %arg4[%add3A, %dma_wait3A_225, %dma_wait3A_226] : memref<2528x1x128xi32, #tpu.memory_space<hbm>> -> memref<1x1x128xi32, #tpu.memory_space<hbm>>
        %dma_wait3A_228 = tpu.memref_squeeze %dma_wait3A_227 : memref<1x1x128xi32, #tpu.memory_space<hbm>> -> memref<1x128xi32, #tpu.memory_space<hbm>>
        tpu.wait_dma2 semaphore(%run_scoped3A_212 : memref<!tpu.dma_semaphore, #tpu.memory_space<semaphore_mem>>) src(%dma_wait3A_228 : memref<1x128xi32, #tpu.memory_space<hbm>>) dst(%arg7 : memref<1x128xi32, #tpu.memory_space<vmem>>)
        tpu.yield
      }) : () -> ()
      %get3A = arith.constant 0 : i32
      %get3A_23 = arith.index_cast %get3A : i32 to index
      %get3A_24 = arith.constant 0 : index
      %get3A_25 = tpu.vector_load %arg7[%get3A_23, %get3A_24] {strides = array<i32>} : memref<1x128xi32, #tpu.memory_space<vmem>>, vector<1x16xi32>,
      %get3A_26 = vector.shape_cast %get3A_25 : vector<1x16xi32> to vector<16xi32>
      %sub3A = vector.broadcast %mul3A_0 : i32 to vector<16xi32>
      %sub3A_27 = arith.subi %get3A_26, %sub3A : vector<16xi32>
      %ge3A = arith.constant 0 : i32
      %ge3A_28 = vector.broadcast %ge3A : i32 to vector<16xi32>
      %ge3A_29 = arith.cmpi sge, %sub3A_27, %ge3A_28 : vector<16xi32>
      %lt3A_30 = arith.constant 5056 : i32
      %lt3A_31 = vector.broadcast %lt3A_30 : i32 to vector<16xi32>
      %lt3A_32 = arith.cmpi slt, %sub3A_27, %lt3A_31 : vector<16xi32>
      %and3A = arith.andi %ge3A_29, %lt3A_32 : vector<16xi1>
      %jit3A = arith.constant 5056 : i32
      %broadcast_in_dim3A = vector.broadcast %jit3A : i32 to vector<16xi32>
      %select_n3A = arith.select %and3A, %sub3A_27, %broadcast_in_dim3A : vector<16xi1>, vector<16xi32>
      %swap3A = arith.constant 0 : i32
      %swap3A_33 = arith.index_cast %swap3A : i32 to index
      %swap3A_34 = arith.constant 0 : index
      %swap3A_35 = tpu.vector_load %arg8[%swap3A_33, %swap3A_34] {strides = array<i32>} : memref<1x128xi32, #tpu.memory_space<vmem>>, vector<1x16xi32>,
      %swap3A_36 = vector.shape_cast %swap3A_35 : vector<1x16xi32> to vector<16xi32>
      %swap3A_37 = vector.shape_cast %select_n3A : vector<16xi32> to vector<1x16xi32>
      tpu.vector_store %arg8[%swap3A_33, %swap3A_34], %swap3A_37 {strides = array<i32>} : memref<1x128xi32, #tpu.memory_space<vmem>>, vector<1x16xi32>,
      %get3A_38 = arith.constant 0 : i32
      %get3A_39 = arith.index_cast %get3A_38 : i32 to index
      %get3A_40 = arith.constant 16 : index
      %get3A_41 = tpu.vector_load %arg7[%get3A_39, %get3A_40] {strides = array<i32>} : memref<1x128xi32, #tpu.memory_space<vmem>>, vector<1x16xi32>,
      %get3A_42 = vector.shape_cast %get3A_41 : vector<1x16xi32> to vector<16xi32>
      %sub3A_43 = vector.broadcast %mul3A_0 : i32 to vector<16xi32>
      %sub3A_44 = arith.subi %get3A_42, %sub3A_43 : vector<16xi32>
      %ge3A_45 = arith.constant 0 : i32
      %ge3A_46 = vector.broadcast %ge3A_45 : i32 to vector<16xi32>
      %ge3A_47 = arith.cmpi sge, %sub3A_44, %ge3A_46 : vector<16xi32>
      %lt3A_48 = arith.constant 5056 : i32
      %lt3A_49 = vector.broadcast %lt3A_48 : i32 to vector<16xi32>
      %lt3A_50 = arith.cmpi slt, %sub3A_44, %lt3A_49 : vector<16xi32>
      %and3A_51 = arith.andi %ge3A_47, %lt3A_50 : vector<16xi1>
      %jit3A_52 = arith.constant 5056 : i32
      %broadcast_in_dim3A_53 = vector.broadcast %jit3A_52 : i32 to vector<16xi32>
      %select_n3A_54 = arith.select %and3A_51, %sub3A_44, %broadcast_in_dim3A_53 : vector<16xi1>, vector<16xi32>
      %swap3A_55 = arith.constant 0 : i32
      %swap3A_56 = arith.index_cast %swap3A_55 : i32 to index
      %swap3A_57 = arith.constant 16 : index
      %swap3A_58 = tpu.vector_load %arg8[%swap3A_56, %swap3A_57] {strides = array<i32>} : memref<1x128xi32, #tpu.memory_space<vmem>>, vector<1x16xi32>,
      %swap3A_59 = vector.shape_cast %swap3A_58 : vector<1x16xi32> to vector<16xi32>
      %swap3A_60 = vector.shape_cast %select_n3A_54 : vector<16xi32> to vector<1x16xi32>
      tpu.vector_store %arg8[%swap3A_56, %swap3A_57], %swap3A_60 {strides = array<i32>} : memref<1x128xi32, #tpu.memory_space<vmem>>, vector<1x16xi32>,
      %get3A_61 = arith.constant 0 : i32
      %get3A_62 = arith.index_cast %get3A_61 : i32 to index
      %get3A_63 = arith.constant 32 : index
      %get3A_64 = tpu.vector_load %arg7[%get3A_62, %get3A_63] {strides = array<i32>} : memref<1x128xi32, #tpu.memory_space<vmem>>, vector<1x16xi32>,
      %get3A_65 = vector.shape_cast %get3A_64 : vector<1x16xi32> to vector<16xi32>
      %sub3A_66 = vector.broadcast %mul3A_0 : i32 to vector<16xi32>
      %sub3A_67 = arith.subi %get3A_65, %sub3A_66 : vector<16xi32>
      %ge3A_68 = arith.constant 0 : i32
      %ge3A_69 = vector.broadcast %ge3A_68 : i32 to vector<16xi32>
      %ge3A_70 = arith.cmpi sge, %sub3A_67, %ge3A_69 : vector<16xi32>
      %lt3A_71 = arith.constant 5056 : i32
      %lt3A_72 = vector.broadcast %lt3A_71 : i32 to vector<16xi32>
      %lt3A_73 = arith.cmpi slt, %sub3A_67, %lt3A_72 : vector<16xi32>
      %and3A_74 = arith.andi %ge3A_70, %lt3A_73 : vector<16xi1>
      %jit3A_75 = arith.constant 5056 : i32
      %broadcast_in_dim3A_76 = vector.broadcast %jit3A_75 : i32 to vector<16xi32>
      %select_n3A_77 = arith.select %and3A_74, %sub3A_67, %broadcast_in_dim3A_76 : vector<16xi1>, vector<16xi32>
      %swap3A_78 = arith.constant 0 : i32
      %swap3A_79 = arith.index_cast %swap3A_78 : i32 to index
      %swap3A_80 = arith.constant 32 : index
      %swap3A_81 = tpu.vector_load %arg8[%swap3A_79, %swap3A_80] {strides = array<i32>} : memref<1x128xi32, #tpu.memory_space<vmem>>, vector<1x16xi32>,
      %swap3A_82 = vector.shape_cast %swap3A_81 : vector<1x16xi32> to vector<16xi32>
      %swap3A_83 = vector.shape_cast %select_n3A_77 : vector<16xi32> to vector<1x16xi32>
      tpu.vector_store %arg8[%swap3A_79, %swap3A_80], %swap3A_83 {strides = array<i32>} : memref<1x128xi32, #tpu.memory_space<vmem>>, vector<1x16xi32>,
      %get3A_84 = arith.constant 0 : i32
      %get3A_85 = arith.index_cast %get3A_84 : i32 to index
      %get3A_86 = arith.constant 48 : index
      %get3A_87 = tpu.vector_load %arg7[%get3A_85, %get3A_86] {strides = array<i32>} : memref<1x128xi32, #tpu.memory_space<vmem>>, vector<1x16xi32>,
      %get3A_88 = vector.shape_cast %get3A_87 : vector<1x16xi32> to vector<16xi32>
      %sub3A_89 = vector.broadcast %mul3A_0 : i32 to vector<16xi32>
      %sub3A_90 = arith.subi %get3A_88, %sub3A_89 : vector<16xi32>
      %ge3A_91 = arith.constant 0 : i32
      %ge3A_92 = vector.broadcast %ge3A_91 : i32 to vector<16xi32>
      %ge3A_93 = arith.cmpi sge, %sub3A_90, %ge3A_92 : vector<16xi32>
      %lt3A_94 = arith.constant 5056 : i32
      %lt3A_95 = vector.broadcast %lt3A_94 : i32 to vector<16xi32>
      %lt3A_96 = arith.cmpi slt, %sub3A_90, %lt3A_95 : vector<16xi32>
      %and3A_97 = arith.andi %ge3A_93, %lt3A_96 : vector<16xi1>
      %jit3A_98 = arith.constant 5056 : i32
      %broadcast_in_dim3A_99 = vector.broadcast %jit3A_98 : i32 to vector<16xi32>
      %select_n3A_100 = arith.select %and3A_97, %sub3A_90, %broadcast_in_dim3A_99 : vector<16xi1>, vector<16xi32>
      %swap3A_101 = arith.constant 0 : i32
      %swap3A_102 = arith.index_cast %swap3A_101 : i32 to index
      %swap3A_103 = arith.constant 48 : index
      %swap3A_104 = tpu.vector_load %arg8[%swap3A_102, %swap3A_103] {strides = array<i32>} : memref<1x128xi32, #tpu.memory_space<vmem>>, vector<1x16xi32>,
      %swap3A_105 = vector.shape_cast %swap3A_104 : vector<1x16xi32> to vector<16xi32>
      %swap3A_106 = vector.shape_cast %select_n3A_100 : vector<16xi32> to vector<1x16xi32>
      tpu.vector_store %arg8[%swap3A_102, %swap3A_103], %swap3A_106 {strides = array<i32>} : memref<1x128xi32, #tpu.memory_space<vmem>>, vector<1x16xi32>,
      %get3A_107 = arith.constant 0 : i32
      %get3A_108 = arith.index_cast %get3A_107 : i32 to index
      %get3A_109 = arith.constant 64 : index
      %get3A_110 = tpu.vector_load %arg7[%get3A_108, %get3A_109] {strides = array<i32>} : memref<1x128xi32, #tpu.memory_space<vmem>>, vector<1x16xi32>,
      %get3A_111 = vector.shape_cast %get3A_110 : vector<1x16xi32> to vector<16xi32>
      %sub3A_112 = vector.broadcast %mul3A_0 : i32 to vector<16xi32>
      %sub3A_113 = arith.subi %get3A_111, %sub3A_112 : vector<16xi32>
      %ge3A_114 = arith.constant 0 : i32
      %ge3A_115 = vector.broadcast %ge3A_114 : i32 to vector<16xi32>
      %ge3A_116 = arith.cmpi sge, %sub3A_113, %ge3A_115 : vector<16xi32>
      %lt3A_117 = arith.constant 5056 : i32
      %lt3A_118 = vector.broadcast %lt3A_117 : i32 to vector<16xi32>
      %lt3A_119 = arith.cmpi slt, %sub3A_113, %lt3A_118 : vector<16xi32>
      %and3A_120 = arith.andi %ge3A_116, %lt3A_119 : vector<16xi1>
      %jit3A_121 = arith.constant 5056 : i32
      %broadcast_in_dim3A_122 = vector.broadcast %jit3A_121 : i32 to vector<16xi32>
      %select_n3A_123 = arith.select %and3A_120, %sub3A_113, %broadcast_in_dim3A_122 : vector<16xi1>, vector<16xi32>
      %swap3A_124 = arith.constant 0 : i32
      %swap3A_125 = arith.index_cast %swap3A_124 : i32 to index
      %swap3A_126 = arith.constant 64 : index
      %swap3A_127 = tpu.vector_load %arg8[%swap3A_125, %swap3A_126] {strides = array<i32>} : memref<1x128xi32, #tpu.memory_space<vmem>>, vector<1x16xi32>,
      %swap3A_128 = vector.shape_cast %swap3A_127 : vector<1x16xi32> to vector<16xi32>
      %swap3A_129 = vector.shape_cast %select_n3A_123 : vector<16xi32> to vector<1x16xi32>
      tpu.vector_store %arg8[%swap3A_125, %swap3A_126], %swap3A_129 {strides = array<i32>} : memref<1x128xi32, #tpu.memory_space<vmem>>, vector<1x16xi32>,
      %get3A_130 = arith.constant 0 : i32
      %get3A_131 = arith.index_cast %get3A_130 : i32 to index
      %get3A_132 = arith.constant 80 : index
      %get3A_133 = tpu.vector_load %arg7[%get3A_131, %get3A_132] {strides = array<i32>} : memref<1x128xi32, #tpu.memory_space<vmem>>, vector<1x16xi32>,
      %get3A_134 = vector.shape_cast %get3A_133 : vector<1x16xi32> to vector<16xi32>
      %sub3A_135 = vector.broadcast %mul3A_0 : i32 to vector<16xi32>
      %sub3A_136 = arith.subi %get3A_134, %sub3A_135 : vector<16xi32>
      %ge3A_137 = arith.constant 0 : i32
      %ge3A_138 = vector.broadcast %ge3A_137 : i32 to vector<16xi32>
      %ge3A_139 = arith.cmpi sge, %sub3A_136, %ge3A_138 : vector<16xi32>
      %lt3A_140 = arith.constant 5056 : i32
      %lt3A_141 = vector.broadcast %lt3A_140 : i32 to vector<16xi32>
      %lt3A_142 = arith.cmpi slt, %sub3A_136, %lt3A_141 : vector<16xi32>
      %and3A_143 = arith.andi %ge3A_139, %lt3A_142 : vector<16xi1>
      %jit3A_144 = arith.constant 5056 : i32
      %broadcast_in_dim3A_145 = vector.broadcast %jit3A_144 : i32 to vector<16xi32>
      %select_n3A_146 = arith.select %and3A_143, %sub3A_136, %broadcast_in_dim3A_145 : vector<16xi1>, vector<16xi32>
      %swap3A_147 = arith.constant 0 : i32
      %swap3A_148 = arith.index_cast %swap3A_147 : i32 to index
      %swap3A_149 = arith.constant 80 : index
      %swap3A_150 = tpu.vector_load %arg8[%swap3A_148, %swap3A_149] {strides = array<i32>} : memref<1x128xi32, #tpu.memory_space<vmem>>, vector<1x16xi32>,
      %swap3A_151 = vector.shape_cast %swap3A_150 : vector<1x16xi32> to vector<16xi32>
      %swap3A_152 = vector.shape_cast %select_n3A_146 : vector<16xi32> to vector<1x16xi32>
      tpu.vector_store %arg8[%swap3A_148, %swap3A_149], %swap3A_152 {strides = array<i32>} : memref<1x128xi32, #tpu.memory_space<vmem>>, vector<1x16xi32>,
      %get3A_153 = arith.constant 0 : i32
      %get3A_154 = arith.index_cast %get3A_153 : i32 to index
      %get3A_155 = arith.constant 96 : index
      %get3A_156 = tpu.vector_load %arg7[%get3A_154, %get3A_155] {strides = array<i32>} : memref<1x128xi32, #tpu.memory_space<vmem>>, vector<1x16xi32>,
      %get3A_157 = vector.shape_cast %get3A_156 : vector<1x16xi32> to vector<16xi32>
      %sub3A_158 = vector.broadcast %mul3A_0 : i32 to vector<16xi32>
      %sub3A_159 = arith.subi %get3A_157, %sub3A_158 : vector<16xi32>
      %ge3A_160 = arith.constant 0 : i32
      %ge3A_161 = vector.broadcast %ge3A_160 : i32 to vector<16xi32>
      %ge3A_162 = arith.cmpi sge, %sub3A_159, %ge3A_161 : vector<16xi32>
      %lt3A_163 = arith.constant 5056 : i32
      %lt3A_164 = vector.broadcast %lt3A_163 : i32 to vector<16xi32>
      %lt3A_165 = arith.cmpi slt, %sub3A_159, %lt3A_164 : vector<16xi32>
      %and3A_166 = arith.andi %ge3A_162, %lt3A_165 : vector<16xi1>
      %jit3A_167 = arith.constant 5056 : i32
      %broadcast_in_dim3A_168 = vector.broadcast %jit3A_167 : i32 to vector<16xi32>
      %select_n3A_169 = arith.select %and3A_166, %sub3A_159, %broadcast_in_dim3A_168 : vector<16xi1>, vector<16xi32>
      %swap3A_170 = arith.constant 0 : i32
      %swap3A_171 = arith.index_cast %swap3A_170 : i32 to index
      %swap3A_172 = arith.constant 96 : index
      %swap3A_173 = tpu.vector_load %arg8[%swap3A_171, %swap3A_172] {strides = array<i32>} : memref<1x128xi32, #tpu.memory_space<vmem>>, vector<1x16xi32>,
      %swap3A_174 = vector.shape_cast %swap3A_173 : vector<1x16xi32> to vector<16xi32>
      %swap3A_175 = vector.shape_cast %select_n3A_169 : vector<16xi32> to vector<1x16xi32>
      tpu.vector_store %arg8[%swap3A_171, %swap3A_172], %swap3A_175 {strides = array<i32>} : memref<1x128xi32, #tpu.memory_space<vmem>>, vector<1x16xi32>,
      %get3A_176 = arith.constant 0 : i32
      %get3A_177 = arith.index_cast %get3A_176 : i32 to index
      %get3A_178 = arith.constant 112 : index
      %get3A_179 = tpu.vector_load %arg7[%get3A_177, %get3A_178] {strides = array<i32>} : memref<1x128xi32, #tpu.memory_space<vmem>>, vector<1x16xi32>,
      %get3A_180 = vector.shape_cast %get3A_179 : vector<1x16xi32> to vector<16xi32>
      %sub3A_181 = vector.broadcast %mul3A_0 : i32 to vector<16xi32>
      %sub3A_182 = arith.subi %get3A_180, %sub3A_181 : vector<16xi32>
      %ge3A_183 = arith.constant 0 : i32
      %ge3A_184 = vector.broadcast %ge3A_183 : i32 to vector<16xi32>
      %ge3A_185 = arith.cmpi sge, %sub3A_182, %ge3A_184 : vector<16xi32>
      %lt3A_186 = arith.constant 5056 : i32
      %lt3A_187 = vector.broadcast %lt3A_186 : i32 to vector<16xi32>
      %lt3A_188 = arith.cmpi slt, %sub3A_182, %lt3A_187 : vector<16xi32>
      %and3A_189 = arith.andi %ge3A_185, %lt3A_188 : vector<16xi1>
      %jit3A_190 = arith.constant 5056 : i32
      %broadcast_in_dim3A_191 = vector.broadcast %jit3A_190 : i32 to vector<16xi32>
      %select_n3A_192 = arith.select %and3A_189, %sub3A_182, %broadcast_in_dim3A_191 : vector<16xi1>, vector<16xi32>
      %swap3A_193 = arith.constant 0 : i32
      %swap3A_194 = arith.index_cast %swap3A_193 : i32 to index
      %swap3A_195 = arith.constant 112 : index
      %swap3A_196 = tpu.vector_load %arg8[%swap3A_194, %swap3A_195] {strides = array<i32>} : memref<1x128xi32, #tpu.memory_space<vmem>>, vector<1x16xi32>,
      %swap3A_197 = vector.shape_cast %swap3A_196 : vector<1x16xi32> to vector<16xi32>
      %swap3A_198 = vector.shape_cast %select_n3A_192 : vector<16xi32> to vector<1x16xi32>
      tpu.vector_store %arg8[%swap3A_194, %swap3A_195], %swap3A_198 {strides = array<i32>} : memref<1x128xi32, #tpu.memory_space<vmem>>, vector<1x16xi32>,
      %dma_start3A = arith.constant 0 : i32
      %dma_start3A_199 = arith.constant 0 : i32
      %dma_start3A_200 = tpu.memref_slice %arg6[%dma_start3A, %dma_start3A_199] : memref<1x128xi32, #tpu.memory_space<vmem>> -> memref<1x128xi32, #tpu.memory_space<vmem>>
      %dma_start3A_201 = tpu.memref_squeeze %dma_start3A_200 : memref<1x128xi32, #tpu.memory_space<vmem>> -> memref<128xi32, #tpu.memory_space<vmem>>
      %dma_start3A_202 = arith.constant 0 : i32
      %dma_start3A_203 = arith.constant 0 : i32
      %dma_start3A_204 = tpu.memref_slice %arg2[%dma_start3A_202, %dma_start3A_203] : memref<10112x128xf32, #tpu.memory_space<hbm>> -> memref<10112x128xf32, #tpu.memory_space<hbm>>
      tpu.enqueue_indirect_dma source(%dma_start3A_204 : memref<10112x128xf32, #tpu.memory_space<hbm>>) target(%arg9 : memref<128x128xf32, #tpu.memory_space<vmem>>) offsets(%dma_start3A_201 : memref<128xi32, #tpu.memory_space<vmem>>) semaphore(%arg12 : memref<!tpu.dma_semaphore, #tpu.memory_space<semaphore_mem>>)
      %dma_wait3A = arith.constant 0 : i32
      %dma_wait3A_205 = arith.constant 0 : i32
      %dma_wait3A_206 = tpu.memref_slice %arg6[%dma_wait3A, %dma_wait3A_205] : memref<1x128xi32, #tpu.memory_space<vmem>> -> memref<1x128xi32, #tpu.memory_space<vmem>>
      %dma_wait3A_207 = tpu.memref_squeeze %dma_wait3A_206 : memref<1x128xi32, #tpu.memory_space<vmem>> -> memref<128xi32, #tpu.memory_space<vmem>>
      %dma_wait3A_208 = arith.constant 0 : i32
      %dma_wait3A_209 = arith.constant 0 : i32
      %dma_wait3A_210 = tpu.memref_slice %arg2[%dma_wait3A_208, %dma_wait3A_209] : memref<10112x128xf32, #tpu.memory_space<hbm>> -> memref<10112x128xf32, #tpu.memory_space<hbm>>
      tpu.wait_indirect_dma semaphore(%arg12 : memref<!tpu.dma_semaphore, #tpu.memory_space<semaphore_mem>>) src(%dma_wait3A_210 : memref<10112x128xf32, #tpu.memory_space<hbm>>) dst(%arg9 : memref<128x128xf32, #tpu.memory_space<vmem>>)
      %run_scoped3A = arith.constant 0 : i32
      "tpu.region"() ({
        %run_scoped3A_212 = tpu.sem_alloc : memref<!tpu.dma_semaphore, #tpu.memory_space<semaphore_mem>>
        %dma_start3A_213 = arith.constant 0 : i32
        %dma_start3A_214 = tpu.memref_slice %arg8[%run_scoped3A, %dma_start3A_213] : memref<1x128xi32, #tpu.memory_space<vmem>> -> memref<1x128xi32, #tpu.memory_space<vmem>>
        %dma_start3A_215 = tpu.memref_squeeze %dma_start3A_214 : memref<1x128xi32, #tpu.memory_space<vmem>> -> memref<128xi32, #tpu.memory_space<vmem>>
        %dma_start3A_216 = arith.constant 0 : i32
        %dma_start3A_217 = arith.constant 0 : i32
        %dma_start3A_218 = tpu.memref_slice %arg11[%dma_start3A_216, %dma_start3A_217] : memref<5120x128xf32, #tpu.memory_space<vmem_shared>> -> memref<5120x128xf32, #tpu.memory_space<vmem_shared>>
        tpu.enqueue_indirect_dma source(%arg9 : memref<128x128xf32, #tpu.memory_space<vmem>>) target(%dma_start3A_218 : memref<5120x128xf32, #tpu.memory_space<vmem_shared>>) offsets(%dma_start3A_215 : memref<128xi32, #tpu.memory_space<vmem>>) semaphore(%run_scoped3A_212 : memref<!tpu.dma_semaphore, #tpu.memory_space<semaphore_mem>>) {add = true}
        %dma_wait3A_219 = arith.constant 0 : i32
        %dma_wait3A_220 = tpu.memref_slice %arg8[%run_scoped3A, %dma_wait3A_219] : memref<1x128xi32, #tpu.memory_space<vmem>> -> memref<1x128xi32, #tpu.memory_space<vmem>>
        %dma_wait3A_221 = tpu.memref_squeeze %dma_wait3A_220 : memref<1x128xi32, #tpu.memory_space<vmem>> -> memref<128xi32, #tpu.memory_space<vmem>>
        %dma_wait3A_222 = arith.constant 0 : i32
        %dma_wait3A_223 = arith.constant 0 : i32
        %dma_wait3A_224 = tpu.memref_slice %arg11[%dma_wait3A_222, %dma_wait3A_223] : memref<5120x128xf32, #tpu.memory_space<vmem_shared>> -> memref<5120x128xf32, #tpu.memory_space<vmem_shared>>
        tpu.wait_indirect_dma semaphore(%run_scoped3A_212 : memref<!tpu.dma_semaphore, #tpu.memory_space<semaphore_mem>>) src(%arg9 : memref<128x128xf32, #tpu.memory_space<vmem>>) dst(%dma_wait3A_224 : memref<5120x128xf32, #tpu.memory_space<vmem_shared>>)
        tpu.yield
      }) : () -> ()
      %scan3A_211 = arith.constant 0 : i32
      scf.yield %scan3A_211 : i32
    }
    %scan3A_15 = arith.constant 158 : i32
    %barrier3A_16 = arith.constant 0 : index
    tpu.barrier barrier_id(%barrier3A_16)
    %lt3A = arith.constant 8 : i32
    %lt3A_17 = arith.cmpi slt, %arg1, %lt3A : i32
    %convert_element_type3A = arith.extui %lt3A_17 : i1 to i32
    %cond3A = arith.constant 0 : i32
    %cond3A_18 = arith.cmpi ne, %convert_element_type3A, %cond3A : i32
    scf.if %cond3A_18 {
      %mul3A_19 = arith.constant 632 : i32
      %mul3A_20 = arith.muli %arg1, %mul3A_19 : i32
      %mul3A_21 = arith.constant 632 : i32
      %mul3A_22 = arith.muli %arg1, %mul3A_21 : i32
      %add3A = arith.addi %mul3A_0, %mul3A_22 : i32
      "tpu.region"() ({
        %run_scoped3A = tpu.sem_alloc : memref<!tpu.dma_semaphore, #tpu.memory_space<semaphore_mem>>
        %dma_start3A = arith.constant 0 : i32
        %dma_start3A_23 = tpu.memref_slice %arg5[%add3A, %dma_start3A] : memref<10112x128xf32, #tpu.memory_space<hbm>> -> memref<632x128xf32, #tpu.memory_space<hbm>>
        %dma_start3A_24 = arith.constant 0 : i32
        %dma_start3A_25 = tpu.memref_slice %arg11[%mul3A_20, %dma_start3A_24] : memref<5120x128xf32, #tpu.memory_space<vmem_shared>> -> memref<632x128xf32, #tpu.memory_space<vmem_shared>>
        tpu.enqueue_dma source(%dma_start3A_25 : memref<632x128xf32, #tpu.memory_space<vmem_shared>>) target(%dma_start3A_23 : memref<632x128xf32, #tpu.memory_space<hbm>>) target_semaphore(%run_scoped3A : memref<!tpu.dma_semaphore, #tpu.memory_space<semaphore_mem>>)
        %dma_wait3A = arith.constant 0 : i32
        %dma_wait3A_26 = tpu.memref_slice %arg5[%add3A, %dma_wait3A] : memref<10112x128xf32, #tpu.memory_space<hbm>> -> memref<632x128xf32, #tpu.memory_space<hbm>>
        %dma_wait3A_27 = arith.constant 0 : i32
        %dma_wait3A_28 = tpu.memref_slice %arg11[%mul3A_20, %dma_wait3A_27] : memref<5120x128xf32, #tpu.memory_space<vmem_shared>> -> memref<632x128xf32, #tpu.memory_space<vmem_shared>>
        tpu.wait_dma2 semaphore(%run_scoped3A : memref<!tpu.dma_semaphore, #tpu.memory_space<semaphore_mem>>) src(%dma_wait3A_28 : memref<632x128xf32, #tpu.memory_space<vmem_shared>>) dst(%dma_wait3A_26 : memref<632x128xf32, #tpu.memory_space<hbm>>)
        tpu.yield
      }) : () -> ()
    } else {
    }
    return
  }
}

#map = affine_map<(d0, d1) -> (0, 0)>
#map1 = affine_map<(d0, d1) -> (0, 0, 0)>
module attributes {stable_mosaic.version = 14 : i64} {
  func.func @_sc_agg(%arg0: i32, %arg1: i32, %arg2: memref<10112x128xf32, #tpu.memory_space<hbm>>, %arg3: memref<2528x1x128xi32, #tpu.memory_space<hbm>>, %arg4: memref<2528x1x128xi32, #tpu.memory_space<hbm>>, %arg5: memref<10112x128xf32, #tpu.memory_space<hbm>>, %arg6: memref<1x128xi32, #tpu.memory_space<vmem>>, %arg7: memref<1x128xi32, #tpu.memory_space<vmem>>, %arg8: memref<1x128xi32, #tpu.memory_space<vmem>>, %arg9: memref<128x128xf32, #tpu.memory_space<vmem>>, %arg10: memref<320x128xf32, #tpu.memory_space<vmem>>, %arg11: memref<5120x128xf32, #tpu.memory_space<vmem_shared>>, %arg12: memref<!tpu.dma_semaphore, #tpu.memory_space<semaphore_mem>>) attributes {dimension_semantics = [#tpu.dimension_semantics<core_parallel>, #tpu.dimension_semantics<subcore_parallel>], iteration_bounds = array<i64: 2, 16>, scalar_prefetch = 0 : i64, scratch_operands = 7 : i64, tpu.core_type = #tpu.core_type<sc_vector_subcore>, window_params = [{transform_indices = #map}, {transform_indices = #map1}, {transform_indices = #map1}, {transform_indices = #map}]} {
    %mul3A = arith.constant 5056 : i32
    %mul3A_0 = arith.muli %arg0, %mul3A : i32
    %scan3A = arith.constant 0 : i32
    %scan3A_1 = arith.constant 0 : i32
    %scan3A_2 = arith.constant 320 : i32
    %scan3A_3 = arith.addi %scan3A_1, %scan3A_2 : i32
    %scan3A_4 = arith.constant 1 : i32
    %scan3A_5 = scf.for %scan3A_19 = %scan3A_1 to %scan3A_3 step %scan3A_4 iter_args(%scan3A_20 = %scan3A) -> (i32)  : i32 {
      %broadcast_in_dim3A = arith.constant 0.000000e+00 : f32
      %broadcast_in_dim3A_21 = vector.broadcast %broadcast_in_dim3A : f32 to vector<16xf32>
      %swap3A = arith.index_cast %scan3A_19 : i32 to index
      %swap3A_22 = arith.constant 0 : index
      %swap3A_23 = tpu.vector_load %arg10[%swap3A, %swap3A_22] {strides = array<i32>} : memref<320x128xf32, #tpu.memory_space<vmem>>, vector<1x16xf32>,
      %swap3A_24 = vector.shape_cast %swap3A_23 : vector<1x16xf32> to vector<16xf32>
      %swap3A_25 = vector.shape_cast %broadcast_in_dim3A_21 : vector<16xf32> to vector<1x16xf32>
      tpu.vector_store %arg10[%swap3A, %swap3A_22], %swap3A_25 {strides = array<i32>} : memref<320x128xf32, #tpu.memory_space<vmem>>, vector<1x16xf32>,
      %broadcast_in_dim3A_26 = arith.constant 0.000000e+00 : f32
      %broadcast_in_dim3A_27 = vector.broadcast %broadcast_in_dim3A_26 : f32 to vector<16xf32>
      %swap3A_28 = arith.index_cast %scan3A_19 : i32 to index
      %swap3A_29 = arith.constant 16 : index
      %swap3A_30 = tpu.vector_load %arg10[%swap3A_28, %swap3A_29] {strides = array<i32>} : memref<320x128xf32, #tpu.memory_space<vmem>>, vector<1x16xf32>,
      %swap3A_31 = vector.shape_cast %swap3A_30 : vector<1x16xf32> to vector<16xf32>
      %swap3A_32 = vector.shape_cast %broadcast_in_dim3A_27 : vector<16xf32> to vector<1x16xf32>
      tpu.vector_store %arg10[%swap3A_28, %swap3A_29], %swap3A_32 {strides = array<i32>} : memref<320x128xf32, #tpu.memory_space<vmem>>, vector<1x16xf32>,
      %broadcast_in_dim3A_33 = arith.constant 0.000000e+00 : f32
      %broadcast_in_dim3A_34 = vector.broadcast %broadcast_in_dim3A_33 : f32 to vector<16xf32>
      %swap3A_35 = arith.index_cast %scan3A_19 : i32 to index
      %swap3A_36 = arith.constant 32 : index
      %swap3A_37 = tpu.vector_load %arg10[%swap3A_35, %swap3A_36] {strides = array<i32>} : memref<320x128xf32, #tpu.memory_space<vmem>>, vector<1x16xf32>,
      %swap3A_38 = vector.shape_cast %swap3A_37 : vector<1x16xf32> to vector<16xf32>
      %swap3A_39 = vector.shape_cast %broadcast_in_dim3A_34 : vector<16xf32> to vector<1x16xf32>
      tpu.vector_store %arg10[%swap3A_35, %swap3A_36], %swap3A_39 {strides = array<i32>} : memref<320x128xf32, #tpu.memory_space<vmem>>, vector<1x16xf32>,
      %broadcast_in_dim3A_40 = arith.constant 0.000000e+00 : f32
      %broadcast_in_dim3A_41 = vector.broadcast %broadcast_in_dim3A_40 : f32 to vector<16xf32>
      %swap3A_42 = arith.index_cast %scan3A_19 : i32 to index
      %swap3A_43 = arith.constant 48 : index
      %swap3A_44 = tpu.vector_load %arg10[%swap3A_42, %swap3A_43] {strides = array<i32>} : memref<320x128xf32, #tpu.memory_space<vmem>>, vector<1x16xf32>,
      %swap3A_45 = vector.shape_cast %swap3A_44 : vector<1x16xf32> to vector<16xf32>
      %swap3A_46 = vector.shape_cast %broadcast_in_dim3A_41 : vector<16xf32> to vector<1x16xf32>
      tpu.vector_store %arg10[%swap3A_42, %swap3A_43], %swap3A_46 {strides = array<i32>} : memref<320x128xf32, #tpu.memory_space<vmem>>, vector<1x16xf32>,
      %broadcast_in_dim3A_47 = arith.constant 0.000000e+00 : f32
      %broadcast_in_dim3A_48 = vector.broadcast %broadcast_in_dim3A_47 : f32 to vector<16xf32>
      %swap3A_49 = arith.index_cast %scan3A_19 : i32 to index
      %swap3A_50 = arith.constant 64 : index
      %swap3A_51 = tpu.vector_load %arg10[%swap3A_49, %swap3A_50] {strides = array<i32>} : memref<320x128xf32, #tpu.memory_space<vmem>>, vector<1x16xf32>,
      %swap3A_52 = vector.shape_cast %swap3A_51 : vector<1x16xf32> to vector<16xf32>
      %swap3A_53 = vector.shape_cast %broadcast_in_dim3A_48 : vector<16xf32> to vector<1x16xf32>
      tpu.vector_store %arg10[%swap3A_49, %swap3A_50], %swap3A_53 {strides = array<i32>} : memref<320x128xf32, #tpu.memory_space<vmem>>, vector<1x16xf32>,
      %broadcast_in_dim3A_54 = arith.constant 0.000000e+00 : f32
      %broadcast_in_dim3A_55 = vector.broadcast %broadcast_in_dim3A_54 : f32 to vector<16xf32>
      %swap3A_56 = arith.index_cast %scan3A_19 : i32 to index
      %swap3A_57 = arith.constant 80 : index
      %swap3A_58 = tpu.vector_load %arg10[%swap3A_56, %swap3A_57] {strides = array<i32>} : memref<320x128xf32, #tpu.memory_space<vmem>>, vector<1x16xf32>,
      %swap3A_59 = vector.shape_cast %swap3A_58 : vector<1x16xf32> to vector<16xf32>
      %swap3A_60 = vector.shape_cast %broadcast_in_dim3A_55 : vector<16xf32> to vector<1x16xf32>
      tpu.vector_store %arg10[%swap3A_56, %swap3A_57], %swap3A_60 {strides = array<i32>} : memref<320x128xf32, #tpu.memory_space<vmem>>, vector<1x16xf32>,
      %broadcast_in_dim3A_61 = arith.constant 0.000000e+00 : f32
      %broadcast_in_dim3A_62 = vector.broadcast %broadcast_in_dim3A_61 : f32 to vector<16xf32>
      %swap3A_63 = arith.index_cast %scan3A_19 : i32 to index
      %swap3A_64 = arith.constant 96 : index
      %swap3A_65 = tpu.vector_load %arg10[%swap3A_63, %swap3A_64] {strides = array<i32>} : memref<320x128xf32, #tpu.memory_space<vmem>>, vector<1x16xf32>,
      %swap3A_66 = vector.shape_cast %swap3A_65 : vector<1x16xf32> to vector<16xf32>
      %swap3A_67 = vector.shape_cast %broadcast_in_dim3A_62 : vector<16xf32> to vector<1x16xf32>
      tpu.vector_store %arg10[%swap3A_63, %swap3A_64], %swap3A_67 {strides = array<i32>} : memref<320x128xf32, #tpu.memory_space<vmem>>, vector<1x16xf32>,
      %broadcast_in_dim3A_68 = arith.constant 0.000000e+00 : f32
      %broadcast_in_dim3A_69 = vector.broadcast %broadcast_in_dim3A_68 : f32 to vector<16xf32>
      %swap3A_70 = arith.index_cast %scan3A_19 : i32 to index
      %swap3A_71 = arith.constant 112 : index
      %swap3A_72 = tpu.vector_load %arg10[%swap3A_70, %swap3A_71] {strides = array<i32>} : memref<320x128xf32, #tpu.memory_space<vmem>>, vector<1x16xf32>,
      %swap3A_73 = vector.shape_cast %swap3A_72 : vector<1x16xf32> to vector<16xf32>
      %swap3A_74 = vector.shape_cast %broadcast_in_dim3A_69 : vector<16xf32> to vector<1x16xf32>
      tpu.vector_store %arg10[%swap3A_70, %swap3A_71], %swap3A_74 {strides = array<i32>} : memref<320x128xf32, #tpu.memory_space<vmem>>, vector<1x16xf32>,
      %scan3A_75 = arith.constant 0 : i32
      scf.yield %scan3A_75 : i32
    }
    %scan3A_6 = arith.constant 320 : i32
    %mul3A_7 = arith.constant 320 : i32
    %mul3A_8 = arith.muli %arg1, %mul3A_7 : i32
    "tpu.region"() ({
      %run_scoped3A = tpu.sem_alloc : memref<!tpu.dma_semaphore, #tpu.memory_space<semaphore_mem>>
      %dma_start3A = arith.constant 0 : i32
      %dma_start3A_19 = tpu.memref_slice %arg11[%mul3A_8, %dma_start3A] : memref<5120x128xf32, #tpu.memory_space<vmem_shared>> -> memref<320x128xf32, #tpu.memory_space<vmem_shared>>
      %dma_start3A_20 = arith.constant 0 : i32
      %dma_start3A_21 = tpu.memref_slice %arg11[%mul3A_8, %dma_start3A_20] : memref<5120x128xf32, #tpu.memory_space<vmem_shared>> -> memref<320x128xf32, #tpu.memory_space<vmem_shared>>
      tpu.enqueue_dma source(%arg10 : memref<320x128xf32, #tpu.memory_space<vmem>>) target(%dma_start3A_21 : memref<320x128xf32, #tpu.memory_space<vmem_shared>>) target_semaphore(%run_scoped3A : memref<!tpu.dma_semaphore, #tpu.memory_space<semaphore_mem>>)
      %dma_wait3A = arith.constant 0 : i32
      %dma_wait3A_22 = tpu.memref_slice %arg11[%mul3A_8, %dma_wait3A] : memref<5120x128xf32, #tpu.memory_space<vmem_shared>> -> memref<320x128xf32, #tpu.memory_space<vmem_shared>>
      %dma_wait3A_23 = arith.constant 0 : i32
      %dma_wait3A_24 = tpu.memref_slice %arg11[%mul3A_8, %dma_wait3A_23] : memref<5120x128xf32, #tpu.memory_space<vmem_shared>> -> memref<320x128xf32, #tpu.memory_space<vmem_shared>>
      tpu.wait_dma2 semaphore(%run_scoped3A : memref<!tpu.dma_semaphore, #tpu.memory_space<semaphore_mem>>) src(%arg10 : memref<320x128xf32, #tpu.memory_space<vmem>>) dst(%dma_wait3A_24 : memref<320x128xf32, #tpu.memory_space<vmem_shared>>)
      tpu.yield
    }) : () -> ()
    %barrier3A = arith.constant 0 : index
    tpu.barrier barrier_id(%barrier3A)
    %scan3A_9 = arith.constant 0 : i32
    %scan3A_10 = arith.constant 0 : i32
    %scan3A_11 = arith.constant 158 : i32
    %scan3A_12 = arith.addi %scan3A_10, %scan3A_11 : i32
    %scan3A_13 = arith.constant 1 : i32
    %scan3A_14 = scf.for %scan3A_19 = %scan3A_10 to %scan3A_12 step %scan3A_13 iter_args(%scan3A_20 = %scan3A_9) -> (i32)  : i32 {
      %mul3A_21 = arith.constant 158 : i32
      %mul3A_22 = arith.muli %arg1, %mul3A_21 : i32
      %add3A = arith.addi %mul3A_22, %scan3A_19 : i32
      "tpu.region"() ({
        %run_scoped3A_212 = tpu.sem_alloc : memref<!tpu.dma_semaphore, #tpu.memory_space<semaphore_mem>>
        %dma_start3A_213 = arith.constant 0 : i32
        %dma_start3A_214 = arith.constant 0 : i32
        %dma_start3A_215 = tpu.memref_slice %arg3[%add3A, %dma_start3A_213, %dma_start3A_214] : memref<2528x1x128xi32, #tpu.memory_space<hbm>> -> memref<1x1x128xi32, #tpu.memory_space<hbm>>
        %dma_start3A_216 = tpu.memref_squeeze %dma_start3A_215 : memref<1x1x128xi32, #tpu.memory_space<hbm>> -> memref<1x128xi32, #tpu.memory_space<hbm>>
        %dma_start3A_217 = arith.constant 0 : i32
        %dma_start3A_218 = arith.constant 0 : i32
        %dma_start3A_219 = tpu.memref_slice %arg3[%add3A, %dma_start3A_217, %dma_start3A_218] : memref<2528x1x128xi32, #tpu.memory_space<hbm>> -> memref<1x1x128xi32, #tpu.memory_space<hbm>>
        %dma_start3A_220 = tpu.memref_squeeze %dma_start3A_219 : memref<1x1x128xi32, #tpu.memory_space<hbm>> -> memref<1x128xi32, #tpu.memory_space<hbm>>
        tpu.enqueue_dma source(%dma_start3A_220 : memref<1x128xi32, #tpu.memory_space<hbm>>) target(%arg6 : memref<1x128xi32, #tpu.memory_space<vmem>>) target_semaphore(%run_scoped3A_212 : memref<!tpu.dma_semaphore, #tpu.memory_space<semaphore_mem>>)
        %dma_wait3A_221 = arith.constant 0 : i32
        %dma_wait3A_222 = arith.constant 0 : i32
        %dma_wait3A_223 = tpu.memref_slice %arg3[%add3A, %dma_wait3A_221, %dma_wait3A_222] : memref<2528x1x128xi32, #tpu.memory_space<hbm>> -> memref<1x1x128xi32, #tpu.memory_space<hbm>>
        %dma_wait3A_224 = tpu.memref_squeeze %dma_wait3A_223 : memref<1x1x128xi32, #tpu.memory_space<hbm>> -> memref<1x128xi32, #tpu.memory_space<hbm>>
        %dma_wait3A_225 = arith.constant 0 : i32
        %dma_wait3A_226 = arith.constant 0 : i32
        %dma_wait3A_227 = tpu.memref_slice %arg3[%add3A, %dma_wait3A_225, %dma_wait3A_226] : memref<2528x1x128xi32, #tpu.memory_space<hbm>> -> memref<1x1x128xi32, #tpu.memory_space<hbm>>
        %dma_wait3A_228 = tpu.memref_squeeze %dma_wait3A_227 : memref<1x1x128xi32, #tpu.memory_space<hbm>> -> memref<1x128xi32, #tpu.memory_space<hbm>>
        tpu.wait_dma2 semaphore(%run_scoped3A_212 : memref<!tpu.dma_semaphore, #tpu.memory_space<semaphore_mem>>) src(%dma_wait3A_228 : memref<1x128xi32, #tpu.memory_space<hbm>>) dst(%arg6 : memref<1x128xi32, #tpu.memory_space<vmem>>)
        tpu.yield
      }) : () -> ()
      "tpu.region"() ({
        %run_scoped3A_212 = tpu.sem_alloc : memref<!tpu.dma_semaphore, #tpu.memory_space<semaphore_mem>>
        %dma_start3A_213 = arith.constant 0 : i32
        %dma_start3A_214 = arith.constant 0 : i32
        %dma_start3A_215 = tpu.memref_slice %arg4[%add3A, %dma_start3A_213, %dma_start3A_214] : memref<2528x1x128xi32, #tpu.memory_space<hbm>> -> memref<1x1x128xi32, #tpu.memory_space<hbm>>
        %dma_start3A_216 = tpu.memref_squeeze %dma_start3A_215 : memref<1x1x128xi32, #tpu.memory_space<hbm>> -> memref<1x128xi32, #tpu.memory_space<hbm>>
        %dma_start3A_217 = arith.constant 0 : i32
        %dma_start3A_218 = arith.constant 0 : i32
        %dma_start3A_219 = tpu.memref_slice %arg4[%add3A, %dma_start3A_217, %dma_start3A_218] : memref<2528x1x128xi32, #tpu.memory_space<hbm>> -> memref<1x1x128xi32, #tpu.memory_space<hbm>>
        %dma_start3A_220 = tpu.memref_squeeze %dma_start3A_219 : memref<1x1x128xi32, #tpu.memory_space<hbm>> -> memref<1x128xi32, #tpu.memory_space<hbm>>
        tpu.enqueue_dma source(%dma_start3A_220 : memref<1x128xi32, #tpu.memory_space<hbm>>) target(%arg7 : memref<1x128xi32, #tpu.memory_space<vmem>>) target_semaphore(%run_scoped3A_212 : memref<!tpu.dma_semaphore, #tpu.memory_space<semaphore_mem>>)
        %dma_wait3A_221 = arith.constant 0 : i32
        %dma_wait3A_222 = arith.constant 0 : i32
        %dma_wait3A_223 = tpu.memref_slice %arg4[%add3A, %dma_wait3A_221, %dma_wait3A_222] : memref<2528x1x128xi32, #tpu.memory_space<hbm>> -> memref<1x1x128xi32, #tpu.memory_space<hbm>>
        %dma_wait3A_224 = tpu.memref_squeeze %dma_wait3A_223 : memref<1x1x128xi32, #tpu.memory_space<hbm>> -> memref<1x128xi32, #tpu.memory_space<hbm>>
        %dma_wait3A_225 = arith.constant 0 : i32
        %dma_wait3A_226 = arith.constant 0 : i32
        %dma_wait3A_227 = tpu.memref_slice %arg4[%add3A, %dma_wait3A_225, %dma_wait3A_226] : memref<2528x1x128xi32, #tpu.memory_space<hbm>> -> memref<1x1x128xi32, #tpu.memory_space<hbm>>
        %dma_wait3A_228 = tpu.memref_squeeze %dma_wait3A_227 : memref<1x1x128xi32, #tpu.memory_space<hbm>> -> memref<1x128xi32, #tpu.memory_space<hbm>>
        tpu.wait_dma2 semaphore(%run_scoped3A_212 : memref<!tpu.dma_semaphore, #tpu.memory_space<semaphore_mem>>) src(%dma_wait3A_228 : memref<1x128xi32, #tpu.memory_space<hbm>>) dst(%arg7 : memref<1x128xi32, #tpu.memory_space<vmem>>)
        tpu.yield
      }) : () -> ()
      %get3A = arith.constant 0 : i32
      %get3A_23 = arith.index_cast %get3A : i32 to index
      %get3A_24 = arith.constant 0 : index
      %get3A_25 = tpu.vector_load %arg7[%get3A_23, %get3A_24] {strides = array<i32>} : memref<1x128xi32, #tpu.memory_space<vmem>>, vector<1x16xi32>,
      %get3A_26 = vector.shape_cast %get3A_25 : vector<1x16xi32> to vector<16xi32>
      %sub3A = vector.broadcast %mul3A_0 : i32 to vector<16xi32>
      %sub3A_27 = arith.subi %get3A_26, %sub3A : vector<16xi32>
      %ge3A = arith.constant 0 : i32
      %ge3A_28 = vector.broadcast %ge3A : i32 to vector<16xi32>
      %ge3A_29 = arith.cmpi sge, %sub3A_27, %ge3A_28 : vector<16xi32>
      %lt3A_30 = arith.constant 5056 : i32
      %lt3A_31 = vector.broadcast %lt3A_30 : i32 to vector<16xi32>
      %lt3A_32 = arith.cmpi slt, %sub3A_27, %lt3A_31 : vector<16xi32>
      %and3A = arith.andi %ge3A_29, %lt3A_32 : vector<16xi1>
      %jit3A = arith.constant 5056 : i32
      %broadcast_in_dim3A = vector.broadcast %jit3A : i32 to vector<16xi32>
      %select_n3A = arith.select %and3A, %sub3A_27, %broadcast_in_dim3A : vector<16xi1>, vector<16xi32>
      %swap3A = arith.constant 0 : i32
      %swap3A_33 = arith.index_cast %swap3A : i32 to index
      %swap3A_34 = arith.constant 0 : index
      %swap3A_35 = tpu.vector_load %arg8[%swap3A_33, %swap3A_34] {strides = array<i32>} : memref<1x128xi32, #tpu.memory_space<vmem>>, vector<1x16xi32>,
      %swap3A_36 = vector.shape_cast %swap3A_35 : vector<1x16xi32> to vector<16xi32>
      %swap3A_37 = vector.shape_cast %select_n3A : vector<16xi32> to vector<1x16xi32>
      tpu.vector_store %arg8[%swap3A_33, %swap3A_34], %swap3A_37 {strides = array<i32>} : memref<1x128xi32, #tpu.memory_space<vmem>>, vector<1x16xi32>,
      %get3A_38 = arith.constant 0 : i32
      %get3A_39 = arith.index_cast %get3A_38 : i32 to index
      %get3A_40 = arith.constant 16 : index
      %get3A_41 = tpu.vector_load %arg7[%get3A_39, %get3A_40] {strides = array<i32>} : memref<1x128xi32, #tpu.memory_space<vmem>>, vector<1x16xi32>,
      %get3A_42 = vector.shape_cast %get3A_41 : vector<1x16xi32> to vector<16xi32>
      %sub3A_43 = vector.broadcast %mul3A_0 : i32 to vector<16xi32>
      %sub3A_44 = arith.subi %get3A_42, %sub3A_43 : vector<16xi32>
      %ge3A_45 = arith.constant 0 : i32
      %ge3A_46 = vector.broadcast %ge3A_45 : i32 to vector<16xi32>
      %ge3A_47 = arith.cmpi sge, %sub3A_44, %ge3A_46 : vector<16xi32>
      %lt3A_48 = arith.constant 5056 : i32
      %lt3A_49 = vector.broadcast %lt3A_48 : i32 to vector<16xi32>
      %lt3A_50 = arith.cmpi slt, %sub3A_44, %lt3A_49 : vector<16xi32>
      %and3A_51 = arith.andi %ge3A_47, %lt3A_50 : vector<16xi1>
      %jit3A_52 = arith.constant 5056 : i32
      %broadcast_in_dim3A_53 = vector.broadcast %jit3A_52 : i32 to vector<16xi32>
      %select_n3A_54 = arith.select %and3A_51, %sub3A_44, %broadcast_in_dim3A_53 : vector<16xi1>, vector<16xi32>
      %swap3A_55 = arith.constant 0 : i32
      %swap3A_56 = arith.index_cast %swap3A_55 : i32 to index
      %swap3A_57 = arith.constant 16 : index
      %swap3A_58 = tpu.vector_load %arg8[%swap3A_56, %swap3A_57] {strides = array<i32>} : memref<1x128xi32, #tpu.memory_space<vmem>>, vector<1x16xi32>,
      %swap3A_59 = vector.shape_cast %swap3A_58 : vector<1x16xi32> to vector<16xi32>
      %swap3A_60 = vector.shape_cast %select_n3A_54 : vector<16xi32> to vector<1x16xi32>
      tpu.vector_store %arg8[%swap3A_56, %swap3A_57], %swap3A_60 {strides = array<i32>} : memref<1x128xi32, #tpu.memory_space<vmem>>, vector<1x16xi32>,
      %get3A_61 = arith.constant 0 : i32
      %get3A_62 = arith.index_cast %get3A_61 : i32 to index
      %get3A_63 = arith.constant 32 : index
      %get3A_64 = tpu.vector_load %arg7[%get3A_62, %get3A_63] {strides = array<i32>} : memref<1x128xi32, #tpu.memory_space<vmem>>, vector<1x16xi32>,
      %get3A_65 = vector.shape_cast %get3A_64 : vector<1x16xi32> to vector<16xi32>
      %sub3A_66 = vector.broadcast %mul3A_0 : i32 to vector<16xi32>
      %sub3A_67 = arith.subi %get3A_65, %sub3A_66 : vector<16xi32>
      %ge3A_68 = arith.constant 0 : i32
      %ge3A_69 = vector.broadcast %ge3A_68 : i32 to vector<16xi32>
      %ge3A_70 = arith.cmpi sge, %sub3A_67, %ge3A_69 : vector<16xi32>
      %lt3A_71 = arith.constant 5056 : i32
      %lt3A_72 = vector.broadcast %lt3A_71 : i32 to vector<16xi32>
      %lt3A_73 = arith.cmpi slt, %sub3A_67, %lt3A_72 : vector<16xi32>
      %and3A_74 = arith.andi %ge3A_70, %lt3A_73 : vector<16xi1>
      %jit3A_75 = arith.constant 5056 : i32
      %broadcast_in_dim3A_76 = vector.broadcast %jit3A_75 : i32 to vector<16xi32>
      %select_n3A_77 = arith.select %and3A_74, %sub3A_67, %broadcast_in_dim3A_76 : vector<16xi1>, vector<16xi32>
      %swap3A_78 = arith.constant 0 : i32
      %swap3A_79 = arith.index_cast %swap3A_78 : i32 to index
      %swap3A_80 = arith.constant 32 : index
      %swap3A_81 = tpu.vector_load %arg8[%swap3A_79, %swap3A_80] {strides = array<i32>} : memref<1x128xi32, #tpu.memory_space<vmem>>, vector<1x16xi32>,
      %swap3A_82 = vector.shape_cast %swap3A_81 : vector<1x16xi32> to vector<16xi32>
      %swap3A_83 = vector.shape_cast %select_n3A_77 : vector<16xi32> to vector<1x16xi32>
      tpu.vector_store %arg8[%swap3A_79, %swap3A_80], %swap3A_83 {strides = array<i32>} : memref<1x128xi32, #tpu.memory_space<vmem>>, vector<1x16xi32>,
      %get3A_84 = arith.constant 0 : i32
      %get3A_85 = arith.index_cast %get3A_84 : i32 to index
      %get3A_86 = arith.constant 48 : index
      %get3A_87 = tpu.vector_load %arg7[%get3A_85, %get3A_86] {strides = array<i32>} : memref<1x128xi32, #tpu.memory_space<vmem>>, vector<1x16xi32>,
      %get3A_88 = vector.shape_cast %get3A_87 : vector<1x16xi32> to vector<16xi32>
      %sub3A_89 = vector.broadcast %mul3A_0 : i32 to vector<16xi32>
      %sub3A_90 = arith.subi %get3A_88, %sub3A_89 : vector<16xi32>
      %ge3A_91 = arith.constant 0 : i32
      %ge3A_92 = vector.broadcast %ge3A_91 : i32 to vector<16xi32>
      %ge3A_93 = arith.cmpi sge, %sub3A_90, %ge3A_92 : vector<16xi32>
      %lt3A_94 = arith.constant 5056 : i32
      %lt3A_95 = vector.broadcast %lt3A_94 : i32 to vector<16xi32>
      %lt3A_96 = arith.cmpi slt, %sub3A_90, %lt3A_95 : vector<16xi32>
      %and3A_97 = arith.andi %ge3A_93, %lt3A_96 : vector<16xi1>
      %jit3A_98 = arith.constant 5056 : i32
      %broadcast_in_dim3A_99 = vector.broadcast %jit3A_98 : i32 to vector<16xi32>
      %select_n3A_100 = arith.select %and3A_97, %sub3A_90, %broadcast_in_dim3A_99 : vector<16xi1>, vector<16xi32>
      %swap3A_101 = arith.constant 0 : i32
      %swap3A_102 = arith.index_cast %swap3A_101 : i32 to index
      %swap3A_103 = arith.constant 48 : index
      %swap3A_104 = tpu.vector_load %arg8[%swap3A_102, %swap3A_103] {strides = array<i32>} : memref<1x128xi32, #tpu.memory_space<vmem>>, vector<1x16xi32>,
      %swap3A_105 = vector.shape_cast %swap3A_104 : vector<1x16xi32> to vector<16xi32>
      %swap3A_106 = vector.shape_cast %select_n3A_100 : vector<16xi32> to vector<1x16xi32>
      tpu.vector_store %arg8[%swap3A_102, %swap3A_103], %swap3A_106 {strides = array<i32>} : memref<1x128xi32, #tpu.memory_space<vmem>>, vector<1x16xi32>,
      %get3A_107 = arith.constant 0 : i32
      %get3A_108 = arith.index_cast %get3A_107 : i32 to index
      %get3A_109 = arith.constant 64 : index
      %get3A_110 = tpu.vector_load %arg7[%get3A_108, %get3A_109] {strides = array<i32>} : memref<1x128xi32, #tpu.memory_space<vmem>>, vector<1x16xi32>,
      %get3A_111 = vector.shape_cast %get3A_110 : vector<1x16xi32> to vector<16xi32>
      %sub3A_112 = vector.broadcast %mul3A_0 : i32 to vector<16xi32>
      %sub3A_113 = arith.subi %get3A_111, %sub3A_112 : vector<16xi32>
      %ge3A_114 = arith.constant 0 : i32
      %ge3A_115 = vector.broadcast %ge3A_114 : i32 to vector<16xi32>
      %ge3A_116 = arith.cmpi sge, %sub3A_113, %ge3A_115 : vector<16xi32>
      %lt3A_117 = arith.constant 5056 : i32
      %lt3A_118 = vector.broadcast %lt3A_117 : i32 to vector<16xi32>
      %lt3A_119 = arith.cmpi slt, %sub3A_113, %lt3A_118 : vector<16xi32>
      %and3A_120 = arith.andi %ge3A_116, %lt3A_119 : vector<16xi1>
      %jit3A_121 = arith.constant 5056 : i32
      %broadcast_in_dim3A_122 = vector.broadcast %jit3A_121 : i32 to vector<16xi32>
      %select_n3A_123 = arith.select %and3A_120, %sub3A_113, %broadcast_in_dim3A_122 : vector<16xi1>, vector<16xi32>
      %swap3A_124 = arith.constant 0 : i32
      %swap3A_125 = arith.index_cast %swap3A_124 : i32 to index
      %swap3A_126 = arith.constant 64 : index
      %swap3A_127 = tpu.vector_load %arg8[%swap3A_125, %swap3A_126] {strides = array<i32>} : memref<1x128xi32, #tpu.memory_space<vmem>>, vector<1x16xi32>,
      %swap3A_128 = vector.shape_cast %swap3A_127 : vector<1x16xi32> to vector<16xi32>
      %swap3A_129 = vector.shape_cast %select_n3A_123 : vector<16xi32> to vector<1x16xi32>
      tpu.vector_store %arg8[%swap3A_125, %swap3A_126], %swap3A_129 {strides = array<i32>} : memref<1x128xi32, #tpu.memory_space<vmem>>, vector<1x16xi32>,
      %get3A_130 = arith.constant 0 : i32
      %get3A_131 = arith.index_cast %get3A_130 : i32 to index
      %get3A_132 = arith.constant 80 : index
      %get3A_133 = tpu.vector_load %arg7[%get3A_131, %get3A_132] {strides = array<i32>} : memref<1x128xi32, #tpu.memory_space<vmem>>, vector<1x16xi32>,
      %get3A_134 = vector.shape_cast %get3A_133 : vector<1x16xi32> to vector<16xi32>
      %sub3A_135 = vector.broadcast %mul3A_0 : i32 to vector<16xi32>
      %sub3A_136 = arith.subi %get3A_134, %sub3A_135 : vector<16xi32>
      %ge3A_137 = arith.constant 0 : i32
      %ge3A_138 = vector.broadcast %ge3A_137 : i32 to vector<16xi32>
      %ge3A_139 = arith.cmpi sge, %sub3A_136, %ge3A_138 : vector<16xi32>
      %lt3A_140 = arith.constant 5056 : i32
      %lt3A_141 = vector.broadcast %lt3A_140 : i32 to vector<16xi32>
      %lt3A_142 = arith.cmpi slt, %sub3A_136, %lt3A_141 : vector<16xi32>
      %and3A_143 = arith.andi %ge3A_139, %lt3A_142 : vector<16xi1>
      %jit3A_144 = arith.constant 5056 : i32
      %broadcast_in_dim3A_145 = vector.broadcast %jit3A_144 : i32 to vector<16xi32>
      %select_n3A_146 = arith.select %and3A_143, %sub3A_136, %broadcast_in_dim3A_145 : vector<16xi1>, vector<16xi32>
      %swap3A_147 = arith.constant 0 : i32
      %swap3A_148 = arith.index_cast %swap3A_147 : i32 to index
      %swap3A_149 = arith.constant 80 : index
      %swap3A_150 = tpu.vector_load %arg8[%swap3A_148, %swap3A_149] {strides = array<i32>} : memref<1x128xi32, #tpu.memory_space<vmem>>, vector<1x16xi32>,
      %swap3A_151 = vector.shape_cast %swap3A_150 : vector<1x16xi32> to vector<16xi32>
      %swap3A_152 = vector.shape_cast %select_n3A_146 : vector<16xi32> to vector<1x16xi32>
      tpu.vector_store %arg8[%swap3A_148, %swap3A_149], %swap3A_152 {strides = array<i32>} : memref<1x128xi32, #tpu.memory_space<vmem>>, vector<1x16xi32>,
      %get3A_153 = arith.constant 0 : i32
      %get3A_154 = arith.index_cast %get3A_153 : i32 to index
      %get3A_155 = arith.constant 96 : index
      %get3A_156 = tpu.vector_load %arg7[%get3A_154, %get3A_155] {strides = array<i32>} : memref<1x128xi32, #tpu.memory_space<vmem>>, vector<1x16xi32>,
      %get3A_157 = vector.shape_cast %get3A_156 : vector<1x16xi32> to vector<16xi32>
      %sub3A_158 = vector.broadcast %mul3A_0 : i32 to vector<16xi32>
      %sub3A_159 = arith.subi %get3A_157, %sub3A_158 : vector<16xi32>
      %ge3A_160 = arith.constant 0 : i32
      %ge3A_161 = vector.broadcast %ge3A_160 : i32 to vector<16xi32>
      %ge3A_162 = arith.cmpi sge, %sub3A_159, %ge3A_161 : vector<16xi32>
      %lt3A_163 = arith.constant 5056 : i32
      %lt3A_164 = vector.broadcast %lt3A_163 : i32 to vector<16xi32>
      %lt3A_165 = arith.cmpi slt, %sub3A_159, %lt3A_164 : vector<16xi32>
      %and3A_166 = arith.andi %ge3A_162, %lt3A_165 : vector<16xi1>
      %jit3A_167 = arith.constant 5056 : i32
      %broadcast_in_dim3A_168 = vector.broadcast %jit3A_167 : i32 to vector<16xi32>
      %select_n3A_169 = arith.select %and3A_166, %sub3A_159, %broadcast_in_dim3A_168 : vector<16xi1>, vector<16xi32>
      %swap3A_170 = arith.constant 0 : i32
      %swap3A_171 = arith.index_cast %swap3A_170 : i32 to index
      %swap3A_172 = arith.constant 96 : index
      %swap3A_173 = tpu.vector_load %arg8[%swap3A_171, %swap3A_172] {strides = array<i32>} : memref<1x128xi32, #tpu.memory_space<vmem>>, vector<1x16xi32>,
      %swap3A_174 = vector.shape_cast %swap3A_173 : vector<1x16xi32> to vector<16xi32>
      %swap3A_175 = vector.shape_cast %select_n3A_169 : vector<16xi32> to vector<1x16xi32>
      tpu.vector_store %arg8[%swap3A_171, %swap3A_172], %swap3A_175 {strides = array<i32>} : memref<1x128xi32, #tpu.memory_space<vmem>>, vector<1x16xi32>,
      %get3A_176 = arith.constant 0 : i32
      %get3A_177 = arith.index_cast %get3A_176 : i32 to index
      %get3A_178 = arith.constant 112 : index
      %get3A_179 = tpu.vector_load %arg7[%get3A_177, %get3A_178] {strides = array<i32>} : memref<1x128xi32, #tpu.memory_space<vmem>>, vector<1x16xi32>,
      %get3A_180 = vector.shape_cast %get3A_179 : vector<1x16xi32> to vector<16xi32>
      %sub3A_181 = vector.broadcast %mul3A_0 : i32 to vector<16xi32>
      %sub3A_182 = arith.subi %get3A_180, %sub3A_181 : vector<16xi32>
      %ge3A_183 = arith.constant 0 : i32
      %ge3A_184 = vector.broadcast %ge3A_183 : i32 to vector<16xi32>
      %ge3A_185 = arith.cmpi sge, %sub3A_182, %ge3A_184 : vector<16xi32>
      %lt3A_186 = arith.constant 5056 : i32
      %lt3A_187 = vector.broadcast %lt3A_186 : i32 to vector<16xi32>
      %lt3A_188 = arith.cmpi slt, %sub3A_182, %lt3A_187 : vector<16xi32>
      %and3A_189 = arith.andi %ge3A_185, %lt3A_188 : vector<16xi1>
      %jit3A_190 = arith.constant 5056 : i32
      %broadcast_in_dim3A_191 = vector.broadcast %jit3A_190 : i32 to vector<16xi32>
      %select_n3A_192 = arith.select %and3A_189, %sub3A_182, %broadcast_in_dim3A_191 : vector<16xi1>, vector<16xi32>
      %swap3A_193 = arith.constant 0 : i32
      %swap3A_194 = arith.index_cast %swap3A_193 : i32 to index
      %swap3A_195 = arith.constant 112 : index
      %swap3A_196 = tpu.vector_load %arg8[%swap3A_194, %swap3A_195] {strides = array<i32>} : memref<1x128xi32, #tpu.memory_space<vmem>>, vector<1x16xi32>,
      %swap3A_197 = vector.shape_cast %swap3A_196 : vector<1x16xi32> to vector<16xi32>
      %swap3A_198 = vector.shape_cast %select_n3A_192 : vector<16xi32> to vector<1x16xi32>
      tpu.vector_store %arg8[%swap3A_194, %swap3A_195], %swap3A_198 {strides = array<i32>} : memref<1x128xi32, #tpu.memory_space<vmem>>, vector<1x16xi32>,
      %dma_start3A = arith.constant 0 : i32
      %dma_start3A_199 = arith.constant 0 : i32
      %dma_start3A_200 = tpu.memref_slice %arg6[%dma_start3A, %dma_start3A_199] : memref<1x128xi32, #tpu.memory_space<vmem>> -> memref<1x128xi32, #tpu.memory_space<vmem>>
      %dma_start3A_201 = tpu.memref_squeeze %dma_start3A_200 : memref<1x128xi32, #tpu.memory_space<vmem>> -> memref<128xi32, #tpu.memory_space<vmem>>
      %dma_start3A_202 = arith.constant 0 : i32
      %dma_start3A_203 = arith.constant 0 : i32
      %dma_start3A_204 = tpu.memref_slice %arg2[%dma_start3A_202, %dma_start3A_203] : memref<10112x128xf32, #tpu.memory_space<hbm>> -> memref<10112x128xf32, #tpu.memory_space<hbm>>
      tpu.enqueue_indirect_dma source(%dma_start3A_204 : memref<10112x128xf32, #tpu.memory_space<hbm>>) target(%arg9 : memref<128x128xf32, #tpu.memory_space<vmem>>) offsets(%dma_start3A_201 : memref<128xi32, #tpu.memory_space<vmem>>) semaphore(%arg12 : memref<!tpu.dma_semaphore, #tpu.memory_space<semaphore_mem>>)
      %dma_wait3A = arith.constant 0 : i32
      %dma_wait3A_205 = arith.constant 0 : i32
      %dma_wait3A_206 = tpu.memref_slice %arg6[%dma_wait3A, %dma_wait3A_205] : memref<1x128xi32, #tpu.memory_space<vmem>> -> memref<1x128xi32, #tpu.memory_space<vmem>>
      %dma_wait3A_207 = tpu.memref_squeeze %dma_wait3A_206 : memref<1x128xi32, #tpu.memory_space<vmem>> -> memref<128xi32, #tpu.memory_space<vmem>>
      %dma_wait3A_208 = arith.constant 0 : i32
      %dma_wait3A_209 = arith.constant 0 : i32
      %dma_wait3A_210 = tpu.memref_slice %arg2[%dma_wait3A_208, %dma_wait3A_209] : memref<10112x128xf32, #tpu.memory_space<hbm>> -> memref<10112x128xf32, #tpu.memory_space<hbm>>
      tpu.wait_indirect_dma semaphore(%arg12 : memref<!tpu.dma_semaphore, #tpu.memory_space<semaphore_mem>>) src(%dma_wait3A_210 : memref<10112x128xf32, #tpu.memory_space<hbm>>) dst(%arg9 : memref<128x128xf32, #tpu.memory_space<vmem>>)
      %run_scoped3A = arith.constant 0 : i32
      "tpu.region"() ({
        %run_scoped3A_212 = tpu.sem_alloc : memref<!tpu.dma_semaphore, #tpu.memory_space<semaphore_mem>>
        %dma_start3A_213 = arith.constant 0 : i32
        %dma_start3A_214 = tpu.memref_slice %arg8[%run_scoped3A, %dma_start3A_213] : memref<1x128xi32, #tpu.memory_space<vmem>> -> memref<1x128xi32, #tpu.memory_space<vmem>>
        %dma_start3A_215 = tpu.memref_squeeze %dma_start3A_214 : memref<1x128xi32, #tpu.memory_space<vmem>> -> memref<128xi32, #tpu.memory_space<vmem>>
        %dma_start3A_216 = arith.constant 0 : i32
        %dma_start3A_217 = arith.constant 0 : i32
        %dma_start3A_218 = tpu.memref_slice %arg11[%dma_start3A_216, %dma_start3A_217] : memref<5120x128xf32, #tpu.memory_space<vmem_shared>> -> memref<5120x128xf32, #tpu.memory_space<vmem_shared>>
        tpu.enqueue_indirect_dma source(%arg9 : memref<128x128xf32, #tpu.memory_space<vmem>>) target(%dma_start3A_218 : memref<5120x128xf32, #tpu.memory_space<vmem_shared>>) offsets(%dma_start3A_215 : memref<128xi32, #tpu.memory_space<vmem>>) semaphore(%run_scoped3A_212 : memref<!tpu.dma_semaphore, #tpu.memory_space<semaphore_mem>>) {add = true}
        %dma_wait3A_219 = arith.constant 0 : i32
        %dma_wait3A_220 = tpu.memref_slice %arg8[%run_scoped3A, %dma_wait3A_219] : memref<1x128xi32, #tpu.memory_space<vmem>> -> memref<1x128xi32, #tpu.memory_space<vmem>>
        %dma_wait3A_221 = tpu.memref_squeeze %dma_wait3A_220 : memref<1x128xi32, #tpu.memory_space<vmem>> -> memref<128xi32, #tpu.memory_space<vmem>>
        %dma_wait3A_222 = arith.constant 0 : i32
        %dma_wait3A_223 = arith.constant 0 : i32
        %dma_wait3A_224 = tpu.memref_slice %arg11[%dma_wait3A_222, %dma_wait3A_223] : memref<5120x128xf32, #tpu.memory_space<vmem_shared>> -> memref<5120x128xf32, #tpu.memory_space<vmem_shared>>
        tpu.wait_indirect_dma semaphore(%run_scoped3A_212 : memref<!tpu.dma_semaphore, #tpu.memory_space<semaphore_mem>>) src(%arg9 : memref<128x128xf32, #tpu.memory_space<vmem>>) dst(%dma_wait3A_224 : memref<5120x128xf32, #tpu.memory_space<vmem_shared>>)
        tpu.yield
      }) : () -> ()
      %scan3A_211 = arith.constant 0 : i32
      scf.yield %scan3A_211 : i32
    }
    %scan3A_15 = arith.constant 158 : i32
    %barrier3A_16 = arith.constant 0 : index
    tpu.barrier barrier_id(%barrier3A_16)
    %lt3A = arith.constant 8 : i32
    %lt3A_17 = arith.cmpi slt, %arg1, %lt3A : i32
    %convert_element_type3A = arith.extui %lt3A_17 : i1 to i32
    %cond3A = arith.constant 0 : i32
    %cond3A_18 = arith.cmpi ne, %convert_element_type3A, %cond3A : i32
    scf.if %cond3A_18 {
      %mul3A_19 = arith.constant 632 : i32
      %mul3A_20 = arith.muli %arg1, %mul3A_19 : i32
      %mul3A_21 = arith.constant 632 : i32
      %mul3A_22 = arith.muli %arg1, %mul3A_21 : i32
      %add3A = arith.addi %mul3A_0, %mul3A_22 : i32
      "tpu.region"() ({
        %run_scoped3A = tpu.sem_alloc : memref<!tpu.dma_semaphore, #tpu.memory_space<semaphore_mem>>
        %dma_start3A = arith.constant 0 : i32
        %dma_start3A_23 = tpu.memref_slice %arg5[%add3A, %dma_start3A] : memref<10112x128xf32, #tpu.memory_space<hbm>> -> memref<632x128xf32, #tpu.memory_space<hbm>>
        %dma_start3A_24 = arith.constant 0 : i32
        %dma_start3A_25 = tpu.memref_slice %arg11[%mul3A_20, %dma_start3A_24] : memref<5120x128xf32, #tpu.memory_space<vmem_shared>> -> memref<632x128xf32, #tpu.memory_space<vmem_shared>>
        tpu.enqueue_dma source(%dma_start3A_25 : memref<632x128xf32, #tpu.memory_space<vmem_shared>>) target(%dma_start3A_23 : memref<632x128xf32, #tpu.memory_space<hbm>>) target_semaphore(%run_scoped3A : memref<!tpu.dma_semaphore, #tpu.memory_space<semaphore_mem>>)
        %dma_wait3A = arith.constant 0 : i32
        %dma_wait3A_26 = tpu.memref_slice %arg5[%add3A, %dma_wait3A] : memref<10112x128xf32, #tpu.memory_space<hbm>> -> memref<632x128xf32, #tpu.memory_space<hbm>>
        %dma_wait3A_27 = arith.constant 0 : i32
        %dma_wait3A_28 = tpu.memref_slice %arg11[%mul3A_20, %dma_wait3A_27] : memref<5120x128xf32, #tpu.memory_space<vmem_shared>> -> memref<632x128xf32, #tpu.memory_space<vmem_shared>>
        tpu.wait_dma2 semaphore(%run_scoped3A : memref<!tpu.dma_semaphore, #tpu.memory_space<semaphore_mem>>) src(%dma_wait3A_28 : memref<632x128xf32, #tpu.memory_space<vmem_shared>>) dst(%dma_wait3A_26 : memref<632x128xf32, #tpu.memory_space<hbm>>)
        tpu.yield
      }) : () -> ()
    } else {
    }
    return
  }
}

#map = affine_map<(d0, d1) -> (0, 0)>
#map1 = affine_map<(d0, d1) -> (0, 0, 0)>
module attributes {stable_mosaic.version = 14 : i64} {
  func.func @_sc_agg(%arg0: i32, %arg1: i32, %arg2: memref<10112x128xf32, #tpu.memory_space<hbm>>, %arg3: memref<2528x1x128xi32, #tpu.memory_space<hbm>>, %arg4: memref<2528x1x128xi32, #tpu.memory_space<hbm>>, %arg5: memref<10112x128xf32, #tpu.memory_space<hbm>>, %arg6: memref<1x128xi32, #tpu.memory_space<vmem>>, %arg7: memref<1x128xi32, #tpu.memory_space<vmem>>, %arg8: memref<1x128xi32, #tpu.memory_space<vmem>>, %arg9: memref<128x128xf32, #tpu.memory_space<vmem>>, %arg10: memref<320x128xf32, #tpu.memory_space<vmem>>, %arg11: memref<5120x128xf32, #tpu.memory_space<vmem_shared>>, %arg12: memref<!tpu.dma_semaphore, #tpu.memory_space<semaphore_mem>>) attributes {dimension_semantics = [#tpu.dimension_semantics<core_parallel>, #tpu.dimension_semantics<subcore_parallel>], iteration_bounds = array<i64: 2, 16>, scalar_prefetch = 0 : i64, scratch_operands = 7 : i64, tpu.core_type = #tpu.core_type<sc_vector_subcore>, window_params = [{transform_indices = #map}, {transform_indices = #map1}, {transform_indices = #map1}, {transform_indices = #map}]} {
    %mul3A = arith.constant 5056 : i32
    %mul3A_0 = arith.muli %arg0, %mul3A : i32
    %scan3A = arith.constant 0 : i32
    %scan3A_1 = arith.constant 0 : i32
    %scan3A_2 = arith.constant 320 : i32
    %scan3A_3 = arith.addi %scan3A_1, %scan3A_2 : i32
    %scan3A_4 = arith.constant 1 : i32
    %scan3A_5 = scf.for %scan3A_19 = %scan3A_1 to %scan3A_3 step %scan3A_4 iter_args(%scan3A_20 = %scan3A) -> (i32)  : i32 {
      %broadcast_in_dim3A = arith.constant 0.000000e+00 : f32
      %broadcast_in_dim3A_21 = vector.broadcast %broadcast_in_dim3A : f32 to vector<16xf32>
      %swap3A = arith.index_cast %scan3A_19 : i32 to index
      %swap3A_22 = arith.constant 0 : index
      %swap3A_23 = tpu.vector_load %arg10[%swap3A, %swap3A_22] {strides = array<i32>} : memref<320x128xf32, #tpu.memory_space<vmem>>, vector<1x16xf32>,
      %swap3A_24 = vector.shape_cast %swap3A_23 : vector<1x16xf32> to vector<16xf32>
      %swap3A_25 = vector.shape_cast %broadcast_in_dim3A_21 : vector<16xf32> to vector<1x16xf32>
      tpu.vector_store %arg10[%swap3A, %swap3A_22], %swap3A_25 {strides = array<i32>} : memref<320x128xf32, #tpu.memory_space<vmem>>, vector<1x16xf32>,
      %broadcast_in_dim3A_26 = arith.constant 0.000000e+00 : f32
      %broadcast_in_dim3A_27 = vector.broadcast %broadcast_in_dim3A_26 : f32 to vector<16xf32>
      %swap3A_28 = arith.index_cast %scan3A_19 : i32 to index
      %swap3A_29 = arith.constant 16 : index
      %swap3A_30 = tpu.vector_load %arg10[%swap3A_28, %swap3A_29] {strides = array<i32>} : memref<320x128xf32, #tpu.memory_space<vmem>>, vector<1x16xf32>,
      %swap3A_31 = vector.shape_cast %swap3A_30 : vector<1x16xf32> to vector<16xf32>
      %swap3A_32 = vector.shape_cast %broadcast_in_dim3A_27 : vector<16xf32> to vector<1x16xf32>
      tpu.vector_store %arg10[%swap3A_28, %swap3A_29], %swap3A_32 {strides = array<i32>} : memref<320x128xf32, #tpu.memory_space<vmem>>, vector<1x16xf32>,
      %broadcast_in_dim3A_33 = arith.constant 0.000000e+00 : f32
      %broadcast_in_dim3A_34 = vector.broadcast %broadcast_in_dim3A_33 : f32 to vector<16xf32>
      %swap3A_35 = arith.index_cast %scan3A_19 : i32 to index
      %swap3A_36 = arith.constant 32 : index
      %swap3A_37 = tpu.vector_load %arg10[%swap3A_35, %swap3A_36] {strides = array<i32>} : memref<320x128xf32, #tpu.memory_space<vmem>>, vector<1x16xf32>,
      %swap3A_38 = vector.shape_cast %swap3A_37 : vector<1x16xf32> to vector<16xf32>
      %swap3A_39 = vector.shape_cast %broadcast_in_dim3A_34 : vector<16xf32> to vector<1x16xf32>
      tpu.vector_store %arg10[%swap3A_35, %swap3A_36], %swap3A_39 {strides = array<i32>} : memref<320x128xf32, #tpu.memory_space<vmem>>, vector<1x16xf32>,
      %broadcast_in_dim3A_40 = arith.constant 0.000000e+00 : f32
      %broadcast_in_dim3A_41 = vector.broadcast %broadcast_in_dim3A_40 : f32 to vector<16xf32>
      %swap3A_42 = arith.index_cast %scan3A_19 : i32 to index
      %swap3A_43 = arith.constant 48 : index
      %swap3A_44 = tpu.vector_load %arg10[%swap3A_42, %swap3A_43] {strides = array<i32>} : memref<320x128xf32, #tpu.memory_space<vmem>>, vector<1x16xf32>,
      %swap3A_45 = vector.shape_cast %swap3A_44 : vector<1x16xf32> to vector<16xf32>
      %swap3A_46 = vector.shape_cast %broadcast_in_dim3A_41 : vector<16xf32> to vector<1x16xf32>
      tpu.vector_store %arg10[%swap3A_42, %swap3A_43], %swap3A_46 {strides = array<i32>} : memref<320x128xf32, #tpu.memory_space<vmem>>, vector<1x16xf32>,
      %broadcast_in_dim3A_47 = arith.constant 0.000000e+00 : f32
      %broadcast_in_dim3A_48 = vector.broadcast %broadcast_in_dim3A_47 : f32 to vector<16xf32>
      %swap3A_49 = arith.index_cast %scan3A_19 : i32 to index
      %swap3A_50 = arith.constant 64 : index
      %swap3A_51 = tpu.vector_load %arg10[%swap3A_49, %swap3A_50] {strides = array<i32>} : memref<320x128xf32, #tpu.memory_space<vmem>>, vector<1x16xf32>,
      %swap3A_52 = vector.shape_cast %swap3A_51 : vector<1x16xf32> to vector<16xf32>
      %swap3A_53 = vector.shape_cast %broadcast_in_dim3A_48 : vector<16xf32> to vector<1x16xf32>
      tpu.vector_store %arg10[%swap3A_49, %swap3A_50], %swap3A_53 {strides = array<i32>} : memref<320x128xf32, #tpu.memory_space<vmem>>, vector<1x16xf32>,
      %broadcast_in_dim3A_54 = arith.constant 0.000000e+00 : f32
      %broadcast_in_dim3A_55 = vector.broadcast %broadcast_in_dim3A_54 : f32 to vector<16xf32>
      %swap3A_56 = arith.index_cast %scan3A_19 : i32 to index
      %swap3A_57 = arith.constant 80 : index
      %swap3A_58 = tpu.vector_load %arg10[%swap3A_56, %swap3A_57] {strides = array<i32>} : memref<320x128xf32, #tpu.memory_space<vmem>>, vector<1x16xf32>,
      %swap3A_59 = vector.shape_cast %swap3A_58 : vector<1x16xf32> to vector<16xf32>
      %swap3A_60 = vector.shape_cast %broadcast_in_dim3A_55 : vector<16xf32> to vector<1x16xf32>
      tpu.vector_store %arg10[%swap3A_56, %swap3A_57], %swap3A_60 {strides = array<i32>} : memref<320x128xf32, #tpu.memory_space<vmem>>, vector<1x16xf32>,
      %broadcast_in_dim3A_61 = arith.constant 0.000000e+00 : f32
      %broadcast_in_dim3A_62 = vector.broadcast %broadcast_in_dim3A_61 : f32 to vector<16xf32>
      %swap3A_63 = arith.index_cast %scan3A_19 : i32 to index
      %swap3A_64 = arith.constant 96 : index
      %swap3A_65 = tpu.vector_load %arg10[%swap3A_63, %swap3A_64] {strides = array<i32>} : memref<320x128xf32, #tpu.memory_space<vmem>>, vector<1x16xf32>,
      %swap3A_66 = vector.shape_cast %swap3A_65 : vector<1x16xf32> to vector<16xf32>
      %swap3A_67 = vector.shape_cast %broadcast_in_dim3A_62 : vector<16xf32> to vector<1x16xf32>
      tpu.vector_store %arg10[%swap3A_63, %swap3A_64], %swap3A_67 {strides = array<i32>} : memref<320x128xf32, #tpu.memory_space<vmem>>, vector<1x16xf32>,
      %broadcast_in_dim3A_68 = arith.constant 0.000000e+00 : f32
      %broadcast_in_dim3A_69 = vector.broadcast %broadcast_in_dim3A_68 : f32 to vector<16xf32>
      %swap3A_70 = arith.index_cast %scan3A_19 : i32 to index
      %swap3A_71 = arith.constant 112 : index
      %swap3A_72 = tpu.vector_load %arg10[%swap3A_70, %swap3A_71] {strides = array<i32>} : memref<320x128xf32, #tpu.memory_space<vmem>>, vector<1x16xf32>,
      %swap3A_73 = vector.shape_cast %swap3A_72 : vector<1x16xf32> to vector<16xf32>
      %swap3A_74 = vector.shape_cast %broadcast_in_dim3A_69 : vector<16xf32> to vector<1x16xf32>
      tpu.vector_store %arg10[%swap3A_70, %swap3A_71], %swap3A_74 {strides = array<i32>} : memref<320x128xf32, #tpu.memory_space<vmem>>, vector<1x16xf32>,
      %scan3A_75 = arith.constant 0 : i32
      scf.yield %scan3A_75 : i32
    }
    %scan3A_6 = arith.constant 320 : i32
    %mul3A_7 = arith.constant 320 : i32
    %mul3A_8 = arith.muli %arg1, %mul3A_7 : i32
    "tpu.region"() ({
      %run_scoped3A = tpu.sem_alloc : memref<!tpu.dma_semaphore, #tpu.memory_space<semaphore_mem>>
      %dma_start3A = arith.constant 0 : i32
      %dma_start3A_19 = tpu.memref_slice %arg11[%mul3A_8, %dma_start3A] : memref<5120x128xf32, #tpu.memory_space<vmem_shared>> -> memref<320x128xf32, #tpu.memory_space<vmem_shared>>
      %dma_start3A_20 = arith.constant 0 : i32
      %dma_start3A_21 = tpu.memref_slice %arg11[%mul3A_8, %dma_start3A_20] : memref<5120x128xf32, #tpu.memory_space<vmem_shared>> -> memref<320x128xf32, #tpu.memory_space<vmem_shared>>
      tpu.enqueue_dma source(%arg10 : memref<320x128xf32, #tpu.memory_space<vmem>>) target(%dma_start3A_21 : memref<320x128xf32, #tpu.memory_space<vmem_shared>>) target_semaphore(%run_scoped3A : memref<!tpu.dma_semaphore, #tpu.memory_space<semaphore_mem>>)
      %dma_wait3A = arith.constant 0 : i32
      %dma_wait3A_22 = tpu.memref_slice %arg11[%mul3A_8, %dma_wait3A] : memref<5120x128xf32, #tpu.memory_space<vmem_shared>> -> memref<320x128xf32, #tpu.memory_space<vmem_shared>>
      %dma_wait3A_23 = arith.constant 0 : i32
      %dma_wait3A_24 = tpu.memref_slice %arg11[%mul3A_8, %dma_wait3A_23] : memref<5120x128xf32, #tpu.memory_space<vmem_shared>> -> memref<320x128xf32, #tpu.memory_space<vmem_shared>>
      tpu.wait_dma2 semaphore(%run_scoped3A : memref<!tpu.dma_semaphore, #tpu.memory_space<semaphore_mem>>) src(%arg10 : memref<320x128xf32, #tpu.memory_space<vmem>>) dst(%dma_wait3A_24 : memref<320x128xf32, #tpu.memory_space<vmem_shared>>)
      tpu.yield
    }) : () -> ()
    %barrier3A = arith.constant 0 : index
    tpu.barrier barrier_id(%barrier3A)
    %scan3A_9 = arith.constant 0 : i32
    %scan3A_10 = arith.constant 0 : i32
    %scan3A_11 = arith.constant 158 : i32
    %scan3A_12 = arith.addi %scan3A_10, %scan3A_11 : i32
    %scan3A_13 = arith.constant 1 : i32
    %scan3A_14 = scf.for %scan3A_19 = %scan3A_10 to %scan3A_12 step %scan3A_13 iter_args(%scan3A_20 = %scan3A_9) -> (i32)  : i32 {
      %mul3A_21 = arith.constant 158 : i32
      %mul3A_22 = arith.muli %arg1, %mul3A_21 : i32
      %add3A = arith.addi %mul3A_22, %scan3A_19 : i32
      "tpu.region"() ({
        %run_scoped3A_212 = tpu.sem_alloc : memref<!tpu.dma_semaphore, #tpu.memory_space<semaphore_mem>>
        %dma_start3A_213 = arith.constant 0 : i32
        %dma_start3A_214 = arith.constant 0 : i32
        %dma_start3A_215 = tpu.memref_slice %arg3[%add3A, %dma_start3A_213, %dma_start3A_214] : memref<2528x1x128xi32, #tpu.memory_space<hbm>> -> memref<1x1x128xi32, #tpu.memory_space<hbm>>
        %dma_start3A_216 = tpu.memref_squeeze %dma_start3A_215 : memref<1x1x128xi32, #tpu.memory_space<hbm>> -> memref<1x128xi32, #tpu.memory_space<hbm>>
        %dma_start3A_217 = arith.constant 0 : i32
        %dma_start3A_218 = arith.constant 0 : i32
        %dma_start3A_219 = tpu.memref_slice %arg3[%add3A, %dma_start3A_217, %dma_start3A_218] : memref<2528x1x128xi32, #tpu.memory_space<hbm>> -> memref<1x1x128xi32, #tpu.memory_space<hbm>>
        %dma_start3A_220 = tpu.memref_squeeze %dma_start3A_219 : memref<1x1x128xi32, #tpu.memory_space<hbm>> -> memref<1x128xi32, #tpu.memory_space<hbm>>
        tpu.enqueue_dma source(%dma_start3A_220 : memref<1x128xi32, #tpu.memory_space<hbm>>) target(%arg6 : memref<1x128xi32, #tpu.memory_space<vmem>>) target_semaphore(%run_scoped3A_212 : memref<!tpu.dma_semaphore, #tpu.memory_space<semaphore_mem>>)
        %dma_wait3A_221 = arith.constant 0 : i32
        %dma_wait3A_222 = arith.constant 0 : i32
        %dma_wait3A_223 = tpu.memref_slice %arg3[%add3A, %dma_wait3A_221, %dma_wait3A_222] : memref<2528x1x128xi32, #tpu.memory_space<hbm>> -> memref<1x1x128xi32, #tpu.memory_space<hbm>>
        %dma_wait3A_224 = tpu.memref_squeeze %dma_wait3A_223 : memref<1x1x128xi32, #tpu.memory_space<hbm>> -> memref<1x128xi32, #tpu.memory_space<hbm>>
        %dma_wait3A_225 = arith.constant 0 : i32
        %dma_wait3A_226 = arith.constant 0 : i32
        %dma_wait3A_227 = tpu.memref_slice %arg3[%add3A, %dma_wait3A_225, %dma_wait3A_226] : memref<2528x1x128xi32, #tpu.memory_space<hbm>> -> memref<1x1x128xi32, #tpu.memory_space<hbm>>
        %dma_wait3A_228 = tpu.memref_squeeze %dma_wait3A_227 : memref<1x1x128xi32, #tpu.memory_space<hbm>> -> memref<1x128xi32, #tpu.memory_space<hbm>>
        tpu.wait_dma2 semaphore(%run_scoped3A_212 : memref<!tpu.dma_semaphore, #tpu.memory_space<semaphore_mem>>) src(%dma_wait3A_228 : memref<1x128xi32, #tpu.memory_space<hbm>>) dst(%arg6 : memref<1x128xi32, #tpu.memory_space<vmem>>)
        tpu.yield
      }) : () -> ()
      "tpu.region"() ({
        %run_scoped3A_212 = tpu.sem_alloc : memref<!tpu.dma_semaphore, #tpu.memory_space<semaphore_mem>>
        %dma_start3A_213 = arith.constant 0 : i32
        %dma_start3A_214 = arith.constant 0 : i32
        %dma_start3A_215 = tpu.memref_slice %arg4[%add3A, %dma_start3A_213, %dma_start3A_214] : memref<2528x1x128xi32, #tpu.memory_space<hbm>> -> memref<1x1x128xi32, #tpu.memory_space<hbm>>
        %dma_start3A_216 = tpu.memref_squeeze %dma_start3A_215 : memref<1x1x128xi32, #tpu.memory_space<hbm>> -> memref<1x128xi32, #tpu.memory_space<hbm>>
        %dma_start3A_217 = arith.constant 0 : i32
        %dma_start3A_218 = arith.constant 0 : i32
        %dma_start3A_219 = tpu.memref_slice %arg4[%add3A, %dma_start3A_217, %dma_start3A_218] : memref<2528x1x128xi32, #tpu.memory_space<hbm>> -> memref<1x1x128xi32, #tpu.memory_space<hbm>>
        %dma_start3A_220 = tpu.memref_squeeze %dma_start3A_219 : memref<1x1x128xi32, #tpu.memory_space<hbm>> -> memref<1x128xi32, #tpu.memory_space<hbm>>
        tpu.enqueue_dma source(%dma_start3A_220 : memref<1x128xi32, #tpu.memory_space<hbm>>) target(%arg7 : memref<1x128xi32, #tpu.memory_space<vmem>>) target_semaphore(%run_scoped3A_212 : memref<!tpu.dma_semaphore, #tpu.memory_space<semaphore_mem>>)
        %dma_wait3A_221 = arith.constant 0 : i32
        %dma_wait3A_222 = arith.constant 0 : i32
        %dma_wait3A_223 = tpu.memref_slice %arg4[%add3A, %dma_wait3A_221, %dma_wait3A_222] : memref<2528x1x128xi32, #tpu.memory_space<hbm>> -> memref<1x1x128xi32, #tpu.memory_space<hbm>>
        %dma_wait3A_224 = tpu.memref_squeeze %dma_wait3A_223 : memref<1x1x128xi32, #tpu.memory_space<hbm>> -> memref<1x128xi32, #tpu.memory_space<hbm>>
        %dma_wait3A_225 = arith.constant 0 : i32
        %dma_wait3A_226 = arith.constant 0 : i32
        %dma_wait3A_227 = tpu.memref_slice %arg4[%add3A, %dma_wait3A_225, %dma_wait3A_226] : memref<2528x1x128xi32, #tpu.memory_space<hbm>> -> memref<1x1x128xi32, #tpu.memory_space<hbm>>
        %dma_wait3A_228 = tpu.memref_squeeze %dma_wait3A_227 : memref<1x1x128xi32, #tpu.memory_space<hbm>> -> memref<1x128xi32, #tpu.memory_space<hbm>>
        tpu.wait_dma2 semaphore(%run_scoped3A_212 : memref<!tpu.dma_semaphore, #tpu.memory_space<semaphore_mem>>) src(%dma_wait3A_228 : memref<1x128xi32, #tpu.memory_space<hbm>>) dst(%arg7 : memref<1x128xi32, #tpu.memory_space<vmem>>)
        tpu.yield
      }) : () -> ()
      %get3A = arith.constant 0 : i32
      %get3A_23 = arith.index_cast %get3A : i32 to index
      %get3A_24 = arith.constant 0 : index
      %get3A_25 = tpu.vector_load %arg7[%get3A_23, %get3A_24] {strides = array<i32>} : memref<1x128xi32, #tpu.memory_space<vmem>>, vector<1x16xi32>,
      %get3A_26 = vector.shape_cast %get3A_25 : vector<1x16xi32> to vector<16xi32>
      %sub3A = vector.broadcast %mul3A_0 : i32 to vector<16xi32>
      %sub3A_27 = arith.subi %get3A_26, %sub3A : vector<16xi32>
      %ge3A = arith.constant 0 : i32
      %ge3A_28 = vector.broadcast %ge3A : i32 to vector<16xi32>
      %ge3A_29 = arith.cmpi sge, %sub3A_27, %ge3A_28 : vector<16xi32>
      %lt3A_30 = arith.constant 5056 : i32
      %lt3A_31 = vector.broadcast %lt3A_30 : i32 to vector<16xi32>
      %lt3A_32 = arith.cmpi slt, %sub3A_27, %lt3A_31 : vector<16xi32>
      %and3A = arith.andi %ge3A_29, %lt3A_32 : vector<16xi1>
      %jit3A = arith.constant 5056 : i32
      %broadcast_in_dim3A = vector.broadcast %jit3A : i32 to vector<16xi32>
      %select_n3A = arith.select %and3A, %sub3A_27, %broadcast_in_dim3A : vector<16xi1>, vector<16xi32>
      %swap3A = arith.constant 0 : i32
      %swap3A_33 = arith.index_cast %swap3A : i32 to index
      %swap3A_34 = arith.constant 0 : index
      %swap3A_35 = tpu.vector_load %arg8[%swap3A_33, %swap3A_34] {strides = array<i32>} : memref<1x128xi32, #tpu.memory_space<vmem>>, vector<1x16xi32>,
      %swap3A_36 = vector.shape_cast %swap3A_35 : vector<1x16xi32> to vector<16xi32>
      %swap3A_37 = vector.shape_cast %select_n3A : vector<16xi32> to vector<1x16xi32>
      tpu.vector_store %arg8[%swap3A_33, %swap3A_34], %swap3A_37 {strides = array<i32>} : memref<1x128xi32, #tpu.memory_space<vmem>>, vector<1x16xi32>,
      %get3A_38 = arith.constant 0 : i32
      %get3A_39 = arith.index_cast %get3A_38 : i32 to index
      %get3A_40 = arith.constant 16 : index
      %get3A_41 = tpu.vector_load %arg7[%get3A_39, %get3A_40] {strides = array<i32>} : memref<1x128xi32, #tpu.memory_space<vmem>>, vector<1x16xi32>,
      %get3A_42 = vector.shape_cast %get3A_41 : vector<1x16xi32> to vector<16xi32>
      %sub3A_43 = vector.broadcast %mul3A_0 : i32 to vector<16xi32>
      %sub3A_44 = arith.subi %get3A_42, %sub3A_43 : vector<16xi32>
      %ge3A_45 = arith.constant 0 : i32
      %ge3A_46 = vector.broadcast %ge3A_45 : i32 to vector<16xi32>
      %ge3A_47 = arith.cmpi sge, %sub3A_44, %ge3A_46 : vector<16xi32>
      %lt3A_48 = arith.constant 5056 : i32
      %lt3A_49 = vector.broadcast %lt3A_48 : i32 to vector<16xi32>
      %lt3A_50 = arith.cmpi slt, %sub3A_44, %lt3A_49 : vector<16xi32>
      %and3A_51 = arith.andi %ge3A_47, %lt3A_50 : vector<16xi1>
      %jit3A_52 = arith.constant 5056 : i32
      %broadcast_in_dim3A_53 = vector.broadcast %jit3A_52 : i32 to vector<16xi32>
      %select_n3A_54 = arith.select %and3A_51, %sub3A_44, %broadcast_in_dim3A_53 : vector<16xi1>, vector<16xi32>
      %swap3A_55 = arith.constant 0 : i32
      %swap3A_56 = arith.index_cast %swap3A_55 : i32 to index
      %swap3A_57 = arith.constant 16 : index
      %swap3A_58 = tpu.vector_load %arg8[%swap3A_56, %swap3A_57] {strides = array<i32>} : memref<1x128xi32, #tpu.memory_space<vmem>>, vector<1x16xi32>,
      %swap3A_59 = vector.shape_cast %swap3A_58 : vector<1x16xi32> to vector<16xi32>
      %swap3A_60 = vector.shape_cast %select_n3A_54 : vector<16xi32> to vector<1x16xi32>
      tpu.vector_store %arg8[%swap3A_56, %swap3A_57], %swap3A_60 {strides = array<i32>} : memref<1x128xi32, #tpu.memory_space<vmem>>, vector<1x16xi32>,
      %get3A_61 = arith.constant 0 : i32
      %get3A_62 = arith.index_cast %get3A_61 : i32 to index
      %get3A_63 = arith.constant 32 : index
      %get3A_64 = tpu.vector_load %arg7[%get3A_62, %get3A_63] {strides = array<i32>} : memref<1x128xi32, #tpu.memory_space<vmem>>, vector<1x16xi32>,
      %get3A_65 = vector.shape_cast %get3A_64 : vector<1x16xi32> to vector<16xi32>
      %sub3A_66 = vector.broadcast %mul3A_0 : i32 to vector<16xi32>
      %sub3A_67 = arith.subi %get3A_65, %sub3A_66 : vector<16xi32>
      %ge3A_68 = arith.constant 0 : i32
      %ge3A_69 = vector.broadcast %ge3A_68 : i32 to vector<16xi32>
      %ge3A_70 = arith.cmpi sge, %sub3A_67, %ge3A_69 : vector<16xi32>
      %lt3A_71 = arith.constant 5056 : i32
      %lt3A_72 = vector.broadcast %lt3A_71 : i32 to vector<16xi32>
      %lt3A_73 = arith.cmpi slt, %sub3A_67, %lt3A_72 : vector<16xi32>
      %and3A_74 = arith.andi %ge3A_70, %lt3A_73 : vector<16xi1>
      %jit3A_75 = arith.constant 5056 : i32
      %broadcast_in_dim3A_76 = vector.broadcast %jit3A_75 : i32 to vector<16xi32>
      %select_n3A_77 = arith.select %and3A_74, %sub3A_67, %broadcast_in_dim3A_76 : vector<16xi1>, vector<16xi32>
      %swap3A_78 = arith.constant 0 : i32
      %swap3A_79 = arith.index_cast %swap3A_78 : i32 to index
      %swap3A_80 = arith.constant 32 : index
      %swap3A_81 = tpu.vector_load %arg8[%swap3A_79, %swap3A_80] {strides = array<i32>} : memref<1x128xi32, #tpu.memory_space<vmem>>, vector<1x16xi32>,
      %swap3A_82 = vector.shape_cast %swap3A_81 : vector<1x16xi32> to vector<16xi32>
      %swap3A_83 = vector.shape_cast %select_n3A_77 : vector<16xi32> to vector<1x16xi32>
      tpu.vector_store %arg8[%swap3A_79, %swap3A_80], %swap3A_83 {strides = array<i32>} : memref<1x128xi32, #tpu.memory_space<vmem>>, vector<1x16xi32>,
      %get3A_84 = arith.constant 0 : i32
      %get3A_85 = arith.index_cast %get3A_84 : i32 to index
      %get3A_86 = arith.constant 48 : index
      %get3A_87 = tpu.vector_load %arg7[%get3A_85, %get3A_86] {strides = array<i32>} : memref<1x128xi32, #tpu.memory_space<vmem>>, vector<1x16xi32>,
      %get3A_88 = vector.shape_cast %get3A_87 : vector<1x16xi32> to vector<16xi32>
      %sub3A_89 = vector.broadcast %mul3A_0 : i32 to vector<16xi32>
      %sub3A_90 = arith.subi %get3A_88, %sub3A_89 : vector<16xi32>
      %ge3A_91 = arith.constant 0 : i32
      %ge3A_92 = vector.broadcast %ge3A_91 : i32 to vector<16xi32>
      %ge3A_93 = arith.cmpi sge, %sub3A_90, %ge3A_92 : vector<16xi32>
      %lt3A_94 = arith.constant 5056 : i32
      %lt3A_95 = vector.broadcast %lt3A_94 : i32 to vector<16xi32>
      %lt3A_96 = arith.cmpi slt, %sub3A_90, %lt3A_95 : vector<16xi32>
      %and3A_97 = arith.andi %ge3A_93, %lt3A_96 : vector<16xi1>
      %jit3A_98 = arith.constant 5056 : i32
      %broadcast_in_dim3A_99 = vector.broadcast %jit3A_98 : i32 to vector<16xi32>
      %select_n3A_100 = arith.select %and3A_97, %sub3A_90, %broadcast_in_dim3A_99 : vector<16xi1>, vector<16xi32>
      %swap3A_101 = arith.constant 0 : i32
      %swap3A_102 = arith.index_cast %swap3A_101 : i32 to index
      %swap3A_103 = arith.constant 48 : index
      %swap3A_104 = tpu.vector_load %arg8[%swap3A_102, %swap3A_103] {strides = array<i32>} : memref<1x128xi32, #tpu.memory_space<vmem>>, vector<1x16xi32>,
      %swap3A_105 = vector.shape_cast %swap3A_104 : vector<1x16xi32> to vector<16xi32>
      %swap3A_106 = vector.shape_cast %select_n3A_100 : vector<16xi32> to vector<1x16xi32>
      tpu.vector_store %arg8[%swap3A_102, %swap3A_103], %swap3A_106 {strides = array<i32>} : memref<1x128xi32, #tpu.memory_space<vmem>>, vector<1x16xi32>,
      %get3A_107 = arith.constant 0 : i32
      %get3A_108 = arith.index_cast %get3A_107 : i32 to index
      %get3A_109 = arith.constant 64 : index
      %get3A_110 = tpu.vector_load %arg7[%get3A_108, %get3A_109] {strides = array<i32>} : memref<1x128xi32, #tpu.memory_space<vmem>>, vector<1x16xi32>,
      %get3A_111 = vector.shape_cast %get3A_110 : vector<1x16xi32> to vector<16xi32>
      %sub3A_112 = vector.broadcast %mul3A_0 : i32 to vector<16xi32>
      %sub3A_113 = arith.subi %get3A_111, %sub3A_112 : vector<16xi32>
      %ge3A_114 = arith.constant 0 : i32
      %ge3A_115 = vector.broadcast %ge3A_114 : i32 to vector<16xi32>
      %ge3A_116 = arith.cmpi sge, %sub3A_113, %ge3A_115 : vector<16xi32>
      %lt3A_117 = arith.constant 5056 : i32
      %lt3A_118 = vector.broadcast %lt3A_117 : i32 to vector<16xi32>
      %lt3A_119 = arith.cmpi slt, %sub3A_113, %lt3A_118 : vector<16xi32>
      %and3A_120 = arith.andi %ge3A_116, %lt3A_119 : vector<16xi1>
      %jit3A_121 = arith.constant 5056 : i32
      %broadcast_in_dim3A_122 = vector.broadcast %jit3A_121 : i32 to vector<16xi32>
      %select_n3A_123 = arith.select %and3A_120, %sub3A_113, %broadcast_in_dim3A_122 : vector<16xi1>, vector<16xi32>
      %swap3A_124 = arith.constant 0 : i32
      %swap3A_125 = arith.index_cast %swap3A_124 : i32 to index
      %swap3A_126 = arith.constant 64 : index
      %swap3A_127 = tpu.vector_load %arg8[%swap3A_125, %swap3A_126] {strides = array<i32>} : memref<1x128xi32, #tpu.memory_space<vmem>>, vector<1x16xi32>,
      %swap3A_128 = vector.shape_cast %swap3A_127 : vector<1x16xi32> to vector<16xi32>
      %swap3A_129 = vector.shape_cast %select_n3A_123 : vector<16xi32> to vector<1x16xi32>
      tpu.vector_store %arg8[%swap3A_125, %swap3A_126], %swap3A_129 {strides = array<i32>} : memref<1x128xi32, #tpu.memory_space<vmem>>, vector<1x16xi32>,
      %get3A_130 = arith.constant 0 : i32
      %get3A_131 = arith.index_cast %get3A_130 : i32 to index
      %get3A_132 = arith.constant 80 : index
      %get3A_133 = tpu.vector_load %arg7[%get3A_131, %get3A_132] {strides = array<i32>} : memref<1x128xi32, #tpu.memory_space<vmem>>, vector<1x16xi32>,
      %get3A_134 = vector.shape_cast %get3A_133 : vector<1x16xi32> to vector<16xi32>
      %sub3A_135 = vector.broadcast %mul3A_0 : i32 to vector<16xi32>
      %sub3A_136 = arith.subi %get3A_134, %sub3A_135 : vector<16xi32>
      %ge3A_137 = arith.constant 0 : i32
      %ge3A_138 = vector.broadcast %ge3A_137 : i32 to vector<16xi32>
      %ge3A_139 = arith.cmpi sge, %sub3A_136, %ge3A_138 : vector<16xi32>
      %lt3A_140 = arith.constant 5056 : i32
      %lt3A_141 = vector.broadcast %lt3A_140 : i32 to vector<16xi32>
      %lt3A_142 = arith.cmpi slt, %sub3A_136, %lt3A_141 : vector<16xi32>
      %and3A_143 = arith.andi %ge3A_139, %lt3A_142 : vector<16xi1>
      %jit3A_144 = arith.constant 5056 : i32
      %broadcast_in_dim3A_145 = vector.broadcast %jit3A_144 : i32 to vector<16xi32>
      %select_n3A_146 = arith.select %and3A_143, %sub3A_136, %broadcast_in_dim3A_145 : vector<16xi1>, vector<16xi32>
      %swap3A_147 = arith.constant 0 : i32
      %swap3A_148 = arith.index_cast %swap3A_147 : i32 to index
      %swap3A_149 = arith.constant 80 : index
      %swap3A_150 = tpu.vector_load %arg8[%swap3A_148, %swap3A_149] {strides = array<i32>} : memref<1x128xi32, #tpu.memory_space<vmem>>, vector<1x16xi32>,
      %swap3A_151 = vector.shape_cast %swap3A_150 : vector<1x16xi32> to vector<16xi32>
      %swap3A_152 = vector.shape_cast %select_n3A_146 : vector<16xi32> to vector<1x16xi32>
      tpu.vector_store %arg8[%swap3A_148, %swap3A_149], %swap3A_152 {strides = array<i32>} : memref<1x128xi32, #tpu.memory_space<vmem>>, vector<1x16xi32>,
      %get3A_153 = arith.constant 0 : i32
      %get3A_154 = arith.index_cast %get3A_153 : i32 to index
      %get3A_155 = arith.constant 96 : index
      %get3A_156 = tpu.vector_load %arg7[%get3A_154, %get3A_155] {strides = array<i32>} : memref<1x128xi32, #tpu.memory_space<vmem>>, vector<1x16xi32>,
      %get3A_157 = vector.shape_cast %get3A_156 : vector<1x16xi32> to vector<16xi32>
      %sub3A_158 = vector.broadcast %mul3A_0 : i32 to vector<16xi32>
      %sub3A_159 = arith.subi %get3A_157, %sub3A_158 : vector<16xi32>
      %ge3A_160 = arith.constant 0 : i32
      %ge3A_161 = vector.broadcast %ge3A_160 : i32 to vector<16xi32>
      %ge3A_162 = arith.cmpi sge, %sub3A_159, %ge3A_161 : vector<16xi32>
      %lt3A_163 = arith.constant 5056 : i32
      %lt3A_164 = vector.broadcast %lt3A_163 : i32 to vector<16xi32>
      %lt3A_165 = arith.cmpi slt, %sub3A_159, %lt3A_164 : vector<16xi32>
      %and3A_166 = arith.andi %ge3A_162, %lt3A_165 : vector<16xi1>
      %jit3A_167 = arith.constant 5056 : i32
      %broadcast_in_dim3A_168 = vector.broadcast %jit3A_167 : i32 to vector<16xi32>
      %select_n3A_169 = arith.select %and3A_166, %sub3A_159, %broadcast_in_dim3A_168 : vector<16xi1>, vector<16xi32>
      %swap3A_170 = arith.constant 0 : i32
      %swap3A_171 = arith.index_cast %swap3A_170 : i32 to index
      %swap3A_172 = arith.constant 96 : index
      %swap3A_173 = tpu.vector_load %arg8[%swap3A_171, %swap3A_172] {strides = array<i32>} : memref<1x128xi32, #tpu.memory_space<vmem>>, vector<1x16xi32>,
      %swap3A_174 = vector.shape_cast %swap3A_173 : vector<1x16xi32> to vector<16xi32>
      %swap3A_175 = vector.shape_cast %select_n3A_169 : vector<16xi32> to vector<1x16xi32>
      tpu.vector_store %arg8[%swap3A_171, %swap3A_172], %swap3A_175 {strides = array<i32>} : memref<1x128xi32, #tpu.memory_space<vmem>>, vector<1x16xi32>,
      %get3A_176 = arith.constant 0 : i32
      %get3A_177 = arith.index_cast %get3A_176 : i32 to index
      %get3A_178 = arith.constant 112 : index
      %get3A_179 = tpu.vector_load %arg7[%get3A_177, %get3A_178] {strides = array<i32>} : memref<1x128xi32, #tpu.memory_space<vmem>>, vector<1x16xi32>,
      %get3A_180 = vector.shape_cast %get3A_179 : vector<1x16xi32> to vector<16xi32>
      %sub3A_181 = vector.broadcast %mul3A_0 : i32 to vector<16xi32>
      %sub3A_182 = arith.subi %get3A_180, %sub3A_181 : vector<16xi32>
      %ge3A_183 = arith.constant 0 : i32
      %ge3A_184 = vector.broadcast %ge3A_183 : i32 to vector<16xi32>
      %ge3A_185 = arith.cmpi sge, %sub3A_182, %ge3A_184 : vector<16xi32>
      %lt3A_186 = arith.constant 5056 : i32
      %lt3A_187 = vector.broadcast %lt3A_186 : i32 to vector<16xi32>
      %lt3A_188 = arith.cmpi slt, %sub3A_182, %lt3A_187 : vector<16xi32>
      %and3A_189 = arith.andi %ge3A_185, %lt3A_188 : vector<16xi1>
      %jit3A_190 = arith.constant 5056 : i32
      %broadcast_in_dim3A_191 = vector.broadcast %jit3A_190 : i32 to vector<16xi32>
      %select_n3A_192 = arith.select %and3A_189, %sub3A_182, %broadcast_in_dim3A_191 : vector<16xi1>, vector<16xi32>
      %swap3A_193 = arith.constant 0 : i32
      %swap3A_194 = arith.index_cast %swap3A_193 : i32 to index
      %swap3A_195 = arith.constant 112 : index
      %swap3A_196 = tpu.vector_load %arg8[%swap3A_194, %swap3A_195] {strides = array<i32>} : memref<1x128xi32, #tpu.memory_space<vmem>>, vector<1x16xi32>,
      %swap3A_197 = vector.shape_cast %swap3A_196 : vector<1x16xi32> to vector<16xi32>
      %swap3A_198 = vector.shape_cast %select_n3A_192 : vector<16xi32> to vector<1x16xi32>
      tpu.vector_store %arg8[%swap3A_194, %swap3A_195], %swap3A_198 {strides = array<i32>} : memref<1x128xi32, #tpu.memory_space<vmem>>, vector<1x16xi32>,
      %dma_start3A = arith.constant 0 : i32
      %dma_start3A_199 = arith.constant 0 : i32
      %dma_start3A_200 = tpu.memref_slice %arg6[%dma_start3A, %dma_start3A_199] : memref<1x128xi32, #tpu.memory_space<vmem>> -> memref<1x128xi32, #tpu.memory_space<vmem>>
      %dma_start3A_201 = tpu.memref_squeeze %dma_start3A_200 : memref<1x128xi32, #tpu.memory_space<vmem>> -> memref<128xi32, #tpu.memory_space<vmem>>
      %dma_start3A_202 = arith.constant 0 : i32
      %dma_start3A_203 = arith.constant 0 : i32
      %dma_start3A_204 = tpu.memref_slice %arg2[%dma_start3A_202, %dma_start3A_203] : memref<10112x128xf32, #tpu.memory_space<hbm>> -> memref<10112x128xf32, #tpu.memory_space<hbm>>
      tpu.enqueue_indirect_dma source(%dma_start3A_204 : memref<10112x128xf32, #tpu.memory_space<hbm>>) target(%arg9 : memref<128x128xf32, #tpu.memory_space<vmem>>) offsets(%dma_start3A_201 : memref<128xi32, #tpu.memory_space<vmem>>) semaphore(%arg12 : memref<!tpu.dma_semaphore, #tpu.memory_space<semaphore_mem>>)
      %dma_wait3A = arith.constant 0 : i32
      %dma_wait3A_205 = arith.constant 0 : i32
      %dma_wait3A_206 = tpu.memref_slice %arg6[%dma_wait3A, %dma_wait3A_205] : memref<1x128xi32, #tpu.memory_space<vmem>> -> memref<1x128xi32, #tpu.memory_space<vmem>>
      %dma_wait3A_207 = tpu.memref_squeeze %dma_wait3A_206 : memref<1x128xi32, #tpu.memory_space<vmem>> -> memref<128xi32, #tpu.memory_space<vmem>>
      %dma_wait3A_208 = arith.constant 0 : i32
      %dma_wait3A_209 = arith.constant 0 : i32
      %dma_wait3A_210 = tpu.memref_slice %arg2[%dma_wait3A_208, %dma_wait3A_209] : memref<10112x128xf32, #tpu.memory_space<hbm>> -> memref<10112x128xf32, #tpu.memory_space<hbm>>
      tpu.wait_indirect_dma semaphore(%arg12 : memref<!tpu.dma_semaphore, #tpu.memory_space<semaphore_mem>>) src(%dma_wait3A_210 : memref<10112x128xf32, #tpu.memory_space<hbm>>) dst(%arg9 : memref<128x128xf32, #tpu.memory_space<vmem>>)
      %run_scoped3A = arith.constant 0 : i32
      "tpu.region"() ({
        %run_scoped3A_212 = tpu.sem_alloc : memref<!tpu.dma_semaphore, #tpu.memory_space<semaphore_mem>>
        %dma_start3A_213 = arith.constant 0 : i32
        %dma_start3A_214 = tpu.memref_slice %arg8[%run_scoped3A, %dma_start3A_213] : memref<1x128xi32, #tpu.memory_space<vmem>> -> memref<1x128xi32, #tpu.memory_space<vmem>>
        %dma_start3A_215 = tpu.memref_squeeze %dma_start3A_214 : memref<1x128xi32, #tpu.memory_space<vmem>> -> memref<128xi32, #tpu.memory_space<vmem>>
        %dma_start3A_216 = arith.constant 0 : i32
        %dma_start3A_217 = arith.constant 0 : i32
        %dma_start3A_218 = tpu.memref_slice %arg11[%dma_start3A_216, %dma_start3A_217] : memref<5120x128xf32, #tpu.memory_space<vmem_shared>> -> memref<5120x128xf32, #tpu.memory_space<vmem_shared>>
        tpu.enqueue_indirect_dma source(%arg9 : memref<128x128xf32, #tpu.memory_space<vmem>>) target(%dma_start3A_218 : memref<5120x128xf32, #tpu.memory_space<vmem_shared>>) offsets(%dma_start3A_215 : memref<128xi32, #tpu.memory_space<vmem>>) semaphore(%run_scoped3A_212 : memref<!tpu.dma_semaphore, #tpu.memory_space<semaphore_mem>>) {add = true}
        %dma_wait3A_219 = arith.constant 0 : i32
        %dma_wait3A_220 = tpu.memref_slice %arg8[%run_scoped3A, %dma_wait3A_219] : memref<1x128xi32, #tpu.memory_space<vmem>> -> memref<1x128xi32, #tpu.memory_space<vmem>>
        %dma_wait3A_221 = tpu.memref_squeeze %dma_wait3A_220 : memref<1x128xi32, #tpu.memory_space<vmem>> -> memref<128xi32, #tpu.memory_space<vmem>>
        %dma_wait3A_222 = arith.constant 0 : i32
        %dma_wait3A_223 = arith.constant 0 : i32
        %dma_wait3A_224 = tpu.memref_slice %arg11[%dma_wait3A_222, %dma_wait3A_223] : memref<5120x128xf32, #tpu.memory_space<vmem_shared>> -> memref<5120x128xf32, #tpu.memory_space<vmem_shared>>
        tpu.wait_indirect_dma semaphore(%run_scoped3A_212 : memref<!tpu.dma_semaphore, #tpu.memory_space<semaphore_mem>>) src(%arg9 : memref<128x128xf32, #tpu.memory_space<vmem>>) dst(%dma_wait3A_224 : memref<5120x128xf32, #tpu.memory_space<vmem_shared>>)
        tpu.yield
      }) : () -> ()
      %scan3A_211 = arith.constant 0 : i32
      scf.yield %scan3A_211 : i32
    }
    %scan3A_15 = arith.constant 158 : i32
    %barrier3A_16 = arith.constant 0 : index
    tpu.barrier barrier_id(%barrier3A_16)
    %lt3A = arith.constant 8 : i32
    %lt3A_17 = arith.cmpi slt, %arg1, %lt3A : i32
    %convert_element_type3A = arith.extui %lt3A_17 : i1 to i32
    %cond3A = arith.constant 0 : i32
    %cond3A_18 = arith.cmpi ne, %convert_element_type3A, %cond3A : i32
    scf.if %cond3A_18 {
      %mul3A_19 = arith.constant 632 : i32
      %mul3A_20 = arith.muli %arg1, %mul3A_19 : i32
      %mul3A_21 = arith.constant 632 : i32
      %mul3A_22 = arith.muli %arg1, %mul3A_21 : i32
      %add3A = arith.addi %mul3A_0, %mul3A_22 : i32
      "tpu.region"() ({
        %run_scoped3A = tpu.sem_alloc : memref<!tpu.dma_semaphore, #tpu.memory_space<semaphore_mem>>
        %dma_start3A = arith.constant 0 : i32
        %dma_start3A_23 = tpu.memref_slice %arg5[%add3A, %dma_start3A] : memref<10112x128xf32, #tpu.memory_space<hbm>> -> memref<632x128xf32, #tpu.memory_space<hbm>>
        %dma_start3A_24 = arith.constant 0 : i32
        %dma_start3A_25 = tpu.memref_slice %arg11[%mul3A_20, %dma_start3A_24] : memref<5120x128xf32, #tpu.memory_space<vmem_shared>> -> memref<632x128xf32, #tpu.memory_space<vmem_shared>>
        tpu.enqueue_dma source(%dma_start3A_25 : memref<632x128xf32, #tpu.memory_space<vmem_shared>>) target(%dma_start3A_23 : memref<632x128xf32, #tpu.memory_space<hbm>>) target_semaphore(%run_scoped3A : memref<!tpu.dma_semaphore, #tpu.memory_space<semaphore_mem>>)
        %dma_wait3A = arith.constant 0 : i32
        %dma_wait3A_26 = tpu.memref_slice %arg5[%add3A, %dma_wait3A] : memref<10112x128xf32, #tpu.memory_space<hbm>> -> memref<632x128xf32, #tpu.memory_space<hbm>>
        %dma_wait3A_27 = arith.constant 0 : i32
        %dma_wait3A_28 = tpu.memref_slice %arg11[%mul3A_20, %dma_wait3A_27] : memref<5120x128xf32, #tpu.memory_space<vmem_shared>> -> memref<632x128xf32, #tpu.memory_space<vmem_shared>>
        tpu.wait_dma2 semaphore(%run_scoped3A : memref<!tpu.dma_semaphore, #tpu.memory_space<semaphore_mem>>) src(%dma_wait3A_28 : memref<632x128xf32, #tpu.memory_space<vmem_shared>>) dst(%dma_wait3A_26 : memref<632x128xf32, #tpu.memory_space<hbm>>)
        tpu.yield
      }) : () -> ()
    } else {
    }
    return
  }
}

#map = affine_map<(d0, d1) -> (0, 0)>
#map1 = affine_map<(d0, d1) -> (0, 0, 0)>
module attributes {stable_mosaic.version = 14 : i64} {
  func.func @_sc_agg(%arg0: i32, %arg1: i32, %arg2: memref<10112x128xf32, #tpu.memory_space<hbm>>, %arg3: memref<2528x1x128xi32, #tpu.memory_space<hbm>>, %arg4: memref<2528x1x128xi32, #tpu.memory_space<hbm>>, %arg5: memref<10112x128xf32, #tpu.memory_space<hbm>>, %arg6: memref<1x128xi32, #tpu.memory_space<vmem>>, %arg7: memref<1x128xi32, #tpu.memory_space<vmem>>, %arg8: memref<1x128xi32, #tpu.memory_space<vmem>>, %arg9: memref<128x128xf32, #tpu.memory_space<vmem>>, %arg10: memref<320x128xf32, #tpu.memory_space<vmem>>, %arg11: memref<5120x128xf32, #tpu.memory_space<vmem_shared>>, %arg12: memref<!tpu.dma_semaphore, #tpu.memory_space<semaphore_mem>>) attributes {dimension_semantics = [#tpu.dimension_semantics<core_parallel>, #tpu.dimension_semantics<subcore_parallel>], iteration_bounds = array<i64: 2, 16>, scalar_prefetch = 0 : i64, scratch_operands = 7 : i64, tpu.core_type = #tpu.core_type<sc_vector_subcore>, window_params = [{transform_indices = #map}, {transform_indices = #map1}, {transform_indices = #map1}, {transform_indices = #map}]} {
    %mul3A = arith.constant 5056 : i32
    %mul3A_0 = arith.muli %arg0, %mul3A : i32
    %scan3A = arith.constant 0 : i32
    %scan3A_1 = arith.constant 0 : i32
    %scan3A_2 = arith.constant 320 : i32
    %scan3A_3 = arith.addi %scan3A_1, %scan3A_2 : i32
    %scan3A_4 = arith.constant 1 : i32
    %scan3A_5 = scf.for %scan3A_19 = %scan3A_1 to %scan3A_3 step %scan3A_4 iter_args(%scan3A_20 = %scan3A) -> (i32)  : i32 {
      %broadcast_in_dim3A = arith.constant 0.000000e+00 : f32
      %broadcast_in_dim3A_21 = vector.broadcast %broadcast_in_dim3A : f32 to vector<16xf32>
      %swap3A = arith.index_cast %scan3A_19 : i32 to index
      %swap3A_22 = arith.constant 0 : index
      %swap3A_23 = tpu.vector_load %arg10[%swap3A, %swap3A_22] {strides = array<i32>} : memref<320x128xf32, #tpu.memory_space<vmem>>, vector<1x16xf32>,
      %swap3A_24 = vector.shape_cast %swap3A_23 : vector<1x16xf32> to vector<16xf32>
      %swap3A_25 = vector.shape_cast %broadcast_in_dim3A_21 : vector<16xf32> to vector<1x16xf32>
      tpu.vector_store %arg10[%swap3A, %swap3A_22], %swap3A_25 {strides = array<i32>} : memref<320x128xf32, #tpu.memory_space<vmem>>, vector<1x16xf32>,
      %broadcast_in_dim3A_26 = arith.constant 0.000000e+00 : f32
      %broadcast_in_dim3A_27 = vector.broadcast %broadcast_in_dim3A_26 : f32 to vector<16xf32>
      %swap3A_28 = arith.index_cast %scan3A_19 : i32 to index
      %swap3A_29 = arith.constant 16 : index
      %swap3A_30 = tpu.vector_load %arg10[%swap3A_28, %swap3A_29] {strides = array<i32>} : memref<320x128xf32, #tpu.memory_space<vmem>>, vector<1x16xf32>,
      %swap3A_31 = vector.shape_cast %swap3A_30 : vector<1x16xf32> to vector<16xf32>
      %swap3A_32 = vector.shape_cast %broadcast_in_dim3A_27 : vector<16xf32> to vector<1x16xf32>
      tpu.vector_store %arg10[%swap3A_28, %swap3A_29], %swap3A_32 {strides = array<i32>} : memref<320x128xf32, #tpu.memory_space<vmem>>, vector<1x16xf32>,
      %broadcast_in_dim3A_33 = arith.constant 0.000000e+00 : f32
      %broadcast_in_dim3A_34 = vector.broadcast %broadcast_in_dim3A_33 : f32 to vector<16xf32>
      %swap3A_35 = arith.index_cast %scan3A_19 : i32 to index
      %swap3A_36 = arith.constant 32 : index
      %swap3A_37 = tpu.vector_load %arg10[%swap3A_35, %swap3A_36] {strides = array<i32>} : memref<320x128xf32, #tpu.memory_space<vmem>>, vector<1x16xf32>,
      %swap3A_38 = vector.shape_cast %swap3A_37 : vector<1x16xf32> to vector<16xf32>
      %swap3A_39 = vector.shape_cast %broadcast_in_dim3A_34 : vector<16xf32> to vector<1x16xf32>
      tpu.vector_store %arg10[%swap3A_35, %swap3A_36], %swap3A_39 {strides = array<i32>} : memref<320x128xf32, #tpu.memory_space<vmem>>, vector<1x16xf32>,
      %broadcast_in_dim3A_40 = arith.constant 0.000000e+00 : f32
      %broadcast_in_dim3A_41 = vector.broadcast %broadcast_in_dim3A_40 : f32 to vector<16xf32>
      %swap3A_42 = arith.index_cast %scan3A_19 : i32 to index
      %swap3A_43 = arith.constant 48 : index
      %swap3A_44 = tpu.vector_load %arg10[%swap3A_42, %swap3A_43] {strides = array<i32>} : memref<320x128xf32, #tpu.memory_space<vmem>>, vector<1x16xf32>,
      %swap3A_45 = vector.shape_cast %swap3A_44 : vector<1x16xf32> to vector<16xf32>
      %swap3A_46 = vector.shape_cast %broadcast_in_dim3A_41 : vector<16xf32> to vector<1x16xf32>
      tpu.vector_store %arg10[%swap3A_42, %swap3A_43], %swap3A_46 {strides = array<i32>} : memref<320x128xf32, #tpu.memory_space<vmem>>, vector<1x16xf32>,
      %broadcast_in_dim3A_47 = arith.constant 0.000000e+00 : f32
      %broadcast_in_dim3A_48 = vector.broadcast %broadcast_in_dim3A_47 : f32 to vector<16xf32>
      %swap3A_49 = arith.index_cast %scan3A_19 : i32 to index
      %swap3A_50 = arith.constant 64 : index
      %swap3A_51 = tpu.vector_load %arg10[%swap3A_49, %swap3A_50] {strides = array<i32>} : memref<320x128xf32, #tpu.memory_space<vmem>>, vector<1x16xf32>,
      %swap3A_52 = vector.shape_cast %swap3A_51 : vector<1x16xf32> to vector<16xf32>
      %swap3A_53 = vector.shape_cast %broadcast_in_dim3A_48 : vector<16xf32> to vector<1x16xf32>
      tpu.vector_store %arg10[%swap3A_49, %swap3A_50], %swap3A_53 {strides = array<i32>} : memref<320x128xf32, #tpu.memory_space<vmem>>, vector<1x16xf32>,
      %broadcast_in_dim3A_54 = arith.constant 0.000000e+00 : f32
      %broadcast_in_dim3A_55 = vector.broadcast %broadcast_in_dim3A_54 : f32 to vector<16xf32>
      %swap3A_56 = arith.index_cast %scan3A_19 : i32 to index
      %swap3A_57 = arith.constant 80 : index
      %swap3A_58 = tpu.vector_load %arg10[%swap3A_56, %swap3A_57] {strides = array<i32>} : memref<320x128xf32, #tpu.memory_space<vmem>>, vector<1x16xf32>,
      %swap3A_59 = vector.shape_cast %swap3A_58 : vector<1x16xf32> to vector<16xf32>
      %swap3A_60 = vector.shape_cast %broadcast_in_dim3A_55 : vector<16xf32> to vector<1x16xf32>
      tpu.vector_store %arg10[%swap3A_56, %swap3A_57], %swap3A_60 {strides = array<i32>} : memref<320x128xf32, #tpu.memory_space<vmem>>, vector<1x16xf32>,
      %broadcast_in_dim3A_61 = arith.constant 0.000000e+00 : f32
      %broadcast_in_dim3A_62 = vector.broadcast %broadcast_in_dim3A_61 : f32 to vector<16xf32>
      %swap3A_63 = arith.index_cast %scan3A_19 : i32 to index
      %swap3A_64 = arith.constant 96 : index
      %swap3A_65 = tpu.vector_load %arg10[%swap3A_63, %swap3A_64] {strides = array<i32>} : memref<320x128xf32, #tpu.memory_space<vmem>>, vector<1x16xf32>,
      %swap3A_66 = vector.shape_cast %swap3A_65 : vector<1x16xf32> to vector<16xf32>
      %swap3A_67 = vector.shape_cast %broadcast_in_dim3A_62 : vector<16xf32> to vector<1x16xf32>
      tpu.vector_store %arg10[%swap3A_63, %swap3A_64], %swap3A_67 {strides = array<i32>} : memref<320x128xf32, #tpu.memory_space<vmem>>, vector<1x16xf32>,
      %broadcast_in_dim3A_68 = arith.constant 0.000000e+00 : f32
      %broadcast_in_dim3A_69 = vector.broadcast %broadcast_in_dim3A_68 : f32 to vector<16xf32>
      %swap3A_70 = arith.index_cast %scan3A_19 : i32 to index
      %swap3A_71 = arith.constant 112 : index
      %swap3A_72 = tpu.vector_load %arg10[%swap3A_70, %swap3A_71] {strides = array<i32>} : memref<320x128xf32, #tpu.memory_space<vmem>>, vector<1x16xf32>,
      %swap3A_73 = vector.shape_cast %swap3A_72 : vector<1x16xf32> to vector<16xf32>
      %swap3A_74 = vector.shape_cast %broadcast_in_dim3A_69 : vector<16xf32> to vector<1x16xf32>
      tpu.vector_store %arg10[%swap3A_70, %swap3A_71], %swap3A_74 {strides = array<i32>} : memref<320x128xf32, #tpu.memory_space<vmem>>, vector<1x16xf32>,
      %scan3A_75 = arith.constant 0 : i32
      scf.yield %scan3A_75 : i32
    }
    %scan3A_6 = arith.constant 320 : i32
    %mul3A_7 = arith.constant 320 : i32
    %mul3A_8 = arith.muli %arg1, %mul3A_7 : i32
    "tpu.region"() ({
      %run_scoped3A = tpu.sem_alloc : memref<!tpu.dma_semaphore, #tpu.memory_space<semaphore_mem>>
      %dma_start3A = arith.constant 0 : i32
      %dma_start3A_19 = tpu.memref_slice %arg11[%mul3A_8, %dma_start3A] : memref<5120x128xf32, #tpu.memory_space<vmem_shared>> -> memref<320x128xf32, #tpu.memory_space<vmem_shared>>
      %dma_start3A_20 = arith.constant 0 : i32
      %dma_start3A_21 = tpu.memref_slice %arg11[%mul3A_8, %dma_start3A_20] : memref<5120x128xf32, #tpu.memory_space<vmem_shared>> -> memref<320x128xf32, #tpu.memory_space<vmem_shared>>
      tpu.enqueue_dma source(%arg10 : memref<320x128xf32, #tpu.memory_space<vmem>>) target(%dma_start3A_21 : memref<320x128xf32, #tpu.memory_space<vmem_shared>>) target_semaphore(%run_scoped3A : memref<!tpu.dma_semaphore, #tpu.memory_space<semaphore_mem>>)
      %dma_wait3A = arith.constant 0 : i32
      %dma_wait3A_22 = tpu.memref_slice %arg11[%mul3A_8, %dma_wait3A] : memref<5120x128xf32, #tpu.memory_space<vmem_shared>> -> memref<320x128xf32, #tpu.memory_space<vmem_shared>>
      %dma_wait3A_23 = arith.constant 0 : i32
      %dma_wait3A_24 = tpu.memref_slice %arg11[%mul3A_8, %dma_wait3A_23] : memref<5120x128xf32, #tpu.memory_space<vmem_shared>> -> memref<320x128xf32, #tpu.memory_space<vmem_shared>>
      tpu.wait_dma2 semaphore(%run_scoped3A : memref<!tpu.dma_semaphore, #tpu.memory_space<semaphore_mem>>) src(%arg10 : memref<320x128xf32, #tpu.memory_space<vmem>>) dst(%dma_wait3A_24 : memref<320x128xf32, #tpu.memory_space<vmem_shared>>)
      tpu.yield
    }) : () -> ()
    %barrier3A = arith.constant 0 : index
    tpu.barrier barrier_id(%barrier3A)
    %scan3A_9 = arith.constant 0 : i32
    %scan3A_10 = arith.constant 0 : i32
    %scan3A_11 = arith.constant 158 : i32
    %scan3A_12 = arith.addi %scan3A_10, %scan3A_11 : i32
    %scan3A_13 = arith.constant 1 : i32
    %scan3A_14 = scf.for %scan3A_19 = %scan3A_10 to %scan3A_12 step %scan3A_13 iter_args(%scan3A_20 = %scan3A_9) -> (i32)  : i32 {
      %mul3A_21 = arith.constant 158 : i32
      %mul3A_22 = arith.muli %arg1, %mul3A_21 : i32
      %add3A = arith.addi %mul3A_22, %scan3A_19 : i32
      "tpu.region"() ({
        %run_scoped3A_212 = tpu.sem_alloc : memref<!tpu.dma_semaphore, #tpu.memory_space<semaphore_mem>>
        %dma_start3A_213 = arith.constant 0 : i32
        %dma_start3A_214 = arith.constant 0 : i32
        %dma_start3A_215 = tpu.memref_slice %arg3[%add3A, %dma_start3A_213, %dma_start3A_214] : memref<2528x1x128xi32, #tpu.memory_space<hbm>> -> memref<1x1x128xi32, #tpu.memory_space<hbm>>
        %dma_start3A_216 = tpu.memref_squeeze %dma_start3A_215 : memref<1x1x128xi32, #tpu.memory_space<hbm>> -> memref<1x128xi32, #tpu.memory_space<hbm>>
        %dma_start3A_217 = arith.constant 0 : i32
        %dma_start3A_218 = arith.constant 0 : i32
        %dma_start3A_219 = tpu.memref_slice %arg3[%add3A, %dma_start3A_217, %dma_start3A_218] : memref<2528x1x128xi32, #tpu.memory_space<hbm>> -> memref<1x1x128xi32, #tpu.memory_space<hbm>>
        %dma_start3A_220 = tpu.memref_squeeze %dma_start3A_219 : memref<1x1x128xi32, #tpu.memory_space<hbm>> -> memref<1x128xi32, #tpu.memory_space<hbm>>
        tpu.enqueue_dma source(%dma_start3A_220 : memref<1x128xi32, #tpu.memory_space<hbm>>) target(%arg6 : memref<1x128xi32, #tpu.memory_space<vmem>>) target_semaphore(%run_scoped3A_212 : memref<!tpu.dma_semaphore, #tpu.memory_space<semaphore_mem>>)
        %dma_wait3A_221 = arith.constant 0 : i32
        %dma_wait3A_222 = arith.constant 0 : i32
        %dma_wait3A_223 = tpu.memref_slice %arg3[%add3A, %dma_wait3A_221, %dma_wait3A_222] : memref<2528x1x128xi32, #tpu.memory_space<hbm>> -> memref<1x1x128xi32, #tpu.memory_space<hbm>>
        %dma_wait3A_224 = tpu.memref_squeeze %dma_wait3A_223 : memref<1x1x128xi32, #tpu.memory_space<hbm>> -> memref<1x128xi32, #tpu.memory_space<hbm>>
        %dma_wait3A_225 = arith.constant 0 : i32
        %dma_wait3A_226 = arith.constant 0 : i32
        %dma_wait3A_227 = tpu.memref_slice %arg3[%add3A, %dma_wait3A_225, %dma_wait3A_226] : memref<2528x1x128xi32, #tpu.memory_space<hbm>> -> memref<1x1x128xi32, #tpu.memory_space<hbm>>
        %dma_wait3A_228 = tpu.memref_squeeze %dma_wait3A_227 : memref<1x1x128xi32, #tpu.memory_space<hbm>> -> memref<1x128xi32, #tpu.memory_space<hbm>>
        tpu.wait_dma2 semaphore(%run_scoped3A_212 : memref<!tpu.dma_semaphore, #tpu.memory_space<semaphore_mem>>) src(%dma_wait3A_228 : memref<1x128xi32, #tpu.memory_space<hbm>>) dst(%arg6 : memref<1x128xi32, #tpu.memory_space<vmem>>)
        tpu.yield
      }) : () -> ()
      "tpu.region"() ({
        %run_scoped3A_212 = tpu.sem_alloc : memref<!tpu.dma_semaphore, #tpu.memory_space<semaphore_mem>>
        %dma_start3A_213 = arith.constant 0 : i32
        %dma_start3A_214 = arith.constant 0 : i32
        %dma_start3A_215 = tpu.memref_slice %arg4[%add3A, %dma_start3A_213, %dma_start3A_214] : memref<2528x1x128xi32, #tpu.memory_space<hbm>> -> memref<1x1x128xi32, #tpu.memory_space<hbm>>
        %dma_start3A_216 = tpu.memref_squeeze %dma_start3A_215 : memref<1x1x128xi32, #tpu.memory_space<hbm>> -> memref<1x128xi32, #tpu.memory_space<hbm>>
        %dma_start3A_217 = arith.constant 0 : i32
        %dma_start3A_218 = arith.constant 0 : i32
        %dma_start3A_219 = tpu.memref_slice %arg4[%add3A, %dma_start3A_217, %dma_start3A_218] : memref<2528x1x128xi32, #tpu.memory_space<hbm>> -> memref<1x1x128xi32, #tpu.memory_space<hbm>>
        %dma_start3A_220 = tpu.memref_squeeze %dma_start3A_219 : memref<1x1x128xi32, #tpu.memory_space<hbm>> -> memref<1x128xi32, #tpu.memory_space<hbm>>
        tpu.enqueue_dma source(%dma_start3A_220 : memref<1x128xi32, #tpu.memory_space<hbm>>) target(%arg7 : memref<1x128xi32, #tpu.memory_space<vmem>>) target_semaphore(%run_scoped3A_212 : memref<!tpu.dma_semaphore, #tpu.memory_space<semaphore_mem>>)
        %dma_wait3A_221 = arith.constant 0 : i32
        %dma_wait3A_222 = arith.constant 0 : i32
        %dma_wait3A_223 = tpu.memref_slice %arg4[%add3A, %dma_wait3A_221, %dma_wait3A_222] : memref<2528x1x128xi32, #tpu.memory_space<hbm>> -> memref<1x1x128xi32, #tpu.memory_space<hbm>>
        %dma_wait3A_224 = tpu.memref_squeeze %dma_wait3A_223 : memref<1x1x128xi32, #tpu.memory_space<hbm>> -> memref<1x128xi32, #tpu.memory_space<hbm>>
        %dma_wait3A_225 = arith.constant 0 : i32
        %dma_wait3A_226 = arith.constant 0 : i32
        %dma_wait3A_227 = tpu.memref_slice %arg4[%add3A, %dma_wait3A_225, %dma_wait3A_226] : memref<2528x1x128xi32, #tpu.memory_space<hbm>> -> memref<1x1x128xi32, #tpu.memory_space<hbm>>
        %dma_wait3A_228 = tpu.memref_squeeze %dma_wait3A_227 : memref<1x1x128xi32, #tpu.memory_space<hbm>> -> memref<1x128xi32, #tpu.memory_space<hbm>>
        tpu.wait_dma2 semaphore(%run_scoped3A_212 : memref<!tpu.dma_semaphore, #tpu.memory_space<semaphore_mem>>) src(%dma_wait3A_228 : memref<1x128xi32, #tpu.memory_space<hbm>>) dst(%arg7 : memref<1x128xi32, #tpu.memory_space<vmem>>)
        tpu.yield
      }) : () -> ()
      %get3A = arith.constant 0 : i32
      %get3A_23 = arith.index_cast %get3A : i32 to index
      %get3A_24 = arith.constant 0 : index
      %get3A_25 = tpu.vector_load %arg7[%get3A_23, %get3A_24] {strides = array<i32>} : memref<1x128xi32, #tpu.memory_space<vmem>>, vector<1x16xi32>,
      %get3A_26 = vector.shape_cast %get3A_25 : vector<1x16xi32> to vector<16xi32>
      %sub3A = vector.broadcast %mul3A_0 : i32 to vector<16xi32>
      %sub3A_27 = arith.subi %get3A_26, %sub3A : vector<16xi32>
      %ge3A = arith.constant 0 : i32
      %ge3A_28 = vector.broadcast %ge3A : i32 to vector<16xi32>
      %ge3A_29 = arith.cmpi sge, %sub3A_27, %ge3A_28 : vector<16xi32>
      %lt3A_30 = arith.constant 5056 : i32
      %lt3A_31 = vector.broadcast %lt3A_30 : i32 to vector<16xi32>
      %lt3A_32 = arith.cmpi slt, %sub3A_27, %lt3A_31 : vector<16xi32>
      %and3A = arith.andi %ge3A_29, %lt3A_32 : vector<16xi1>
      %jit3A = arith.constant 5056 : i32
      %broadcast_in_dim3A = vector.broadcast %jit3A : i32 to vector<16xi32>
      %select_n3A = arith.select %and3A, %sub3A_27, %broadcast_in_dim3A : vector<16xi1>, vector<16xi32>
      %swap3A = arith.constant 0 : i32
      %swap3A_33 = arith.index_cast %swap3A : i32 to index
      %swap3A_34 = arith.constant 0 : index
      %swap3A_35 = tpu.vector_load %arg8[%swap3A_33, %swap3A_34] {strides = array<i32>} : memref<1x128xi32, #tpu.memory_space<vmem>>, vector<1x16xi32>,
      %swap3A_36 = vector.shape_cast %swap3A_35 : vector<1x16xi32> to vector<16xi32>
      %swap3A_37 = vector.shape_cast %select_n3A : vector<16xi32> to vector<1x16xi32>
      tpu.vector_store %arg8[%swap3A_33, %swap3A_34], %swap3A_37 {strides = array<i32>} : memref<1x128xi32, #tpu.memory_space<vmem>>, vector<1x16xi32>,
      %get3A_38 = arith.constant 0 : i32
      %get3A_39 = arith.index_cast %get3A_38 : i32 to index
      %get3A_40 = arith.constant 16 : index
      %get3A_41 = tpu.vector_load %arg7[%get3A_39, %get3A_40] {strides = array<i32>} : memref<1x128xi32, #tpu.memory_space<vmem>>, vector<1x16xi32>,
      %get3A_42 = vector.shape_cast %get3A_41 : vector<1x16xi32> to vector<16xi32>
      %sub3A_43 = vector.broadcast %mul3A_0 : i32 to vector<16xi32>
      %sub3A_44 = arith.subi %get3A_42, %sub3A_43 : vector<16xi32>
      %ge3A_45 = arith.constant 0 : i32
      %ge3A_46 = vector.broadcast %ge3A_45 : i32 to vector<16xi32>
      %ge3A_47 = arith.cmpi sge, %sub3A_44, %ge3A_46 : vector<16xi32>
      %lt3A_48 = arith.constant 5056 : i32
      %lt3A_49 = vector.broadcast %lt3A_48 : i32 to vector<16xi32>
      %lt3A_50 = arith.cmpi slt, %sub3A_44, %lt3A_49 : vector<16xi32>
      %and3A_51 = arith.andi %ge3A_47, %lt3A_50 : vector<16xi1>
      %jit3A_52 = arith.constant 5056 : i32
      %broadcast_in_dim3A_53 = vector.broadcast %jit3A_52 : i32 to vector<16xi32>
      %select_n3A_54 = arith.select %and3A_51, %sub3A_44, %broadcast_in_dim3A_53 : vector<16xi1>, vector<16xi32>
      %swap3A_55 = arith.constant 0 : i32
      %swap3A_56 = arith.index_cast %swap3A_55 : i32 to index
      %swap3A_57 = arith.constant 16 : index
      %swap3A_58 = tpu.vector_load %arg8[%swap3A_56, %swap3A_57] {strides = array<i32>} : memref<1x128xi32, #tpu.memory_space<vmem>>, vector<1x16xi32>,
      %swap3A_59 = vector.shape_cast %swap3A_58 : vector<1x16xi32> to vector<16xi32>
      %swap3A_60 = vector.shape_cast %select_n3A_54 : vector<16xi32> to vector<1x16xi32>
      tpu.vector_store %arg8[%swap3A_56, %swap3A_57], %swap3A_60 {strides = array<i32>} : memref<1x128xi32, #tpu.memory_space<vmem>>, vector<1x16xi32>,
      %get3A_61 = arith.constant 0 : i32
      %get3A_62 = arith.index_cast %get3A_61 : i32 to index
      %get3A_63 = arith.constant 32 : index
      %get3A_64 = tpu.vector_load %arg7[%get3A_62, %get3A_63] {strides = array<i32>} : memref<1x128xi32, #tpu.memory_space<vmem>>, vector<1x16xi32>,
      %get3A_65 = vector.shape_cast %get3A_64 : vector<1x16xi32> to vector<16xi32>
      %sub3A_66 = vector.broadcast %mul3A_0 : i32 to vector<16xi32>
      %sub3A_67 = arith.subi %get3A_65, %sub3A_66 : vector<16xi32>
      %ge3A_68 = arith.constant 0 : i32
      %ge3A_69 = vector.broadcast %ge3A_68 : i32 to vector<16xi32>
      %ge3A_70 = arith.cmpi sge, %sub3A_67, %ge3A_69 : vector<16xi32>
      %lt3A_71 = arith.constant 5056 : i32
      %lt3A_72 = vector.broadcast %lt3A_71 : i32 to vector<16xi32>
      %lt3A_73 = arith.cmpi slt, %sub3A_67, %lt3A_72 : vector<16xi32>
      %and3A_74 = arith.andi %ge3A_70, %lt3A_73 : vector<16xi1>
      %jit3A_75 = arith.constant 5056 : i32
      %broadcast_in_dim3A_76 = vector.broadcast %jit3A_75 : i32 to vector<16xi32>
      %select_n3A_77 = arith.select %and3A_74, %sub3A_67, %broadcast_in_dim3A_76 : vector<16xi1>, vector<16xi32>
      %swap3A_78 = arith.constant 0 : i32
      %swap3A_79 = arith.index_cast %swap3A_78 : i32 to index
      %swap3A_80 = arith.constant 32 : index
      %swap3A_81 = tpu.vector_load %arg8[%swap3A_79, %swap3A_80] {strides = array<i32>} : memref<1x128xi32, #tpu.memory_space<vmem>>, vector<1x16xi32>,
      %swap3A_82 = vector.shape_cast %swap3A_81 : vector<1x16xi32> to vector<16xi32>
      %swap3A_83 = vector.shape_cast %select_n3A_77 : vector<16xi32> to vector<1x16xi32>
      tpu.vector_store %arg8[%swap3A_79, %swap3A_80], %swap3A_83 {strides = array<i32>} : memref<1x128xi32, #tpu.memory_space<vmem>>, vector<1x16xi32>,
      %get3A_84 = arith.constant 0 : i32
      %get3A_85 = arith.index_cast %get3A_84 : i32 to index
      %get3A_86 = arith.constant 48 : index
      %get3A_87 = tpu.vector_load %arg7[%get3A_85, %get3A_86] {strides = array<i32>} : memref<1x128xi32, #tpu.memory_space<vmem>>, vector<1x16xi32>,
      %get3A_88 = vector.shape_cast %get3A_87 : vector<1x16xi32> to vector<16xi32>
      %sub3A_89 = vector.broadcast %mul3A_0 : i32 to vector<16xi32>
      %sub3A_90 = arith.subi %get3A_88, %sub3A_89 : vector<16xi32>
      %ge3A_91 = arith.constant 0 : i32
      %ge3A_92 = vector.broadcast %ge3A_91 : i32 to vector<16xi32>
      %ge3A_93 = arith.cmpi sge, %sub3A_90, %ge3A_92 : vector<16xi32>
      %lt3A_94 = arith.constant 5056 : i32
      %lt3A_95 = vector.broadcast %lt3A_94 : i32 to vector<16xi32>
      %lt3A_96 = arith.cmpi slt, %sub3A_90, %lt3A_95 : vector<16xi32>
      %and3A_97 = arith.andi %ge3A_93, %lt3A_96 : vector<16xi1>
      %jit3A_98 = arith.constant 5056 : i32
      %broadcast_in_dim3A_99 = vector.broadcast %jit3A_98 : i32 to vector<16xi32>
      %select_n3A_100 = arith.select %and3A_97, %sub3A_90, %broadcast_in_dim3A_99 : vector<16xi1>, vector<16xi32>
      %swap3A_101 = arith.constant 0 : i32
      %swap3A_102 = arith.index_cast %swap3A_101 : i32 to index
      %swap3A_103 = arith.constant 48 : index
      %swap3A_104 = tpu.vector_load %arg8[%swap3A_102, %swap3A_103] {strides = array<i32>} : memref<1x128xi32, #tpu.memory_space<vmem>>, vector<1x16xi32>,
      %swap3A_105 = vector.shape_cast %swap3A_104 : vector<1x16xi32> to vector<16xi32>
      %swap3A_106 = vector.shape_cast %select_n3A_100 : vector<16xi32> to vector<1x16xi32>
      tpu.vector_store %arg8[%swap3A_102, %swap3A_103], %swap3A_106 {strides = array<i32>} : memref<1x128xi32, #tpu.memory_space<vmem>>, vector<1x16xi32>,
      %get3A_107 = arith.constant 0 : i32
      %get3A_108 = arith.index_cast %get3A_107 : i32 to index
      %get3A_109 = arith.constant 64 : index
      %get3A_110 = tpu.vector_load %arg7[%get3A_108, %get3A_109] {strides = array<i32>} : memref<1x128xi32, #tpu.memory_space<vmem>>, vector<1x16xi32>,
      %get3A_111 = vector.shape_cast %get3A_110 : vector<1x16xi32> to vector<16xi32>
      %sub3A_112 = vector.broadcast %mul3A_0 : i32 to vector<16xi32>
      %sub3A_113 = arith.subi %get3A_111, %sub3A_112 : vector<16xi32>
      %ge3A_114 = arith.constant 0 : i32
      %ge3A_115 = vector.broadcast %ge3A_114 : i32 to vector<16xi32>
      %ge3A_116 = arith.cmpi sge, %sub3A_113, %ge3A_115 : vector<16xi32>
      %lt3A_117 = arith.constant 5056 : i32
      %lt3A_118 = vector.broadcast %lt3A_117 : i32 to vector<16xi32>
      %lt3A_119 = arith.cmpi slt, %sub3A_113, %lt3A_118 : vector<16xi32>
      %and3A_120 = arith.andi %ge3A_116, %lt3A_119 : vector<16xi1>
      %jit3A_121 = arith.constant 5056 : i32
      %broadcast_in_dim3A_122 = vector.broadcast %jit3A_121 : i32 to vector<16xi32>
      %select_n3A_123 = arith.select %and3A_120, %sub3A_113, %broadcast_in_dim3A_122 : vector<16xi1>, vector<16xi32>
      %swap3A_124 = arith.constant 0 : i32
      %swap3A_125 = arith.index_cast %swap3A_124 : i32 to index
      %swap3A_126 = arith.constant 64 : index
      %swap3A_127 = tpu.vector_load %arg8[%swap3A_125, %swap3A_126] {strides = array<i32>} : memref<1x128xi32, #tpu.memory_space<vmem>>, vector<1x16xi32>,
      %swap3A_128 = vector.shape_cast %swap3A_127 : vector<1x16xi32> to vector<16xi32>
      %swap3A_129 = vector.shape_cast %select_n3A_123 : vector<16xi32> to vector<1x16xi32>
      tpu.vector_store %arg8[%swap3A_125, %swap3A_126], %swap3A_129 {strides = array<i32>} : memref<1x128xi32, #tpu.memory_space<vmem>>, vector<1x16xi32>,
      %get3A_130 = arith.constant 0 : i32
      %get3A_131 = arith.index_cast %get3A_130 : i32 to index
      %get3A_132 = arith.constant 80 : index
      %get3A_133 = tpu.vector_load %arg7[%get3A_131, %get3A_132] {strides = array<i32>} : memref<1x128xi32, #tpu.memory_space<vmem>>, vector<1x16xi32>,
      %get3A_134 = vector.shape_cast %get3A_133 : vector<1x16xi32> to vector<16xi32>
      %sub3A_135 = vector.broadcast %mul3A_0 : i32 to vector<16xi32>
      %sub3A_136 = arith.subi %get3A_134, %sub3A_135 : vector<16xi32>
      %ge3A_137 = arith.constant 0 : i32
      %ge3A_138 = vector.broadcast %ge3A_137 : i32 to vector<16xi32>
      %ge3A_139 = arith.cmpi sge, %sub3A_136, %ge3A_138 : vector<16xi32>
      %lt3A_140 = arith.constant 5056 : i32
      %lt3A_141 = vector.broadcast %lt3A_140 : i32 to vector<16xi32>
      %lt3A_142 = arith.cmpi slt, %sub3A_136, %lt3A_141 : vector<16xi32>
      %and3A_143 = arith.andi %ge3A_139, %lt3A_142 : vector<16xi1>
      %jit3A_144 = arith.constant 5056 : i32
      %broadcast_in_dim3A_145 = vector.broadcast %jit3A_144 : i32 to vector<16xi32>
      %select_n3A_146 = arith.select %and3A_143, %sub3A_136, %broadcast_in_dim3A_145 : vector<16xi1>, vector<16xi32>
      %swap3A_147 = arith.constant 0 : i32
      %swap3A_148 = arith.index_cast %swap3A_147 : i32 to index
      %swap3A_149 = arith.constant 80 : index
      %swap3A_150 = tpu.vector_load %arg8[%swap3A_148, %swap3A_149] {strides = array<i32>} : memref<1x128xi32, #tpu.memory_space<vmem>>, vector<1x16xi32>,
      %swap3A_151 = vector.shape_cast %swap3A_150 : vector<1x16xi32> to vector<16xi32>
      %swap3A_152 = vector.shape_cast %select_n3A_146 : vector<16xi32> to vector<1x16xi32>
      tpu.vector_store %arg8[%swap3A_148, %swap3A_149], %swap3A_152 {strides = array<i32>} : memref<1x128xi32, #tpu.memory_space<vmem>>, vector<1x16xi32>,
      %get3A_153 = arith.constant 0 : i32
      %get3A_154 = arith.index_cast %get3A_153 : i32 to index
      %get3A_155 = arith.constant 96 : index
      %get3A_156 = tpu.vector_load %arg7[%get3A_154, %get3A_155] {strides = array<i32>} : memref<1x128xi32, #tpu.memory_space<vmem>>, vector<1x16xi32>,
      %get3A_157 = vector.shape_cast %get3A_156 : vector<1x16xi32> to vector<16xi32>
      %sub3A_158 = vector.broadcast %mul3A_0 : i32 to vector<16xi32>
      %sub3A_159 = arith.subi %get3A_157, %sub3A_158 : vector<16xi32>
      %ge3A_160 = arith.constant 0 : i32
      %ge3A_161 = vector.broadcast %ge3A_160 : i32 to vector<16xi32>
      %ge3A_162 = arith.cmpi sge, %sub3A_159, %ge3A_161 : vector<16xi32>
      %lt3A_163 = arith.constant 5056 : i32
      %lt3A_164 = vector.broadcast %lt3A_163 : i32 to vector<16xi32>
      %lt3A_165 = arith.cmpi slt, %sub3A_159, %lt3A_164 : vector<16xi32>
      %and3A_166 = arith.andi %ge3A_162, %lt3A_165 : vector<16xi1>
      %jit3A_167 = arith.constant 5056 : i32
      %broadcast_in_dim3A_168 = vector.broadcast %jit3A_167 : i32 to vector<16xi32>
      %select_n3A_169 = arith.select %and3A_166, %sub3A_159, %broadcast_in_dim3A_168 : vector<16xi1>, vector<16xi32>
      %swap3A_170 = arith.constant 0 : i32
      %swap3A_171 = arith.index_cast %swap3A_170 : i32 to index
      %swap3A_172 = arith.constant 96 : index
      %swap3A_173 = tpu.vector_load %arg8[%swap3A_171, %swap3A_172] {strides = array<i32>} : memref<1x128xi32, #tpu.memory_space<vmem>>, vector<1x16xi32>,
      %swap3A_174 = vector.shape_cast %swap3A_173 : vector<1x16xi32> to vector<16xi32>
      %swap3A_175 = vector.shape_cast %select_n3A_169 : vector<16xi32> to vector<1x16xi32>
      tpu.vector_store %arg8[%swap3A_171, %swap3A_172], %swap3A_175 {strides = array<i32>} : memref<1x128xi32, #tpu.memory_space<vmem>>, vector<1x16xi32>,
      %get3A_176 = arith.constant 0 : i32
      %get3A_177 = arith.index_cast %get3A_176 : i32 to index
      %get3A_178 = arith.constant 112 : index
      %get3A_179 = tpu.vector_load %arg7[%get3A_177, %get3A_178] {strides = array<i32>} : memref<1x128xi32, #tpu.memory_space<vmem>>, vector<1x16xi32>,
      %get3A_180 = vector.shape_cast %get3A_179 : vector<1x16xi32> to vector<16xi32>
      %sub3A_181 = vector.broadcast %mul3A_0 : i32 to vector<16xi32>
      %sub3A_182 = arith.subi %get3A_180, %sub3A_181 : vector<16xi32>
      %ge3A_183 = arith.constant 0 : i32
      %ge3A_184 = vector.broadcast %ge3A_183 : i32 to vector<16xi32>
      %ge3A_185 = arith.cmpi sge, %sub3A_182, %ge3A_184 : vector<16xi32>
      %lt3A_186 = arith.constant 5056 : i32
      %lt3A_187 = vector.broadcast %lt3A_186 : i32 to vector<16xi32>
      %lt3A_188 = arith.cmpi slt, %sub3A_182, %lt3A_187 : vector<16xi32>
      %and3A_189 = arith.andi %ge3A_185, %lt3A_188 : vector<16xi1>
      %jit3A_190 = arith.constant 5056 : i32
      %broadcast_in_dim3A_191 = vector.broadcast %jit3A_190 : i32 to vector<16xi32>
      %select_n3A_192 = arith.select %and3A_189, %sub3A_182, %broadcast_in_dim3A_191 : vector<16xi1>, vector<16xi32>
      %swap3A_193 = arith.constant 0 : i32
      %swap3A_194 = arith.index_cast %swap3A_193 : i32 to index
      %swap3A_195 = arith.constant 112 : index
      %swap3A_196 = tpu.vector_load %arg8[%swap3A_194, %swap3A_195] {strides = array<i32>} : memref<1x128xi32, #tpu.memory_space<vmem>>, vector<1x16xi32>,
      %swap3A_197 = vector.shape_cast %swap3A_196 : vector<1x16xi32> to vector<16xi32>
      %swap3A_198 = vector.shape_cast %select_n3A_192 : vector<16xi32> to vector<1x16xi32>
      tpu.vector_store %arg8[%swap3A_194, %swap3A_195], %swap3A_198 {strides = array<i32>} : memref<1x128xi32, #tpu.memory_space<vmem>>, vector<1x16xi32>,
      %dma_start3A = arith.constant 0 : i32
      %dma_start3A_199 = arith.constant 0 : i32
      %dma_start3A_200 = tpu.memref_slice %arg6[%dma_start3A, %dma_start3A_199] : memref<1x128xi32, #tpu.memory_space<vmem>> -> memref<1x128xi32, #tpu.memory_space<vmem>>
      %dma_start3A_201 = tpu.memref_squeeze %dma_start3A_200 : memref<1x128xi32, #tpu.memory_space<vmem>> -> memref<128xi32, #tpu.memory_space<vmem>>
      %dma_start3A_202 = arith.constant 0 : i32
      %dma_start3A_203 = arith.constant 0 : i32
      %dma_start3A_204 = tpu.memref_slice %arg2[%dma_start3A_202, %dma_start3A_203] : memref<10112x128xf32, #tpu.memory_space<hbm>> -> memref<10112x128xf32, #tpu.memory_space<hbm>>
      tpu.enqueue_indirect_dma source(%dma_start3A_204 : memref<10112x128xf32, #tpu.memory_space<hbm>>) target(%arg9 : memref<128x128xf32, #tpu.memory_space<vmem>>) offsets(%dma_start3A_201 : memref<128xi32, #tpu.memory_space<vmem>>) semaphore(%arg12 : memref<!tpu.dma_semaphore, #tpu.memory_space<semaphore_mem>>)
      %dma_wait3A = arith.constant 0 : i32
      %dma_wait3A_205 = arith.constant 0 : i32
      %dma_wait3A_206 = tpu.memref_slice %arg6[%dma_wait3A, %dma_wait3A_205] : memref<1x128xi32, #tpu.memory_space<vmem>> -> memref<1x128xi32, #tpu.memory_space<vmem>>
      %dma_wait3A_207 = tpu.memref_squeeze %dma_wait3A_206 : memref<1x128xi32, #tpu.memory_space<vmem>> -> memref<128xi32, #tpu.memory_space<vmem>>
      %dma_wait3A_208 = arith.constant 0 : i32
      %dma_wait3A_209 = arith.constant 0 : i32
      %dma_wait3A_210 = tpu.memref_slice %arg2[%dma_wait3A_208, %dma_wait3A_209] : memref<10112x128xf32, #tpu.memory_space<hbm>> -> memref<10112x128xf32, #tpu.memory_space<hbm>>
      tpu.wait_indirect_dma semaphore(%arg12 : memref<!tpu.dma_semaphore, #tpu.memory_space<semaphore_mem>>) src(%dma_wait3A_210 : memref<10112x128xf32, #tpu.memory_space<hbm>>) dst(%arg9 : memref<128x128xf32, #tpu.memory_space<vmem>>)
      %run_scoped3A = arith.constant 0 : i32
      "tpu.region"() ({
        %run_scoped3A_212 = tpu.sem_alloc : memref<!tpu.dma_semaphore, #tpu.memory_space<semaphore_mem>>
        %dma_start3A_213 = arith.constant 0 : i32
        %dma_start3A_214 = tpu.memref_slice %arg8[%run_scoped3A, %dma_start3A_213] : memref<1x128xi32, #tpu.memory_space<vmem>> -> memref<1x128xi32, #tpu.memory_space<vmem>>
        %dma_start3A_215 = tpu.memref_squeeze %dma_start3A_214 : memref<1x128xi32, #tpu.memory_space<vmem>> -> memref<128xi32, #tpu.memory_space<vmem>>
        %dma_start3A_216 = arith.constant 0 : i32
        %dma_start3A_217 = arith.constant 0 : i32
        %dma_start3A_218 = tpu.memref_slice %arg11[%dma_start3A_216, %dma_start3A_217] : memref<5120x128xf32, #tpu.memory_space<vmem_shared>> -> memref<5120x128xf32, #tpu.memory_space<vmem_shared>>
        tpu.enqueue_indirect_dma source(%arg9 : memref<128x128xf32, #tpu.memory_space<vmem>>) target(%dma_start3A_218 : memref<5120x128xf32, #tpu.memory_space<vmem_shared>>) offsets(%dma_start3A_215 : memref<128xi32, #tpu.memory_space<vmem>>) semaphore(%run_scoped3A_212 : memref<!tpu.dma_semaphore, #tpu.memory_space<semaphore_mem>>) {add = true}
        %dma_wait3A_219 = arith.constant 0 : i32
        %dma_wait3A_220 = tpu.memref_slice %arg8[%run_scoped3A, %dma_wait3A_219] : memref<1x128xi32, #tpu.memory_space<vmem>> -> memref<1x128xi32, #tpu.memory_space<vmem>>
        %dma_wait3A_221 = tpu.memref_squeeze %dma_wait3A_220 : memref<1x128xi32, #tpu.memory_space<vmem>> -> memref<128xi32, #tpu.memory_space<vmem>>
        %dma_wait3A_222 = arith.constant 0 : i32
        %dma_wait3A_223 = arith.constant 0 : i32
        %dma_wait3A_224 = tpu.memref_slice %arg11[%dma_wait3A_222, %dma_wait3A_223] : memref<5120x128xf32, #tpu.memory_space<vmem_shared>> -> memref<5120x128xf32, #tpu.memory_space<vmem_shared>>
        tpu.wait_indirect_dma semaphore(%run_scoped3A_212 : memref<!tpu.dma_semaphore, #tpu.memory_space<semaphore_mem>>) src(%arg9 : memref<128x128xf32, #tpu.memory_space<vmem>>) dst(%dma_wait3A_224 : memref<5120x128xf32, #tpu.memory_space<vmem_shared>>)
        tpu.yield
      }) : () -> ()
      %scan3A_211 = arith.constant 0 : i32
      scf.yield %scan3A_211 : i32
    }
    %scan3A_15 = arith.constant 158 : i32
    %barrier3A_16 = arith.constant 0 : index
    tpu.barrier barrier_id(%barrier3A_16)
    %lt3A = arith.constant 8 : i32
    %lt3A_17 = arith.cmpi slt, %arg1, %lt3A : i32
    %convert_element_type3A = arith.extui %lt3A_17 : i1 to i32
    %cond3A = arith.constant 0 : i32
    %cond3A_18 = arith.cmpi ne, %convert_element_type3A, %cond3A : i32
    scf.if %cond3A_18 {
      %mul3A_19 = arith.constant 632 : i32
      %mul3A_20 = arith.muli %arg1, %mul3A_19 : i32
      %mul3A_21 = arith.constant 632 : i32
      %mul3A_22 = arith.muli %arg1, %mul3A_21 : i32
      %add3A = arith.addi %mul3A_0, %mul3A_22 : i32
      "tpu.region"() ({
        %run_scoped3A = tpu.sem_alloc : memref<!tpu.dma_semaphore, #tpu.memory_space<semaphore_mem>>
        %dma_start3A = arith.constant 0 : i32
        %dma_start3A_23 = tpu.memref_slice %arg5[%add3A, %dma_start3A] : memref<10112x128xf32, #tpu.memory_space<hbm>> -> memref<632x128xf32, #tpu.memory_space<hbm>>
        %dma_start3A_24 = arith.constant 0 : i32
        %dma_start3A_25 = tpu.memref_slice %arg11[%mul3A_20, %dma_start3A_24] : memref<5120x128xf32, #tpu.memory_space<vmem_shared>> -> memref<632x128xf32, #tpu.memory_space<vmem_shared>>
        tpu.enqueue_dma source(%dma_start3A_25 : memref<632x128xf32, #tpu.memory_space<vmem_shared>>) target(%dma_start3A_23 : memref<632x128xf32, #tpu.memory_space<hbm>>) target_semaphore(%run_scoped3A : memref<!tpu.dma_semaphore, #tpu.memory_space<semaphore_mem>>)
        %dma_wait3A = arith.constant 0 : i32
        %dma_wait3A_26 = tpu.memref_slice %arg5[%add3A, %dma_wait3A] : memref<10112x128xf32, #tpu.memory_space<hbm>> -> memref<632x128xf32, #tpu.memory_space<hbm>>
        %dma_wait3A_27 = arith.constant 0 : i32
        %dma_wait3A_28 = tpu.memref_slice %arg11[%mul3A_20, %dma_wait3A_27] : memref<5120x128xf32, #tpu.memory_space<vmem_shared>> -> memref<632x128xf32, #tpu.memory_space<vmem_shared>>
        tpu.wait_dma2 semaphore(%run_scoped3A : memref<!tpu.dma_semaphore, #tpu.memory_space<semaphore_mem>>) src(%dma_wait3A_28 : memref<632x128xf32, #tpu.memory_space<vmem_shared>>) dst(%dma_wait3A_26 : memref<632x128xf32, #tpu.memory_space<hbm>>)
        tpu.yield
      }) : () -> ()
    } else {
    }
    return
  }
}

#map = affine_map<(d0, d1) -> (0, 0)>
#map1 = affine_map<(d0, d1) -> (0, 0, 0)>
module attributes {stable_mosaic.version = 14 : i64} {
  func.func @_sc_agg(%arg0: i32, %arg1: i32, %arg2: memref<10112x128xf32, #tpu.memory_space<hbm>>, %arg3: memref<2528x1x128xi32, #tpu.memory_space<hbm>>, %arg4: memref<2528x1x128xi32, #tpu.memory_space<hbm>>, %arg5: memref<10112x128xf32, #tpu.memory_space<hbm>>, %arg6: memref<1x128xi32, #tpu.memory_space<vmem>>, %arg7: memref<1x128xi32, #tpu.memory_space<vmem>>, %arg8: memref<1x128xi32, #tpu.memory_space<vmem>>, %arg9: memref<128x128xf32, #tpu.memory_space<vmem>>, %arg10: memref<320x128xf32, #tpu.memory_space<vmem>>, %arg11: memref<5120x128xf32, #tpu.memory_space<vmem_shared>>, %arg12: memref<!tpu.dma_semaphore, #tpu.memory_space<semaphore_mem>>) attributes {dimension_semantics = [#tpu.dimension_semantics<core_parallel>, #tpu.dimension_semantics<subcore_parallel>], iteration_bounds = array<i64: 2, 16>, scalar_prefetch = 0 : i64, scratch_operands = 7 : i64, tpu.core_type = #tpu.core_type<sc_vector_subcore>, window_params = [{transform_indices = #map}, {transform_indices = #map1}, {transform_indices = #map1}, {transform_indices = #map}]} {
    %mul3A = arith.constant 5056 : i32
    %mul3A_0 = arith.muli %arg0, %mul3A : i32
    %scan3A = arith.constant 0 : i32
    %scan3A_1 = arith.constant 0 : i32
    %scan3A_2 = arith.constant 320 : i32
    %scan3A_3 = arith.addi %scan3A_1, %scan3A_2 : i32
    %scan3A_4 = arith.constant 1 : i32
    %scan3A_5 = scf.for %scan3A_19 = %scan3A_1 to %scan3A_3 step %scan3A_4 iter_args(%scan3A_20 = %scan3A) -> (i32)  : i32 {
      %broadcast_in_dim3A = arith.constant 0.000000e+00 : f32
      %broadcast_in_dim3A_21 = vector.broadcast %broadcast_in_dim3A : f32 to vector<16xf32>
      %swap3A = arith.index_cast %scan3A_19 : i32 to index
      %swap3A_22 = arith.constant 0 : index
      %swap3A_23 = tpu.vector_load %arg10[%swap3A, %swap3A_22] {strides = array<i32>} : memref<320x128xf32, #tpu.memory_space<vmem>>, vector<1x16xf32>,
      %swap3A_24 = vector.shape_cast %swap3A_23 : vector<1x16xf32> to vector<16xf32>
      %swap3A_25 = vector.shape_cast %broadcast_in_dim3A_21 : vector<16xf32> to vector<1x16xf32>
      tpu.vector_store %arg10[%swap3A, %swap3A_22], %swap3A_25 {strides = array<i32>} : memref<320x128xf32, #tpu.memory_space<vmem>>, vector<1x16xf32>,
      %broadcast_in_dim3A_26 = arith.constant 0.000000e+00 : f32
      %broadcast_in_dim3A_27 = vector.broadcast %broadcast_in_dim3A_26 : f32 to vector<16xf32>
      %swap3A_28 = arith.index_cast %scan3A_19 : i32 to index
      %swap3A_29 = arith.constant 16 : index
      %swap3A_30 = tpu.vector_load %arg10[%swap3A_28, %swap3A_29] {strides = array<i32>} : memref<320x128xf32, #tpu.memory_space<vmem>>, vector<1x16xf32>,
      %swap3A_31 = vector.shape_cast %swap3A_30 : vector<1x16xf32> to vector<16xf32>
      %swap3A_32 = vector.shape_cast %broadcast_in_dim3A_27 : vector<16xf32> to vector<1x16xf32>
      tpu.vector_store %arg10[%swap3A_28, %swap3A_29], %swap3A_32 {strides = array<i32>} : memref<320x128xf32, #tpu.memory_space<vmem>>, vector<1x16xf32>,
      %broadcast_in_dim3A_33 = arith.constant 0.000000e+00 : f32
      %broadcast_in_dim3A_34 = vector.broadcast %broadcast_in_dim3A_33 : f32 to vector<16xf32>
      %swap3A_35 = arith.index_cast %scan3A_19 : i32 to index
      %swap3A_36 = arith.constant 32 : index
      %swap3A_37 = tpu.vector_load %arg10[%swap3A_35, %swap3A_36] {strides = array<i32>} : memref<320x128xf32, #tpu.memory_space<vmem>>, vector<1x16xf32>,
      %swap3A_38 = vector.shape_cast %swap3A_37 : vector<1x16xf32> to vector<16xf32>
      %swap3A_39 = vector.shape_cast %broadcast_in_dim3A_34 : vector<16xf32> to vector<1x16xf32>
      tpu.vector_store %arg10[%swap3A_35, %swap3A_36], %swap3A_39 {strides = array<i32>} : memref<320x128xf32, #tpu.memory_space<vmem>>, vector<1x16xf32>,
      %broadcast_in_dim3A_40 = arith.constant 0.000000e+00 : f32
      %broadcast_in_dim3A_41 = vector.broadcast %broadcast_in_dim3A_40 : f32 to vector<16xf32>
      %swap3A_42 = arith.index_cast %scan3A_19 : i32 to index
      %swap3A_43 = arith.constant 48 : index
      %swap3A_44 = tpu.vector_load %arg10[%swap3A_42, %swap3A_43] {strides = array<i32>} : memref<320x128xf32, #tpu.memory_space<vmem>>, vector<1x16xf32>,
      %swap3A_45 = vector.shape_cast %swap3A_44 : vector<1x16xf32> to vector<16xf32>
      %swap3A_46 = vector.shape_cast %broadcast_in_dim3A_41 : vector<16xf32> to vector<1x16xf32>
      tpu.vector_store %arg10[%swap3A_42, %swap3A_43], %swap3A_46 {strides = array<i32>} : memref<320x128xf32, #tpu.memory_space<vmem>>, vector<1x16xf32>,
      %broadcast_in_dim3A_47 = arith.constant 0.000000e+00 : f32
      %broadcast_in_dim3A_48 = vector.broadcast %broadcast_in_dim3A_47 : f32 to vector<16xf32>
      %swap3A_49 = arith.index_cast %scan3A_19 : i32 to index
      %swap3A_50 = arith.constant 64 : index
      %swap3A_51 = tpu.vector_load %arg10[%swap3A_49, %swap3A_50] {strides = array<i32>} : memref<320x128xf32, #tpu.memory_space<vmem>>, vector<1x16xf32>,
      %swap3A_52 = vector.shape_cast %swap3A_51 : vector<1x16xf32> to vector<16xf32>
      %swap3A_53 = vector.shape_cast %broadcast_in_dim3A_48 : vector<16xf32> to vector<1x16xf32>
      tpu.vector_store %arg10[%swap3A_49, %swap3A_50], %swap3A_53 {strides = array<i32>} : memref<320x128xf32, #tpu.memory_space<vmem>>, vector<1x16xf32>,
      %broadcast_in_dim3A_54 = arith.constant 0.000000e+00 : f32
      %broadcast_in_dim3A_55 = vector.broadcast %broadcast_in_dim3A_54 : f32 to vector<16xf32>
      %swap3A_56 = arith.index_cast %scan3A_19 : i32 to index
      %swap3A_57 = arith.constant 80 : index
      %swap3A_58 = tpu.vector_load %arg10[%swap3A_56, %swap3A_57] {strides = array<i32>} : memref<320x128xf32, #tpu.memory_space<vmem>>, vector<1x16xf32>,
      %swap3A_59 = vector.shape_cast %swap3A_58 : vector<1x16xf32> to vector<16xf32>
      %swap3A_60 = vector.shape_cast %broadcast_in_dim3A_55 : vector<16xf32> to vector<1x16xf32>
      tpu.vector_store %arg10[%swap3A_56, %swap3A_57], %swap3A_60 {strides = array<i32>} : memref<320x128xf32, #tpu.memory_space<vmem>>, vector<1x16xf32>,
      %broadcast_in_dim3A_61 = arith.constant 0.000000e+00 : f32
      %broadcast_in_dim3A_62 = vector.broadcast %broadcast_in_dim3A_61 : f32 to vector<16xf32>
      %swap3A_63 = arith.index_cast %scan3A_19 : i32 to index
      %swap3A_64 = arith.constant 96 : index
      %swap3A_65 = tpu.vector_load %arg10[%swap3A_63, %swap3A_64] {strides = array<i32>} : memref<320x128xf32, #tpu.memory_space<vmem>>, vector<1x16xf32>,
      %swap3A_66 = vector.shape_cast %swap3A_65 : vector<1x16xf32> to vector<16xf32>
      %swap3A_67 = vector.shape_cast %broadcast_in_dim3A_62 : vector<16xf32> to vector<1x16xf32>
      tpu.vector_store %arg10[%swap3A_63, %swap3A_64], %swap3A_67 {strides = array<i32>} : memref<320x128xf32, #tpu.memory_space<vmem>>, vector<1x16xf32>,
      %broadcast_in_dim3A_68 = arith.constant 0.000000e+00 : f32
      %broadcast_in_dim3A_69 = vector.broadcast %broadcast_in_dim3A_68 : f32 to vector<16xf32>
      %swap3A_70 = arith.index_cast %scan3A_19 : i32 to index
      %swap3A_71 = arith.constant 112 : index
      %swap3A_72 = tpu.vector_load %arg10[%swap3A_70, %swap3A_71] {strides = array<i32>} : memref<320x128xf32, #tpu.memory_space<vmem>>, vector<1x16xf32>,
      %swap3A_73 = vector.shape_cast %swap3A_72 : vector<1x16xf32> to vector<16xf32>
      %swap3A_74 = vector.shape_cast %broadcast_in_dim3A_69 : vector<16xf32> to vector<1x16xf32>
      tpu.vector_store %arg10[%swap3A_70, %swap3A_71], %swap3A_74 {strides = array<i32>} : memref<320x128xf32, #tpu.memory_space<vmem>>, vector<1x16xf32>,
      %scan3A_75 = arith.constant 0 : i32
      scf.yield %scan3A_75 : i32
    }
    %scan3A_6 = arith.constant 320 : i32
    %mul3A_7 = arith.constant 320 : i32
    %mul3A_8 = arith.muli %arg1, %mul3A_7 : i32
    "tpu.region"() ({
      %run_scoped3A = tpu.sem_alloc : memref<!tpu.dma_semaphore, #tpu.memory_space<semaphore_mem>>
      %dma_start3A = arith.constant 0 : i32
      %dma_start3A_19 = tpu.memref_slice %arg11[%mul3A_8, %dma_start3A] : memref<5120x128xf32, #tpu.memory_space<vmem_shared>> -> memref<320x128xf32, #tpu.memory_space<vmem_shared>>
      %dma_start3A_20 = arith.constant 0 : i32
      %dma_start3A_21 = tpu.memref_slice %arg11[%mul3A_8, %dma_start3A_20] : memref<5120x128xf32, #tpu.memory_space<vmem_shared>> -> memref<320x128xf32, #tpu.memory_space<vmem_shared>>
      tpu.enqueue_dma source(%arg10 : memref<320x128xf32, #tpu.memory_space<vmem>>) target(%dma_start3A_21 : memref<320x128xf32, #tpu.memory_space<vmem_shared>>) target_semaphore(%run_scoped3A : memref<!tpu.dma_semaphore, #tpu.memory_space<semaphore_mem>>)
      %dma_wait3A = arith.constant 0 : i32
      %dma_wait3A_22 = tpu.memref_slice %arg11[%mul3A_8, %dma_wait3A] : memref<5120x128xf32, #tpu.memory_space<vmem_shared>> -> memref<320x128xf32, #tpu.memory_space<vmem_shared>>
      %dma_wait3A_23 = arith.constant 0 : i32
      %dma_wait3A_24 = tpu.memref_slice %arg11[%mul3A_8, %dma_wait3A_23] : memref<5120x128xf32, #tpu.memory_space<vmem_shared>> -> memref<320x128xf32, #tpu.memory_space<vmem_shared>>
      tpu.wait_dma2 semaphore(%run_scoped3A : memref<!tpu.dma_semaphore, #tpu.memory_space<semaphore_mem>>) src(%arg10 : memref<320x128xf32, #tpu.memory_space<vmem>>) dst(%dma_wait3A_24 : memref<320x128xf32, #tpu.memory_space<vmem_shared>>)
      tpu.yield
    }) : () -> ()
    %barrier3A = arith.constant 0 : index
    tpu.barrier barrier_id(%barrier3A)
    %scan3A_9 = arith.constant 0 : i32
    %scan3A_10 = arith.constant 0 : i32
    %scan3A_11 = arith.constant 158 : i32
    %scan3A_12 = arith.addi %scan3A_10, %scan3A_11 : i32
    %scan3A_13 = arith.constant 1 : i32
    %scan3A_14 = scf.for %scan3A_19 = %scan3A_10 to %scan3A_12 step %scan3A_13 iter_args(%scan3A_20 = %scan3A_9) -> (i32)  : i32 {
      %mul3A_21 = arith.constant 158 : i32
      %mul3A_22 = arith.muli %arg1, %mul3A_21 : i32
      %add3A = arith.addi %mul3A_22, %scan3A_19 : i32
      "tpu.region"() ({
        %run_scoped3A_212 = tpu.sem_alloc : memref<!tpu.dma_semaphore, #tpu.memory_space<semaphore_mem>>
        %dma_start3A_213 = arith.constant 0 : i32
        %dma_start3A_214 = arith.constant 0 : i32
        %dma_start3A_215 = tpu.memref_slice %arg3[%add3A, %dma_start3A_213, %dma_start3A_214] : memref<2528x1x128xi32, #tpu.memory_space<hbm>> -> memref<1x1x128xi32, #tpu.memory_space<hbm>>
        %dma_start3A_216 = tpu.memref_squeeze %dma_start3A_215 : memref<1x1x128xi32, #tpu.memory_space<hbm>> -> memref<1x128xi32, #tpu.memory_space<hbm>>
        %dma_start3A_217 = arith.constant 0 : i32
        %dma_start3A_218 = arith.constant 0 : i32
        %dma_start3A_219 = tpu.memref_slice %arg3[%add3A, %dma_start3A_217, %dma_start3A_218] : memref<2528x1x128xi32, #tpu.memory_space<hbm>> -> memref<1x1x128xi32, #tpu.memory_space<hbm>>
        %dma_start3A_220 = tpu.memref_squeeze %dma_start3A_219 : memref<1x1x128xi32, #tpu.memory_space<hbm>> -> memref<1x128xi32, #tpu.memory_space<hbm>>
        tpu.enqueue_dma source(%dma_start3A_220 : memref<1x128xi32, #tpu.memory_space<hbm>>) target(%arg6 : memref<1x128xi32, #tpu.memory_space<vmem>>) target_semaphore(%run_scoped3A_212 : memref<!tpu.dma_semaphore, #tpu.memory_space<semaphore_mem>>)
        %dma_wait3A_221 = arith.constant 0 : i32
        %dma_wait3A_222 = arith.constant 0 : i32
        %dma_wait3A_223 = tpu.memref_slice %arg3[%add3A, %dma_wait3A_221, %dma_wait3A_222] : memref<2528x1x128xi32, #tpu.memory_space<hbm>> -> memref<1x1x128xi32, #tpu.memory_space<hbm>>
        %dma_wait3A_224 = tpu.memref_squeeze %dma_wait3A_223 : memref<1x1x128xi32, #tpu.memory_space<hbm>> -> memref<1x128xi32, #tpu.memory_space<hbm>>
        %dma_wait3A_225 = arith.constant 0 : i32
        %dma_wait3A_226 = arith.constant 0 : i32
        %dma_wait3A_227 = tpu.memref_slice %arg3[%add3A, %dma_wait3A_225, %dma_wait3A_226] : memref<2528x1x128xi32, #tpu.memory_space<hbm>> -> memref<1x1x128xi32, #tpu.memory_space<hbm>>
        %dma_wait3A_228 = tpu.memref_squeeze %dma_wait3A_227 : memref<1x1x128xi32, #tpu.memory_space<hbm>> -> memref<1x128xi32, #tpu.memory_space<hbm>>
        tpu.wait_dma2 semaphore(%run_scoped3A_212 : memref<!tpu.dma_semaphore, #tpu.memory_space<semaphore_mem>>) src(%dma_wait3A_228 : memref<1x128xi32, #tpu.memory_space<hbm>>) dst(%arg6 : memref<1x128xi32, #tpu.memory_space<vmem>>)
        tpu.yield
      }) : () -> ()
      "tpu.region"() ({
        %run_scoped3A_212 = tpu.sem_alloc : memref<!tpu.dma_semaphore, #tpu.memory_space<semaphore_mem>>
        %dma_start3A_213 = arith.constant 0 : i32
        %dma_start3A_214 = arith.constant 0 : i32
        %dma_start3A_215 = tpu.memref_slice %arg4[%add3A, %dma_start3A_213, %dma_start3A_214] : memref<2528x1x128xi32, #tpu.memory_space<hbm>> -> memref<1x1x128xi32, #tpu.memory_space<hbm>>
        %dma_start3A_216 = tpu.memref_squeeze %dma_start3A_215 : memref<1x1x128xi32, #tpu.memory_space<hbm>> -> memref<1x128xi32, #tpu.memory_space<hbm>>
        %dma_start3A_217 = arith.constant 0 : i32
        %dma_start3A_218 = arith.constant 0 : i32
        %dma_start3A_219 = tpu.memref_slice %arg4[%add3A, %dma_start3A_217, %dma_start3A_218] : memref<2528x1x128xi32, #tpu.memory_space<hbm>> -> memref<1x1x128xi32, #tpu.memory_space<hbm>>
        %dma_start3A_220 = tpu.memref_squeeze %dma_start3A_219 : memref<1x1x128xi32, #tpu.memory_space<hbm>> -> memref<1x128xi32, #tpu.memory_space<hbm>>
        tpu.enqueue_dma source(%dma_start3A_220 : memref<1x128xi32, #tpu.memory_space<hbm>>) target(%arg7 : memref<1x128xi32, #tpu.memory_space<vmem>>) target_semaphore(%run_scoped3A_212 : memref<!tpu.dma_semaphore, #tpu.memory_space<semaphore_mem>>)
        %dma_wait3A_221 = arith.constant 0 : i32
        %dma_wait3A_222 = arith.constant 0 : i32
        %dma_wait3A_223 = tpu.memref_slice %arg4[%add3A, %dma_wait3A_221, %dma_wait3A_222] : memref<2528x1x128xi32, #tpu.memory_space<hbm>> -> memref<1x1x128xi32, #tpu.memory_space<hbm>>
        %dma_wait3A_224 = tpu.memref_squeeze %dma_wait3A_223 : memref<1x1x128xi32, #tpu.memory_space<hbm>> -> memref<1x128xi32, #tpu.memory_space<hbm>>
        %dma_wait3A_225 = arith.constant 0 : i32
        %dma_wait3A_226 = arith.constant 0 : i32
        %dma_wait3A_227 = tpu.memref_slice %arg4[%add3A, %dma_wait3A_225, %dma_wait3A_226] : memref<2528x1x128xi32, #tpu.memory_space<hbm>> -> memref<1x1x128xi32, #tpu.memory_space<hbm>>
        %dma_wait3A_228 = tpu.memref_squeeze %dma_wait3A_227 : memref<1x1x128xi32, #tpu.memory_space<hbm>> -> memref<1x128xi32, #tpu.memory_space<hbm>>
        tpu.wait_dma2 semaphore(%run_scoped3A_212 : memref<!tpu.dma_semaphore, #tpu.memory_space<semaphore_mem>>) src(%dma_wait3A_228 : memref<1x128xi32, #tpu.memory_space<hbm>>) dst(%arg7 : memref<1x128xi32, #tpu.memory_space<vmem>>)
        tpu.yield
      }) : () -> ()
      %get3A = arith.constant 0 : i32
      %get3A_23 = arith.index_cast %get3A : i32 to index
      %get3A_24 = arith.constant 0 : index
      %get3A_25 = tpu.vector_load %arg7[%get3A_23, %get3A_24] {strides = array<i32>} : memref<1x128xi32, #tpu.memory_space<vmem>>, vector<1x16xi32>,
      %get3A_26 = vector.shape_cast %get3A_25 : vector<1x16xi32> to vector<16xi32>
      %sub3A = vector.broadcast %mul3A_0 : i32 to vector<16xi32>
      %sub3A_27 = arith.subi %get3A_26, %sub3A : vector<16xi32>
      %ge3A = arith.constant 0 : i32
      %ge3A_28 = vector.broadcast %ge3A : i32 to vector<16xi32>
      %ge3A_29 = arith.cmpi sge, %sub3A_27, %ge3A_28 : vector<16xi32>
      %lt3A_30 = arith.constant 5056 : i32
      %lt3A_31 = vector.broadcast %lt3A_30 : i32 to vector<16xi32>
      %lt3A_32 = arith.cmpi slt, %sub3A_27, %lt3A_31 : vector<16xi32>
      %and3A = arith.andi %ge3A_29, %lt3A_32 : vector<16xi1>
      %jit3A = arith.constant 5056 : i32
      %broadcast_in_dim3A = vector.broadcast %jit3A : i32 to vector<16xi32>
      %select_n3A = arith.select %and3A, %sub3A_27, %broadcast_in_dim3A : vector<16xi1>, vector<16xi32>
      %swap3A = arith.constant 0 : i32
      %swap3A_33 = arith.index_cast %swap3A : i32 to index
      %swap3A_34 = arith.constant 0 : index
      %swap3A_35 = tpu.vector_load %arg8[%swap3A_33, %swap3A_34] {strides = array<i32>} : memref<1x128xi32, #tpu.memory_space<vmem>>, vector<1x16xi32>,
      %swap3A_36 = vector.shape_cast %swap3A_35 : vector<1x16xi32> to vector<16xi32>
      %swap3A_37 = vector.shape_cast %select_n3A : vector<16xi32> to vector<1x16xi32>
      tpu.vector_store %arg8[%swap3A_33, %swap3A_34], %swap3A_37 {strides = array<i32>} : memref<1x128xi32, #tpu.memory_space<vmem>>, vector<1x16xi32>,
      %get3A_38 = arith.constant 0 : i32
      %get3A_39 = arith.index_cast %get3A_38 : i32 to index
      %get3A_40 = arith.constant 16 : index
      %get3A_41 = tpu.vector_load %arg7[%get3A_39, %get3A_40] {strides = array<i32>} : memref<1x128xi32, #tpu.memory_space<vmem>>, vector<1x16xi32>,
      %get3A_42 = vector.shape_cast %get3A_41 : vector<1x16xi32> to vector<16xi32>
      %sub3A_43 = vector.broadcast %mul3A_0 : i32 to vector<16xi32>
      %sub3A_44 = arith.subi %get3A_42, %sub3A_43 : vector<16xi32>
      %ge3A_45 = arith.constant 0 : i32
      %ge3A_46 = vector.broadcast %ge3A_45 : i32 to vector<16xi32>
      %ge3A_47 = arith.cmpi sge, %sub3A_44, %ge3A_46 : vector<16xi32>
      %lt3A_48 = arith.constant 5056 : i32
      %lt3A_49 = vector.broadcast %lt3A_48 : i32 to vector<16xi32>
      %lt3A_50 = arith.cmpi slt, %sub3A_44, %lt3A_49 : vector<16xi32>
      %and3A_51 = arith.andi %ge3A_47, %lt3A_50 : vector<16xi1>
      %jit3A_52 = arith.constant 5056 : i32
      %broadcast_in_dim3A_53 = vector.broadcast %jit3A_52 : i32 to vector<16xi32>
      %select_n3A_54 = arith.select %and3A_51, %sub3A_44, %broadcast_in_dim3A_53 : vector<16xi1>, vector<16xi32>
      %swap3A_55 = arith.constant 0 : i32
      %swap3A_56 = arith.index_cast %swap3A_55 : i32 to index
      %swap3A_57 = arith.constant 16 : index
      %swap3A_58 = tpu.vector_load %arg8[%swap3A_56, %swap3A_57] {strides = array<i32>} : memref<1x128xi32, #tpu.memory_space<vmem>>, vector<1x16xi32>,
      %swap3A_59 = vector.shape_cast %swap3A_58 : vector<1x16xi32> to vector<16xi32>
      %swap3A_60 = vector.shape_cast %select_n3A_54 : vector<16xi32> to vector<1x16xi32>
      tpu.vector_store %arg8[%swap3A_56, %swap3A_57], %swap3A_60 {strides = array<i32>} : memref<1x128xi32, #tpu.memory_space<vmem>>, vector<1x16xi32>,
      %get3A_61 = arith.constant 0 : i32
      %get3A_62 = arith.index_cast %get3A_61 : i32 to index
      %get3A_63 = arith.constant 32 : index
      %get3A_64 = tpu.vector_load %arg7[%get3A_62, %get3A_63] {strides = array<i32>} : memref<1x128xi32, #tpu.memory_space<vmem>>, vector<1x16xi32>,
      %get3A_65 = vector.shape_cast %get3A_64 : vector<1x16xi32> to vector<16xi32>
      %sub3A_66 = vector.broadcast %mul3A_0 : i32 to vector<16xi32>
      %sub3A_67 = arith.subi %get3A_65, %sub3A_66 : vector<16xi32>
      %ge3A_68 = arith.constant 0 : i32
      %ge3A_69 = vector.broadcast %ge3A_68 : i32 to vector<16xi32>
      %ge3A_70 = arith.cmpi sge, %sub3A_67, %ge3A_69 : vector<16xi32>
      %lt3A_71 = arith.constant 5056 : i32
      %lt3A_72 = vector.broadcast %lt3A_71 : i32 to vector<16xi32>
      %lt3A_73 = arith.cmpi slt, %sub3A_67, %lt3A_72 : vector<16xi32>
      %and3A_74 = arith.andi %ge3A_70, %lt3A_73 : vector<16xi1>
      %jit3A_75 = arith.constant 5056 : i32
      %broadcast_in_dim3A_76 = vector.broadcast %jit3A_75 : i32 to vector<16xi32>
      %select_n3A_77 = arith.select %and3A_74, %sub3A_67, %broadcast_in_dim3A_76 : vector<16xi1>, vector<16xi32>
      %swap3A_78 = arith.constant 0 : i32
      %swap3A_79 = arith.index_cast %swap3A_78 : i32 to index
      %swap3A_80 = arith.constant 32 : index
      %swap3A_81 = tpu.vector_load %arg8[%swap3A_79, %swap3A_80] {strides = array<i32>} : memref<1x128xi32, #tpu.memory_space<vmem>>, vector<1x16xi32>,
      %swap3A_82 = vector.shape_cast %swap3A_81 : vector<1x16xi32> to vector<16xi32>
      %swap3A_83 = vector.shape_cast %select_n3A_77 : vector<16xi32> to vector<1x16xi32>
      tpu.vector_store %arg8[%swap3A_79, %swap3A_80], %swap3A_83 {strides = array<i32>} : memref<1x128xi32, #tpu.memory_space<vmem>>, vector<1x16xi32>,
      %get3A_84 = arith.constant 0 : i32
      %get3A_85 = arith.index_cast %get3A_84 : i32 to index
      %get3A_86 = arith.constant 48 : index
      %get3A_87 = tpu.vector_load %arg7[%get3A_85, %get3A_86] {strides = array<i32>} : memref<1x128xi32, #tpu.memory_space<vmem>>, vector<1x16xi32>,
      %get3A_88 = vector.shape_cast %get3A_87 : vector<1x16xi32> to vector<16xi32>
      %sub3A_89 = vector.broadcast %mul3A_0 : i32 to vector<16xi32>
      %sub3A_90 = arith.subi %get3A_88, %sub3A_89 : vector<16xi32>
      %ge3A_91 = arith.constant 0 : i32
      %ge3A_92 = vector.broadcast %ge3A_91 : i32 to vector<16xi32>
      %ge3A_93 = arith.cmpi sge, %sub3A_90, %ge3A_92 : vector<16xi32>
      %lt3A_94 = arith.constant 5056 : i32
      %lt3A_95 = vector.broadcast %lt3A_94 : i32 to vector<16xi32>
      %lt3A_96 = arith.cmpi slt, %sub3A_90, %lt3A_95 : vector<16xi32>
      %and3A_97 = arith.andi %ge3A_93, %lt3A_96 : vector<16xi1>
      %jit3A_98 = arith.constant 5056 : i32
      %broadcast_in_dim3A_99 = vector.broadcast %jit3A_98 : i32 to vector<16xi32>
      %select_n3A_100 = arith.select %and3A_97, %sub3A_90, %broadcast_in_dim3A_99 : vector<16xi1>, vector<16xi32>
      %swap3A_101 = arith.constant 0 : i32
      %swap3A_102 = arith.index_cast %swap3A_101 : i32 to index
      %swap3A_103 = arith.constant 48 : index
      %swap3A_104 = tpu.vector_load %arg8[%swap3A_102, %swap3A_103] {strides = array<i32>} : memref<1x128xi32, #tpu.memory_space<vmem>>, vector<1x16xi32>,
      %swap3A_105 = vector.shape_cast %swap3A_104 : vector<1x16xi32> to vector<16xi32>
      %swap3A_106 = vector.shape_cast %select_n3A_100 : vector<16xi32> to vector<1x16xi32>
      tpu.vector_store %arg8[%swap3A_102, %swap3A_103], %swap3A_106 {strides = array<i32>} : memref<1x128xi32, #tpu.memory_space<vmem>>, vector<1x16xi32>,
      %get3A_107 = arith.constant 0 : i32
      %get3A_108 = arith.index_cast %get3A_107 : i32 to index
      %get3A_109 = arith.constant 64 : index
      %get3A_110 = tpu.vector_load %arg7[%get3A_108, %get3A_109] {strides = array<i32>} : memref<1x128xi32, #tpu.memory_space<vmem>>, vector<1x16xi32>,
      %get3A_111 = vector.shape_cast %get3A_110 : vector<1x16xi32> to vector<16xi32>
      %sub3A_112 = vector.broadcast %mul3A_0 : i32 to vector<16xi32>
      %sub3A_113 = arith.subi %get3A_111, %sub3A_112 : vector<16xi32>
      %ge3A_114 = arith.constant 0 : i32
      %ge3A_115 = vector.broadcast %ge3A_114 : i32 to vector<16xi32>
      %ge3A_116 = arith.cmpi sge, %sub3A_113, %ge3A_115 : vector<16xi32>
      %lt3A_117 = arith.constant 5056 : i32
      %lt3A_118 = vector.broadcast %lt3A_117 : i32 to vector<16xi32>
      %lt3A_119 = arith.cmpi slt, %sub3A_113, %lt3A_118 : vector<16xi32>
      %and3A_120 = arith.andi %ge3A_116, %lt3A_119 : vector<16xi1>
      %jit3A_121 = arith.constant 5056 : i32
      %broadcast_in_dim3A_122 = vector.broadcast %jit3A_121 : i32 to vector<16xi32>
      %select_n3A_123 = arith.select %and3A_120, %sub3A_113, %broadcast_in_dim3A_122 : vector<16xi1>, vector<16xi32>
      %swap3A_124 = arith.constant 0 : i32
      %swap3A_125 = arith.index_cast %swap3A_124 : i32 to index
      %swap3A_126 = arith.constant 64 : index
      %swap3A_127 = tpu.vector_load %arg8[%swap3A_125, %swap3A_126] {strides = array<i32>} : memref<1x128xi32, #tpu.memory_space<vmem>>, vector<1x16xi32>,
      %swap3A_128 = vector.shape_cast %swap3A_127 : vector<1x16xi32> to vector<16xi32>
      %swap3A_129 = vector.shape_cast %select_n3A_123 : vector<16xi32> to vector<1x16xi32>
      tpu.vector_store %arg8[%swap3A_125, %swap3A_126], %swap3A_129 {strides = array<i32>} : memref<1x128xi32, #tpu.memory_space<vmem>>, vector<1x16xi32>,
      %get3A_130 = arith.constant 0 : i32
      %get3A_131 = arith.index_cast %get3A_130 : i32 to index
      %get3A_132 = arith.constant 80 : index
      %get3A_133 = tpu.vector_load %arg7[%get3A_131, %get3A_132] {strides = array<i32>} : memref<1x128xi32, #tpu.memory_space<vmem>>, vector<1x16xi32>,
      %get3A_134 = vector.shape_cast %get3A_133 : vector<1x16xi32> to vector<16xi32>
      %sub3A_135 = vector.broadcast %mul3A_0 : i32 to vector<16xi32>
      %sub3A_136 = arith.subi %get3A_134, %sub3A_135 : vector<16xi32>
      %ge3A_137 = arith.constant 0 : i32
      %ge3A_138 = vector.broadcast %ge3A_137 : i32 to vector<16xi32>
      %ge3A_139 = arith.cmpi sge, %sub3A_136, %ge3A_138 : vector<16xi32>
      %lt3A_140 = arith.constant 5056 : i32
      %lt3A_141 = vector.broadcast %lt3A_140 : i32 to vector<16xi32>
      %lt3A_142 = arith.cmpi slt, %sub3A_136, %lt3A_141 : vector<16xi32>
      %and3A_143 = arith.andi %ge3A_139, %lt3A_142 : vector<16xi1>
      %jit3A_144 = arith.constant 5056 : i32
      %broadcast_in_dim3A_145 = vector.broadcast %jit3A_144 : i32 to vector<16xi32>
      %select_n3A_146 = arith.select %and3A_143, %sub3A_136, %broadcast_in_dim3A_145 : vector<16xi1>, vector<16xi32>
      %swap3A_147 = arith.constant 0 : i32
      %swap3A_148 = arith.index_cast %swap3A_147 : i32 to index
      %swap3A_149 = arith.constant 80 : index
      %swap3A_150 = tpu.vector_load %arg8[%swap3A_148, %swap3A_149] {strides = array<i32>} : memref<1x128xi32, #tpu.memory_space<vmem>>, vector<1x16xi32>,
      %swap3A_151 = vector.shape_cast %swap3A_150 : vector<1x16xi32> to vector<16xi32>
      %swap3A_152 = vector.shape_cast %select_n3A_146 : vector<16xi32> to vector<1x16xi32>
      tpu.vector_store %arg8[%swap3A_148, %swap3A_149], %swap3A_152 {strides = array<i32>} : memref<1x128xi32, #tpu.memory_space<vmem>>, vector<1x16xi32>,
      %get3A_153 = arith.constant 0 : i32
      %get3A_154 = arith.index_cast %get3A_153 : i32 to index
      %get3A_155 = arith.constant 96 : index
      %get3A_156 = tpu.vector_load %arg7[%get3A_154, %get3A_155] {strides = array<i32>} : memref<1x128xi32, #tpu.memory_space<vmem>>, vector<1x16xi32>,
      %get3A_157 = vector.shape_cast %get3A_156 : vector<1x16xi32> to vector<16xi32>
      %sub3A_158 = vector.broadcast %mul3A_0 : i32 to vector<16xi32>
      %sub3A_159 = arith.subi %get3A_157, %sub3A_158 : vector<16xi32>
      %ge3A_160 = arith.constant 0 : i32
      %ge3A_161 = vector.broadcast %ge3A_160 : i32 to vector<16xi32>
      %ge3A_162 = arith.cmpi sge, %sub3A_159, %ge3A_161 : vector<16xi32>
      %lt3A_163 = arith.constant 5056 : i32
      %lt3A_164 = vector.broadcast %lt3A_163 : i32 to vector<16xi32>
      %lt3A_165 = arith.cmpi slt, %sub3A_159, %lt3A_164 : vector<16xi32>
      %and3A_166 = arith.andi %ge3A_162, %lt3A_165 : vector<16xi1>
      %jit3A_167 = arith.constant 5056 : i32
      %broadcast_in_dim3A_168 = vector.broadcast %jit3A_167 : i32 to vector<16xi32>
      %select_n3A_169 = arith.select %and3A_166, %sub3A_159, %broadcast_in_dim3A_168 : vector<16xi1>, vector<16xi32>
      %swap3A_170 = arith.constant 0 : i32
      %swap3A_171 = arith.index_cast %swap3A_170 : i32 to index
      %swap3A_172 = arith.constant 96 : index
      %swap3A_173 = tpu.vector_load %arg8[%swap3A_171, %swap3A_172] {strides = array<i32>} : memref<1x128xi32, #tpu.memory_space<vmem>>, vector<1x16xi32>,
      %swap3A_174 = vector.shape_cast %swap3A_173 : vector<1x16xi32> to vector<16xi32>
      %swap3A_175 = vector.shape_cast %select_n3A_169 : vector<16xi32> to vector<1x16xi32>
      tpu.vector_store %arg8[%swap3A_171, %swap3A_172], %swap3A_175 {strides = array<i32>} : memref<1x128xi32, #tpu.memory_space<vmem>>, vector<1x16xi32>,
      %get3A_176 = arith.constant 0 : i32
      %get3A_177 = arith.index_cast %get3A_176 : i32 to index
      %get3A_178 = arith.constant 112 : index
      %get3A_179 = tpu.vector_load %arg7[%get3A_177, %get3A_178] {strides = array<i32>} : memref<1x128xi32, #tpu.memory_space<vmem>>, vector<1x16xi32>,
      %get3A_180 = vector.shape_cast %get3A_179 : vector<1x16xi32> to vector<16xi32>
      %sub3A_181 = vector.broadcast %mul3A_0 : i32 to vector<16xi32>
      %sub3A_182 = arith.subi %get3A_180, %sub3A_181 : vector<16xi32>
      %ge3A_183 = arith.constant 0 : i32
      %ge3A_184 = vector.broadcast %ge3A_183 : i32 to vector<16xi32>
      %ge3A_185 = arith.cmpi sge, %sub3A_182, %ge3A_184 : vector<16xi32>
      %lt3A_186 = arith.constant 5056 : i32
      %lt3A_187 = vector.broadcast %lt3A_186 : i32 to vector<16xi32>
      %lt3A_188 = arith.cmpi slt, %sub3A_182, %lt3A_187 : vector<16xi32>
      %and3A_189 = arith.andi %ge3A_185, %lt3A_188 : vector<16xi1>
      %jit3A_190 = arith.constant 5056 : i32
      %broadcast_in_dim3A_191 = vector.broadcast %jit3A_190 : i32 to vector<16xi32>
      %select_n3A_192 = arith.select %and3A_189, %sub3A_182, %broadcast_in_dim3A_191 : vector<16xi1>, vector<16xi32>
      %swap3A_193 = arith.constant 0 : i32
      %swap3A_194 = arith.index_cast %swap3A_193 : i32 to index
      %swap3A_195 = arith.constant 112 : index
      %swap3A_196 = tpu.vector_load %arg8[%swap3A_194, %swap3A_195] {strides = array<i32>} : memref<1x128xi32, #tpu.memory_space<vmem>>, vector<1x16xi32>,
      %swap3A_197 = vector.shape_cast %swap3A_196 : vector<1x16xi32> to vector<16xi32>
      %swap3A_198 = vector.shape_cast %select_n3A_192 : vector<16xi32> to vector<1x16xi32>
      tpu.vector_store %arg8[%swap3A_194, %swap3A_195], %swap3A_198 {strides = array<i32>} : memref<1x128xi32, #tpu.memory_space<vmem>>, vector<1x16xi32>,
      %dma_start3A = arith.constant 0 : i32
      %dma_start3A_199 = arith.constant 0 : i32
      %dma_start3A_200 = tpu.memref_slice %arg6[%dma_start3A, %dma_start3A_199] : memref<1x128xi32, #tpu.memory_space<vmem>> -> memref<1x128xi32, #tpu.memory_space<vmem>>
      %dma_start3A_201 = tpu.memref_squeeze %dma_start3A_200 : memref<1x128xi32, #tpu.memory_space<vmem>> -> memref<128xi32, #tpu.memory_space<vmem>>
      %dma_start3A_202 = arith.constant 0 : i32
      %dma_start3A_203 = arith.constant 0 : i32
      %dma_start3A_204 = tpu.memref_slice %arg2[%dma_start3A_202, %dma_start3A_203] : memref<10112x128xf32, #tpu.memory_space<hbm>> -> memref<10112x128xf32, #tpu.memory_space<hbm>>
      tpu.enqueue_indirect_dma source(%dma_start3A_204 : memref<10112x128xf32, #tpu.memory_space<hbm>>) target(%arg9 : memref<128x128xf32, #tpu.memory_space<vmem>>) offsets(%dma_start3A_201 : memref<128xi32, #tpu.memory_space<vmem>>) semaphore(%arg12 : memref<!tpu.dma_semaphore, #tpu.memory_space<semaphore_mem>>)
      %dma_wait3A = arith.constant 0 : i32
      %dma_wait3A_205 = arith.constant 0 : i32
      %dma_wait3A_206 = tpu.memref_slice %arg6[%dma_wait3A, %dma_wait3A_205] : memref<1x128xi32, #tpu.memory_space<vmem>> -> memref<1x128xi32, #tpu.memory_space<vmem>>
      %dma_wait3A_207 = tpu.memref_squeeze %dma_wait3A_206 : memref<1x128xi32, #tpu.memory_space<vmem>> -> memref<128xi32, #tpu.memory_space<vmem>>
      %dma_wait3A_208 = arith.constant 0 : i32
      %dma_wait3A_209 = arith.constant 0 : i32
      %dma_wait3A_210 = tpu.memref_slice %arg2[%dma_wait3A_208, %dma_wait3A_209] : memref<10112x128xf32, #tpu.memory_space<hbm>> -> memref<10112x128xf32, #tpu.memory_space<hbm>>
      tpu.wait_indirect_dma semaphore(%arg12 : memref<!tpu.dma_semaphore, #tpu.memory_space<semaphore_mem>>) src(%dma_wait3A_210 : memref<10112x128xf32, #tpu.memory_space<hbm>>) dst(%arg9 : memref<128x128xf32, #tpu.memory_space<vmem>>)
      %run_scoped3A = arith.constant 0 : i32
      "tpu.region"() ({
        %run_scoped3A_212 = tpu.sem_alloc : memref<!tpu.dma_semaphore, #tpu.memory_space<semaphore_mem>>
        %dma_start3A_213 = arith.constant 0 : i32
        %dma_start3A_214 = tpu.memref_slice %arg8[%run_scoped3A, %dma_start3A_213] : memref<1x128xi32, #tpu.memory_space<vmem>> -> memref<1x128xi32, #tpu.memory_space<vmem>>
        %dma_start3A_215 = tpu.memref_squeeze %dma_start3A_214 : memref<1x128xi32, #tpu.memory_space<vmem>> -> memref<128xi32, #tpu.memory_space<vmem>>
        %dma_start3A_216 = arith.constant 0 : i32
        %dma_start3A_217 = arith.constant 0 : i32
        %dma_start3A_218 = tpu.memref_slice %arg11[%dma_start3A_216, %dma_start3A_217] : memref<5120x128xf32, #tpu.memory_space<vmem_shared>> -> memref<5120x128xf32, #tpu.memory_space<vmem_shared>>
        tpu.enqueue_indirect_dma source(%arg9 : memref<128x128xf32, #tpu.memory_space<vmem>>) target(%dma_start3A_218 : memref<5120x128xf32, #tpu.memory_space<vmem_shared>>) offsets(%dma_start3A_215 : memref<128xi32, #tpu.memory_space<vmem>>) semaphore(%run_scoped3A_212 : memref<!tpu.dma_semaphore, #tpu.memory_space<semaphore_mem>>) {add = true}
        %dma_wait3A_219 = arith.constant 0 : i32
        %dma_wait3A_220 = tpu.memref_slice %arg8[%run_scoped3A, %dma_wait3A_219] : memref<1x128xi32, #tpu.memory_space<vmem>> -> memref<1x128xi32, #tpu.memory_space<vmem>>
        %dma_wait3A_221 = tpu.memref_squeeze %dma_wait3A_220 : memref<1x128xi32, #tpu.memory_space<vmem>> -> memref<128xi32, #tpu.memory_space<vmem>>
        %dma_wait3A_222 = arith.constant 0 : i32
        %dma_wait3A_223 = arith.constant 0 : i32
        %dma_wait3A_224 = tpu.memref_slice %arg11[%dma_wait3A_222, %dma_wait3A_223] : memref<5120x128xf32, #tpu.memory_space<vmem_shared>> -> memref<5120x128xf32, #tpu.memory_space<vmem_shared>>
        tpu.wait_indirect_dma semaphore(%run_scoped3A_212 : memref<!tpu.dma_semaphore, #tpu.memory_space<semaphore_mem>>) src(%arg9 : memref<128x128xf32, #tpu.memory_space<vmem>>) dst(%dma_wait3A_224 : memref<5120x128xf32, #tpu.memory_space<vmem_shared>>)
        tpu.yield
      }) : () -> ()
      %scan3A_211 = arith.constant 0 : i32
      scf.yield %scan3A_211 : i32
    }
    %scan3A_15 = arith.constant 158 : i32
    %barrier3A_16 = arith.constant 0 : index
    tpu.barrier barrier_id(%barrier3A_16)
    %lt3A = arith.constant 8 : i32
    %lt3A_17 = arith.cmpi slt, %arg1, %lt3A : i32
    %convert_element_type3A = arith.extui %lt3A_17 : i1 to i32
    %cond3A = arith.constant 0 : i32
    %cond3A_18 = arith.cmpi ne, %convert_element_type3A, %cond3A : i32
    scf.if %cond3A_18 {
      %mul3A_19 = arith.constant 632 : i32
      %mul3A_20 = arith.muli %arg1, %mul3A_19 : i32
      %mul3A_21 = arith.constant 632 : i32
      %mul3A_22 = arith.muli %arg1, %mul3A_21 : i32
      %add3A = arith.addi %mul3A_0, %mul3A_22 : i32
      "tpu.region"() ({
        %run_scoped3A = tpu.sem_alloc : memref<!tpu.dma_semaphore, #tpu.memory_space<semaphore_mem>>
        %dma_start3A = arith.constant 0 : i32
        %dma_start3A_23 = tpu.memref_slice %arg5[%add3A, %dma_start3A] : memref<10112x128xf32, #tpu.memory_space<hbm>> -> memref<632x128xf32, #tpu.memory_space<hbm>>
        %dma_start3A_24 = arith.constant 0 : i32
        %dma_start3A_25 = tpu.memref_slice %arg11[%mul3A_20, %dma_start3A_24] : memref<5120x128xf32, #tpu.memory_space<vmem_shared>> -> memref<632x128xf32, #tpu.memory_space<vmem_shared>>
        tpu.enqueue_dma source(%dma_start3A_25 : memref<632x128xf32, #tpu.memory_space<vmem_shared>>) target(%dma_start3A_23 : memref<632x128xf32, #tpu.memory_space<hbm>>) target_semaphore(%run_scoped3A : memref<!tpu.dma_semaphore, #tpu.memory_space<semaphore_mem>>)
        %dma_wait3A = arith.constant 0 : i32
        %dma_wait3A_26 = tpu.memref_slice %arg5[%add3A, %dma_wait3A] : memref<10112x128xf32, #tpu.memory_space<hbm>> -> memref<632x128xf32, #tpu.memory_space<hbm>>
        %dma_wait3A_27 = arith.constant 0 : i32
        %dma_wait3A_28 = tpu.memref_slice %arg11[%mul3A_20, %dma_wait3A_27] : memref<5120x128xf32, #tpu.memory_space<vmem_shared>> -> memref<632x128xf32, #tpu.memory_space<vmem_shared>>
        tpu.wait_dma2 semaphore(%run_scoped3A : memref<!tpu.dma_semaphore, #tpu.memory_space<semaphore_mem>>) src(%dma_wait3A_28 : memref<632x128xf32, #tpu.memory_space<vmem_shared>>) dst(%dma_wait3A_26 : memref<632x128xf32, #tpu.memory_space<hbm>>)
        tpu.yield
      }) : () -> ()
    } else {
    }
    return
  }
}

module attributes {stable_mosaic.version = 14 : i64} {
  func.func @_tc_prescale_body(%arg0: memref<10112x128xf32, #tpu.memory_space<vmem>>, %arg1: memref<10000x128xf32, #tpu.memory_space<vmem>>, %arg2: memref<10112x128xf32, #tpu.memory_space<vmem>>) attributes {dimension_semantics = [], scalar_prefetch = 0 : i64, scratch_operands = 0 : i64, tpu.core_type = #tpu.core_type<tc>} {
    %get3A = arith.constant 0 : index
    %get3A_0 = arith.constant 0 : index
    %get3A_1 = vector.load %arg1[%get3A, %get3A_0] : memref<10000x128xf32, #tpu.memory_space<vmem>>, vector<10000x128xf32>
    %get3A_2 = arith.constant 0 : index
    %get3A_3 = arith.constant 0 : index
    %get3A_4 = vector.load %arg0[%get3A_2, %get3A_3] : memref<10112x128xf32, #tpu.memory_space<vmem>>, vector<10000x1xf32>
    %gt3A = arith.constant 0.000000e+00 : f32
    %gt3A_5 = vector.broadcast %gt3A : f32 to vector<10000x1xf32>
    %gt3A_6 = arith.cmpf ogt, %get3A_4, %gt3A_5 : vector<10000x1xf32>
    %rsqrt3A = math.rsqrt %get3A_4 : vector<10000x1xf32>
    %jit3A = arith.constant 0.000000e+00 : f32
    %broadcast_in_dim3A = vector.broadcast %jit3A : f32 to vector<10000x1xf32>
    %select_n3A = arith.select %gt3A_6, %rsqrt3A, %broadcast_in_dim3A : vector<10000x1xi1>, vector<10000x1xf32>
    %mul3A = vector.broadcast %select_n3A : vector<10000x1xf32> to vector<10000x128xf32>
    %mul3A_7 = arith.mulf %get3A_1, %mul3A : vector<10000x128xf32>
    %swap3A = arith.constant 0 : index
    %swap3A_8 = arith.constant 0 : index
    %swap3A_9 = vector.load %arg2[%swap3A, %swap3A_8] : memref<10112x128xf32, #tpu.memory_space<vmem>>, vector<10000x128xf32>
    tpu.vector_store %arg2[%swap3A, %swap3A_8], %mul3A_7 {strides = array<i32>} : memref<10112x128xf32, #tpu.memory_space<vmem>>, vector<10000x128xf32>,
    %broadcast_in_dim3A_10 = arith.constant 0.000000e+00 : f32
    %broadcast_in_dim3A_11 = vector.broadcast %broadcast_in_dim3A_10 : f32 to vector<112x128xf32>
    %swap3A_12 = arith.constant 10000 : index
    %swap3A_13 = arith.constant 0 : index
    %swap3A_14 = vector.load %arg2[%swap3A_12, %swap3A_13] : memref<10112x128xf32, #tpu.memory_space<vmem>>, vector<112x128xf32>
    tpu.vector_store %arg2[%swap3A_12, %swap3A_13], %broadcast_in_dim3A_11 {strides = array<i32>} : memref<10112x128xf32, #tpu.memory_space<vmem>>, vector<112x128xf32>,
    return
  }
}

module attributes {stable_mosaic.version = 14 : i64} {
  func.func @_tc_layer_body(%arg0: memref<10112x128xf32, #tpu.memory_space<vmem>>, %arg1: memref<10112x128xf32, #tpu.memory_space<vmem>>, %arg2: memref<10112x128xf32, #tpu.memory_space<vmem>>, %arg3: memref<128x128xf32, #tpu.memory_space<vmem>>, %arg4: memref<1x128xf32, #tpu.memory_space<vmem>>, %arg5: memref<10112x128xf32, #tpu.memory_space<vmem>>) attributes {dimension_semantics = [], scalar_prefetch = 0 : i64, scratch_operands = 0 : i64, tpu.core_type = #tpu.core_type<tc>} {
    %get3A = arith.constant 0 : index
    %get3A_0 = arith.constant 0 : index
    %get3A_1 = vector.load %arg0[%get3A, %get3A_0] : memref<10112x128xf32, #tpu.memory_space<vmem>>, vector<10000x128xf32>
    %get3A_2 = arith.constant 0 : index
    %get3A_3 = arith.constant 0 : index
    %get3A_4 = vector.load %arg2[%get3A_2, %get3A_3] : memref<10112x128xf32, #tpu.memory_space<vmem>>, vector<10000x1xf32>
    %gt3A = arith.constant 0.000000e+00 : f32
    %gt3A_5 = vector.broadcast %gt3A : f32 to vector<10000x1xf32>
    %gt3A_6 = arith.cmpf ogt, %get3A_4, %gt3A_5 : vector<10000x1xf32>
    %rsqrt3A = math.rsqrt %get3A_4 : vector<10000x1xf32>
    %jit3A = arith.constant 0.000000e+00 : f32
    %broadcast_in_dim3A = vector.broadcast %jit3A : f32 to vector<10000x1xf32>
    %select_n3A = arith.select %gt3A_6, %rsqrt3A, %broadcast_in_dim3A : vector<10000x1xi1>, vector<10000x1xf32>
    %mul3A = vector.broadcast %select_n3A : vector<10000x1xf32> to vector<10000x128xf32>
    %mul3A_7 = arith.mulf %get3A_1, %mul3A : vector<10000x128xf32>
    %get3A_8 = arith.constant 0 : index
    %get3A_9 = arith.constant 0 : index
    %get3A_10 = vector.load %arg3[%get3A_8, %get3A_9] : memref<128x128xf32, #tpu.memory_space<vmem>>, vector<128x128xf32>
    %dot_general3A = arith.constant dense<0.000000e+00> : vector<10000x128xf32>
    %dot_general3A_11 = tpu.matmul %mul3A_7, %get3A_10, %dot_general3A {dimension_numbers = #tpu.dot_dimension_numbers<[1], [0], [0], [1], [0, 0, 1, 1], [], []>, transpose_lhs_hint = false} : vector<10000x128xf32>, vector<128x128xf32>, vector<10000x128xf32> -> vector<10000x128xf32>
    %get3A_12 = arith.constant 0 : index
    %get3A_13 = arith.constant 0 : index
    %get3A_14 = vector.load %arg4[%get3A_12, %get3A_13] : memref<1x128xf32, #tpu.memory_space<vmem>>, vector<1x128xf32>
    %add3A = vector.broadcast %get3A_14 : vector<1x128xf32> to vector<10000x128xf32>
    %add3A_15 = arith.addf %dot_general3A_11, %add3A : vector<10000x128xf32>
    %max3A = arith.constant 0.000000e+00 : f32
    %max3A_16 = vector.broadcast %max3A : f32 to vector<10000x128xf32>
    %max3A_17 = arith.maximumf %add3A_15, %max3A_16 : vector<10000x128xf32>
    %reduce_sum3A = arith.constant dense<0.000000e+00> : vector<128xf32>
    %reduce_sum3A_18 = vector.multi_reduction <add>, %max3A_17, %reduce_sum3A [0] : vector<10000x128xf32> to vector<128xf32>
    %broadcast_in_dim3A_19 = vector.shape_cast %reduce_sum3A_18 : vector<128xf32> to vector<1x128xf32>
    %div3A = arith.constant 1.000000e+04 : f32
    %div3A_20 = vector.broadcast %div3A : f32 to vector<1x128xf32>
    %div3A_21 = arith.divf %broadcast_in_dim3A_19, %div3A_20 : vector<1x128xf32>
    %sub3A = vector.broadcast %div3A_21 : vector<1x128xf32> to vector<10000x128xf32>
    %sub3A_22 = arith.subf %max3A_17, %sub3A : vector<10000x128xf32>
    %integer_pow3A = arith.mulf %sub3A_22, %sub3A_22 : vector<10000x128xf32>
    %reduce_sum3A_23 = arith.constant dense<0.000000e+00> : vector<128xf32>
    %reduce_sum3A_24 = vector.multi_reduction <add>, %integer_pow3A, %reduce_sum3A_23 [0] : vector<10000x128xf32> to vector<128xf32>
    %broadcast_in_dim3A_25 = vector.shape_cast %reduce_sum3A_24 : vector<128xf32> to vector<1x128xf32>
    %div3A_26 = arith.constant 1.000000e+04 : f32
    %div3A_27 = vector.broadcast %div3A_26 : f32 to vector<1x128xf32>
    %div3A_28 = arith.divf %broadcast_in_dim3A_25, %div3A_27 : vector<1x128xf32>
    %sub3A_29 = vector.broadcast %div3A_21 : vector<1x128xf32> to vector<10000x128xf32>
    %sub3A_30 = arith.subf %max3A_17, %sub3A_29 : vector<10000x128xf32>
    %add3A_31 = arith.constant 9.99999974E-6 : f32
    %add3A_32 = vector.broadcast %add3A_31 : f32 to vector<1x128xf32>
    %add3A_33 = arith.addf %div3A_28, %add3A_32 : vector<1x128xf32>
    %rsqrt3A_34 = math.rsqrt %add3A_33 : vector<1x128xf32>
    %mul3A_35 = vector.broadcast %rsqrt3A_34 : vector<1x128xf32> to vector<10000x128xf32>
    %mul3A_36 = arith.mulf %sub3A_30, %mul3A_35 : vector<10000x128xf32>
    %get3A_37 = arith.constant 0 : index
    %get3A_38 = arith.constant 0 : index
    %get3A_39 = vector.load %arg1[%get3A_37, %get3A_38] : memref<10112x128xf32, #tpu.memory_space<vmem>>, vector<10000x1xf32>
    %gt3A_40 = arith.constant 0.000000e+00 : f32
    %gt3A_41 = vector.broadcast %gt3A_40 : f32 to vector<10000x1xf32>
    %gt3A_42 = arith.cmpf ogt, %get3A_39, %gt3A_41 : vector<10000x1xf32>
    %rsqrt3A_43 = math.rsqrt %get3A_39 : vector<10000x1xf32>
    %jit3A_44 = arith.constant 0.000000e+00 : f32
    %broadcast_in_dim3A_45 = vector.broadcast %jit3A_44 : f32 to vector<10000x1xf32>
    %select_n3A_46 = arith.select %gt3A_42, %rsqrt3A_43, %broadcast_in_dim3A_45 : vector<10000x1xi1>, vector<10000x1xf32>
    %mul3A_47 = vector.broadcast %select_n3A_46 : vector<10000x1xf32> to vector<10000x128xf32>
    %mul3A_48 = arith.mulf %mul3A_36, %mul3A_47 : vector<10000x128xf32>
    %swap3A = arith.constant 0 : index
    %swap3A_49 = arith.constant 0 : index
    %swap3A_50 = vector.load %arg5[%swap3A, %swap3A_49] : memref<10112x128xf32, #tpu.memory_space<vmem>>, vector<10000x128xf32>
    tpu.vector_store %arg5[%swap3A, %swap3A_49], %mul3A_48 {strides = array<i32>} : memref<10112x128xf32, #tpu.memory_space<vmem>>, vector<10000x128xf32>,
    %broadcast_in_dim3A_51 = arith.constant 0.000000e+00 : f32
    %broadcast_in_dim3A_52 = vector.broadcast %broadcast_in_dim3A_51 : f32 to vector<112x128xf32>
    %swap3A_53 = arith.constant 10000 : index
    %swap3A_54 = arith.constant 0 : index
    %swap3A_55 = vector.load %arg5[%swap3A_53, %swap3A_54] : memref<10112x128xf32, #tpu.memory_space<vmem>>, vector<112x128xf32>
    tpu.vector_store %arg5[%swap3A_53, %swap3A_54], %broadcast_in_dim3A_52 {strides = array<i32>} : memref<10112x128xf32, #tpu.memory_space<vmem>>, vector<112x128xf32>,
    return
  }
}

module attributes {stable_mosaic.version = 14 : i64} {
  func.func @_tc_final_body(%arg0: memref<10112x128xf32, #tpu.memory_space<vmem>>, %arg1: memref<10112x128xf32, #tpu.memory_space<vmem>>, %arg2: memref<128x64xf32, #tpu.memory_space<vmem>>, %arg3: memref<1x64xf32, #tpu.memory_space<vmem>>, %arg4: memref<10000x64xf32, #tpu.memory_space<vmem>>) attributes {dimension_semantics = [], scalar_prefetch = 0 : i64, scratch_operands = 0 : i64, tpu.core_type = #tpu.core_type<tc>} {
    %get3A = arith.constant 0 : index
    %get3A_0 = arith.constant 0 : index
    %get3A_1 = vector.load %arg0[%get3A, %get3A_0] : memref<10112x128xf32, #tpu.memory_space<vmem>>, vector<10000x128xf32>
    %get3A_2 = arith.constant 0 : index
    %get3A_3 = arith.constant 0 : index
    %get3A_4 = vector.load %arg1[%get3A_2, %get3A_3] : memref<10112x128xf32, #tpu.memory_space<vmem>>, vector<10000x1xf32>
    %gt3A = arith.constant 0.000000e+00 : f32
    %gt3A_5 = vector.broadcast %gt3A : f32 to vector<10000x1xf32>
    %gt3A_6 = arith.cmpf ogt, %get3A_4, %gt3A_5 : vector<10000x1xf32>
    %rsqrt3A = math.rsqrt %get3A_4 : vector<10000x1xf32>
    %jit3A = arith.constant 0.000000e+00 : f32
    %broadcast_in_dim3A = vector.broadcast %jit3A : f32 to vector<10000x1xf32>
    %select_n3A = arith.select %gt3A_6, %rsqrt3A, %broadcast_in_dim3A : vector<10000x1xi1>, vector<10000x1xf32>
    %mul3A = vector.broadcast %select_n3A : vector<10000x1xf32> to vector<10000x128xf32>
    %mul3A_7 = arith.mulf %get3A_1, %mul3A : vector<10000x128xf32>
    %get3A_8 = arith.constant 0 : index
    %get3A_9 = arith.constant 0 : index
    %get3A_10 = vector.load %arg2[%get3A_8, %get3A_9] : memref<128x64xf32, #tpu.memory_space<vmem>>, vector<128x64xf32>
    %dot_general3A = arith.constant dense<0.000000e+00> : vector<10000x64xf32>
    %dot_general3A_11 = tpu.matmul %mul3A_7, %get3A_10, %dot_general3A {dimension_numbers = #tpu.dot_dimension_numbers<[1], [0], [0], [1], [0, 0, 1, 1], [], []>, transpose_lhs_hint = false} : vector<10000x128xf32>, vector<128x64xf32>, vector<10000x64xf32> -> vector<10000x64xf32>
    %get3A_12 = arith.constant 0 : index
    %get3A_13 = arith.constant 0 : index
    %get3A_14 = vector.load %arg3[%get3A_12, %get3A_13] : memref<1x64xf32, #tpu.memory_space<vmem>>, vector<1x64xf32>
    %add3A = vector.broadcast %get3A_14 : vector<1x64xf32> to vector<10000x64xf32>
    %add3A_15 = arith.addf %dot_general3A_11, %add3A : vector<10000x64xf32>
    %swap3A = arith.constant 0 : index
    %swap3A_16 = arith.constant 0 : index
    %swap3A_17 = vector.load %arg4[%swap3A, %swap3A_16] : memref<10000x64xf32, #tpu.memory_space<vmem>>, vector<10000x64xf32>
    tpu.vector_store %arg4[%swap3A, %swap3A_16], %add3A_15 {strides = array<i32>} : memref<10000x64xf32, #tpu.memory_space<vmem>>, vector<10000x64xf32>,
    return
  }
}

</mosaic_0001>

<sc_bundles>
// kernel: kernel.11.cloned.1.call-start
scs
__scs_entry_jumppad:
0x0: {  	(pc) =	sbr.rel $0x88, $3  }
0x1: {  	(tag) =	ssettag $0x0;
	lr =	simm.s32 $0x1  }
0x2: {  	[smem:$0x3F99] =	sst lr;
	_ =	strace $0xD0000000  }
0x3: {  	_ = 	snop  }
0x4: {  	_ = 	snop  }
0x5: {  	_ = 	snop  }
0x6: {  	_ = 	snop  }
0x7: {  	_ = 	snop  }
__scs_overlays_trampoline_lowered:
0x8: {  	[smem:$0x3FA8] =	sst s0  }
0x9: {  	[smem:$0x3FA9] =	sst s1  }
0xa: {  	[smem:$0x3FAA] =	sst s2  }
0xb: {  	[smem:$0x3FAB] =	sst s3  }
0xc: {  	[smem:$0x3FAC] =	sst s4  }
0xd: {  	[smem:$0x3FAD] =	sst s5  }
0xe: {  	[smem:$0x3FAE] =	sst s6  }
0xf: {  	[smem:$0x3FAF] =	sst s7  }
0x10: {  	[smem:$0x3FB0] =	sst s8  }
0x11: {  	[smem:$0x3FB1] =	sst s9;
	s0 =	simm.s32 @!p0 $0x0  }
0x12: {  	s1 =	sld [smem:$0x3F97];
	s0 =	simm.s32 @p0 $0x1  }
0x13: {  	[smem:$0x3FB2] =	sst s0;
	s0 =	simm.s32 @!p1 $0x0  }
0x14: {  	s2 =	sld [smem:$0x3F96];
	s0 =	simm.s32 @p1 $0x1  }
0x15: {  	[smem:$0x3FB3] =	sst s0;
	s0 =	simm.s32 @!p2 $0x0  }
0x16: {  	s3 =	sld [smem:$0x3FDB];
	s0 =	simm.s32 @p2 $0x1  }
0x17: {  	s4 =	simm.s32 $0x1BF5;
	[smem:$0x3FB5] =	sst s0  }
0x18: {  	s0 =	sld [smem:$0x3F98];
	_ =	swait.ge [sflag:s4], $0x0  }
0x19: {  	s7 =	sld [smem:$0x3F99]  }
0x1a: {  	s8 =	sadd.s32 $0xFFFFE003, lr  }
0x1b: {  	s9 =	sadd.s32 $0xFFFFFEF7, lr;
	s5 =	simm.s32 $0xFFFFFFFF;
	p2 =	slt.u32 s8, $0xFFFFF086  }
0x1c: {  	p1 =	slt.u32 s9, $0xF7A;
	s5 =	simm.s32 @!p2 $0x0  }
0x1d: {  	s5 =	simm.s32 @p1 $0x1;
	p0 =	seq.s32 s7, s2  }
0x1e: {  	s7 =	smul.u32 @!p0 $0xF7A, s2;
	p2 =	seq.s32 @!p0 s5, $0x0  }
0x1f: {  	s9 =	smul.u32 $0xF7A, s1;
	s8 =	simm.s32 @!p0 $0x1BF5;
	p2 =	por !p2, p0  }
0x20: {  	[sflag:s8] =	ssyncset.s32 @!p0 $0xFFFFF086;
	s6 =	sadd.s32 @!p0 s3, s7;
	s7 =	simm.s32 @!p0 $0x108  }
0x21: {  	s3 =	sadd.s32 s3, s9;
	s6 =	sadd.s32 @!p0 $0x88, s6;
	s7 =	simm.s32 @p2 $0x1082  }
0x22: {  	[simem:s7], [sflag:s8] =	dma.local @!p0 [hbm:s6], $0xF7A  }
0x23: {  	s9 =	sor.u32 $0xD0000000, s2;
	s6 =	simm.s32 $0x108;
	_ =	swait.ge @!p0 [sflag:s8], $0x0  }
0x24: {  	s3 =	sadd.s32 $0x88, s3;
	s6 =	simm.s32 @!p1 $0x1082;
	[sflag:s4] =	ssyncset.s32 $0xFFFFF086  }
0x25: {  	[simem:s6], [sflag:s4] =	dma.local [hbm:s3], $0xF7A  }
0x26: {  	[smem:$0x3F99] =	sst s1;
	(tag) =	ssettag s2;
	_ =	strace s9  }
0x27: {  	s1 =	sld [smem:$0x3FA9]  }
0x28: {  	s2 =	sld [smem:$0x3FAA]  }
0x29: {  	s4 =	sld [smem:$0x3FAC]  }
0x2a: {  	p0 =	seq.s32 s5, $0x0;
	s5 =	sld [smem:$0x3FAD]  }
0x2b: {  	s6 =	sld [smem:$0x3FAE]  }
0x2c: {  	s7 =	sld [smem:$0x3FAF]  }
0x2d: {  	s3 =	simm.s32 $0x108;
	s8 =	sld [smem:$0x3FB0]  }
0x2e: {  	s3 =	simm.s32 @!p0 $0x1082;
	s9 =	sld [smem:$0x3FB1]  }
0x2f: {  	lr =	sadd.s32 s0, s3;
	s0 =	sld [smem:$0x3FA8]  }
0x30: {  	s3 =	sld [smem:$0x3FAB]  }
0x31: {  	[smem:$0x3FB4] =	sst s10  }
0x32: {  	s10 =	sld [smem:$0x3FB2];
	_ =	sdelay $0x3  }
0x33: {  	p0 =	seq.s32 s10, $0x1;
	s10 =	sld [smem:$0x3FB4];
	_ =	sdelay $0x3  }
0x34: {  	[smem:$0x3FB4] =	sst s10  }
0x35: {  	s10 =	sld [smem:$0x3FB3];
	_ =	sdelay $0x3  }
0x36: {  	p1 =	seq.s32 s10, $0x1;
	s10 =	sld [smem:$0x3FB4];
	_ =	sdelay $0x3  }
0x37: {  	[smem:$0x3FB4] =	sst s10  }
0x38: {  	s10 =	sld [smem:$0x3FB5]  }
0x39: {  	_ = 	snop;
	(pc) =	sbr.ind lr, $3  }
0x3a: {  	_ = 	snop  }
0x3b: {  	_ = 	snop  }
0x3c: {  	p2 =	seq.s32 s10, $0x1;
	s10 =	sld [smem:$0x3FB4]  }
0x3d: {  	_ =	shalt  }
0x3e: {  	_ =	shalt  }
0x3f: {  	_ =	shalt  }
0x40: {  	_ =	shalt  }
0x41: {  	_ =	shalt  }
0x42: {  	_ =	shalt  }
0x43: {  	_ =	shalt  }
0x44: {  	_ =	shalt  }
0x45: {  	_ =	shalt  }
0x46: {  	_ =	shalt  }
0x47: {  	_ =	shalt  }
0x48: {  	_ =	shalt  }
0x49: {  	_ =	shalt  }
0x4a: {  	_ =	shalt  }
0x4b: {  	_ =	shalt  }
0x4c: {  	_ =	shalt  }
0x4d: {  	_ =	shalt  }
0x4e: {  	_ =	shalt  }
0x4f: {  	_ =	shalt  }
0x50: {  	_ =	shalt  }
0x51: {  	_ =	shalt  }
0x52: {  	_ =	shalt  }
0x53: {  	_ =	shalt  }
0x54: {  	_ =	shalt  }
0x55: {  	_ =	shalt  }
0x56: {  	_ =	shalt  }
0x57: {  	_ =	shalt  }
0x58: {  	_ =	shalt  }
0x59: {  	_ =	shalt  }
0x5a: {  	_ =	shalt  }
0x5b: {  	_ =	shalt  }
0x5c: {  	_ =	shalt  }
0x5d: {  	_ =	shalt  }
0x5e: {  	_ =	shalt  }
0x5f: {  	_ =	shalt  }
0x60: {  	_ =	shalt  }
0x61: {  	_ =	shalt  }
0x62: {  	_ =	shalt  }
0x63: {  	_ =	shalt  }
0x64: {  	_ =	shalt  }
0x65: {  	_ =	shalt  }
0x66: {  	_ =	shalt  }
0x67: {  	_ =	shalt  }
0x68: {  	_ =	shalt  }
0x69: {  	_ =	shalt  }
0x6a: {  	_ =	shalt  }
0x6b: {  	_ =	shalt  }
0x6c: {  	_ =	shalt  }
0x6d: {  	_ =	shalt  }
0x6e: {  	_ =	shalt  }
0x6f: {  	_ =	shalt  }
0x70: {  	_ =	shalt  }
0x71: {  	_ =	shalt  }
0x72: {  	_ =	shalt  }
0x73: {  	_ =	shalt  }
0x74: {  	_ =	shalt  }
0x75: {  	_ =	shalt  }
0x76: {  	_ =	shalt  }
0x77: {  	_ =	shalt  }
0x78: {  	_ =	shalt  }
0x79: {  	_ =	shalt  }
0x7a: {  	_ =	shalt  }
0x7b: {  	_ =	shalt  }
0x7c: {  	_ =	shalt  }
0x7d: {  	_ =	shalt  }
0x7e: {  	_ =	shalt  }
0x7f: {  	_ =	shalt  }
0x80: {  	_ =	shalt  }
0x81: {  	_ =	shalt  }
0x82: {  	_ =	shalt  }
0x83: {  	_ =	shalt  }
0x84: {  	_ =	shalt  }
0x85: {  	_ =	shalt  }
0x86: {  	_ =	shalt  }
0x87: {  	_ =	shalt  }
.Lfunc_end0:
.L_simem_size_0:
called_computation_lowered:
.L_overlay_start_0:
0x88: {  	s2 =	sld [smem:$0x3FD9]  }
0x89: {  	s3 =	sld [smem:$0x3FFE];
	_ =	sdelay $0x1  }
0x8a: {  	s1 =	srdreg.scid  }
0x8b: {  	s0 =	sand.u32 $0x1, s1  }
0x8c: {  	s17 =	sshll.u32 s0, $0xA;
	s2 =	sadd.s32 s3, s2  }
0x8d: {  	s2 =	sadd.s32 s2, s17  }
0x8e: {  	[smem:$0x3FC0] =	sst s2  }
0x8f: {  	_ = 	snop  }
0x90: {  	s2 =	sld [smem:$0x3FD0];
	(tm) =	ssettm $0x1  }
0x91: {  	s18 =	sld [smem:$0x3FFB];
	_ =	sdelay $0x3  }
0x92: {  	_ =	strace s18  }
0x93: {  	s3 =	sld [smem:$0x3FFC];
	_ =	sdelay $0x3  }
0x94: {  	_ =	strace s3  }
0x95: {  	s3 =	sld [smem:$0x3FFD];
	_ =	sdelay $0x3  }
0x96: {  	_ =	strace s3  }
0x97: {  	_ =	strace $0x8FFFFFFF  }
0x98: {  	s19 =	sld [smem:$0x3FDB];
	_ =	sdelay $0x1  }
0x99: {  	s4 =	simm.s32 $_scs_section_size  }
0x9a: {  	s5 =	simm.s32 $_size__tile_overlayer_lowered;
	s6 =	simm.s32 $_tile_overlayer_lowered  }
0x9b: {  	s22 =	simm.s32 $0x1BFF;
	s21 =	sshll.u32 s6, $0x1;
	s3 =	sadd.s32 s4, s19  }
0x9c: {  	s7 =	simm.s32 $0x0;
	s20 =	sshll.u32 s5, $0x1;
	s5 =	sadd.s32 s21, s3  }
0x9d: {  	[timem:s7], [sflag:s22] =	dma.local [hbm:s5], s20  }
0x9e: {  	_ =	swait.ge [sflag:s22], s20  }
0x9f: {  	s4 =	ssub.s32 $0x0, s20;
	[sflag:s22] =	ssyncset.done $0x0  }
0xa0: {  	[sflag:s22] =	ssyncadd.s32 s4;
	_ =	sdelay $0x1  }
0xa1: {  	s23 =	simm.s32 $0x1B8B  }
0xa2: {  	_ =	swait.ge [sflag:s23], $0x1  }
0xa3: {  	[sflag:s23] =	ssyncset.done $0x0  }
0xa4: {  	s25 =	simm.s32 $0x1B8E;
	s24 =	sld [smem:$0x3FFE];
	[sflag:s23] =	ssyncadd.s32 $0xFFFFFFFF  }
0xa5: {  	s26 =	simm.s32 $execute0_lowered;
	[smem:$0x3FD2] =	sst s25  }
0xa6: {  	s5 =	sshll.u32 s26, $0x1;
	_ =	strace $0x80000046;
	[dreg:$0x1] =	wrdreg $0xFFFFFFFF  }
0xa7: {  	s28 =	simm.s32 $_size_execute0_lowered;
	s3 =	sadd.s32 s3, s5;
	[dreg:$0x0] =	wrdreg $0x0  }
0xa8: {  	s5 =	sshll.u32 s28, $0x1;
	[dreg:$0x2] =	wrdreg s3  }
0xa9: {  	[dreg:$0x3] =	wrdreg s5  }
0xaa: {  	[dreg:$0x4] =	wrdreg $0xC0  }
0xab: {  	_ =	task [dreg:s7], $0x5FFFF  }
0xac: {  	[dreg:$0x1] =	wrdreg $0xFFFFFFFF  }
0xad: {  	[dreg:$0x0] =	wrdreg $0x60  }
0xae: {  	[dreg:$0x2] =	wrdreg s24  }
0xaf: {  	[dreg:$0x3] =	wrdreg s2  }
0xb0: {  	[dreg:$0x4] =	wrdreg $0xE1800  }
0xb1: {  	[dreg:$0x5] =	wrdreg $0x9  }
0xb2: {  	_ =	task.clear_ibuf [dreg:s7], $0x6FFFF;
	_ =	strace $0x90000046  }
0xb3: {  	s29 =	simm.s32 $0x9;
	_ =	strace $0x80000048  }
0xb4: {  	_ =	swait.ge [sflag:s29], $0x1  }
0xb5: {  	[sflag:s29] =	ssyncadd.s32 $0xFFFFFFFF  }
0xb6: {  	_ =	strace $0x90000048  }
0xb7: {  	_ =	sfence  }
0xb8: {  	s30 =	sld [smem:$0x0];
	_ =	sdelay $0x2  }
0xb9: {  	s31 =	sshll.u32 s1, $0xD;
	s1 =	sshrl.u32 s1, $0x2  }
0xba: {  	s3 =	sand.u32 $0x4000, s31;
	s1 =	sadd.s32 s1, s30  }
0xbb: {  	s0 =	sor.u32 s3, s0;
	s1 =	sshll.u32 s1, $0x11  }
0xbc: {  	s0 =	sor.u32 s1, s0  }
0xbd: {  	s0 =	sadd.s32 $0x8F2B, s0  }
0xbe: {  	[sflag:s0] =	ssyncadd.remote.s32 $0x1  }
0xbf: {  	_ =	sfence.sel $0xFFFF  }
0xc0: {  	[dreg:$0x0] =	wrdreg $0xFFFFFFFF;
	(pc) =	sbr.abs _section_cstart, $3  }
0xc1: {  	[dreg:$0x1] =	wrdreg $0xFFFFFFFF  }
0xc2: {  	_ =	task.clear_ibuf [dreg:s7], $0x2FFFF;
	_ =	strace $0x9FFFFFFF  }
0xc3: {  	(tm) =	ssettm $0x7FFFFFFF  }
tec
execute0_lowered:
.L_overlay_start_1:
0x0: {  	(tag) =	ssettag $0x1  }
0x1: {  	s5 =	rddreg [dreg:$0x0]  }
0x2: {  	s9 =	rddreg [dreg:$0x1]  }
0x3: {  	s0 =	srdreg.scid;
	s1 =	stileid.u32  }
0x4: {  	s2 =	rddreg [dreg:$0x2];
	s4 =	smul.u32 $0x278, s1  }
0x5: {  	s3 =	simm.s32 $0x0;
	s14 =	simm.s32 $0x1;
	s10 =	smul.u32 $0x9E0, s1  }
0x6: {  	s6 =	sand.u32 $0x1, s0;
	s0 =	rddreg [dreg:$0x3];
	s8 =	smul.u32 $0x28000, s1  }
0x7: {  	s15 =	simm.s32 $0x100;
	[smem:$0x7FF] =	sst s3;
	s11 =	smul.u32 $0x4F000, s1  }
0x8: {  	p0 =	sgt.u32 s1, $0x7;
	s16 =	smul.u32 $0x13C0, s6;
	_ =	strace $0x80000047  }
0x9: {  	s31 =	ssub.s32 $0x2, s6;
	s18 =	sshll.u32 @!p0 s1, $0x6;
	s12 =	sadd.s32 s10, s5  }
0xa: {  	s6 =	sshrl.u32 s31, $0x1;
	s8 =	sshrl.u32 s8, $0x2;
	s11 =	sshrl.u32 s11, $0x2  }
0xb: {  	s9 =	sadd.s32 s10, s9;
	s10 =	simm.s32 $0x4180;
	s7 =	sadd.s32 s4, s16  }
0xc: {  	s4 =	sadd.s32 $0xDC00, s5;
	s13 =	ssub.s32 s31, s6;
	s17 =	sadd.s32 s11, s2  }
0xd: {  	s11 =	simm.s32 $0x2;
	v0 =	vmov s16;
	s16 =	sor.u32 @!p0 $0x1C02, s18;
	s7 =	sshll.u32 s7, $0x4  }
0xe: {  	s18 =	simm.s32 $0x0;
	s17 =	sshrl.u32 @!p0 s17, $0x3;
	s7 =	sadd.s32 s7, s5  }
0xf: {  	s5 =	sadd.s32 s8, s2;
	s8 =	sadd.s32 $0x3E00, s12;
	s12 =	simm.s32 $0x80  }
0x10: {  	v1 =	vimm.f32 $0.0e+00;
	s6 =	sadd.s32 $0x35400, s7;
	s7 =	smax.u32 s13, $0x1;
	s13 =	simm.s32 $0x180  }
.LBB2_1:
0x11: {  	s19 =	simm.s32 $0x0;
	s20 =	simm.s32 $0x200  }
.LBB2_2:
0x12: {  	p1 =	sne.s32 s20, $0x27E00;
	[tilespmem:s19+$0x41F0] =	vst v1  }
0x13: {  	[tilespmem:s19+$0x4180] =	vst v1  }
0x14: {  	[tilespmem:s19+$0x4190] =	vst v1  }
.Ltmp0:
0x15: {  	[tilespmem:s19+$0x41A0] =	vst v1;
	(pc) =	sbr.rel @p1 .LBB2_2-.Ltmp0, $4  }
0x16: {  	[tilespmem:s19+$0x41B0] =	vst v1  }
0x17: {  	[tilespmem:s19+$0x41C0] =	vst v1  }
0x18: {  	[tilespmem:s19+$0x41D0] =	vst v1  }
0x19: {  	[tilespmem:s19+$0x41E0] =	vst v1;
	s19 =	sshra.s32 s20, $0x2;
	s20 =	sadd.s32 $0x200, s20  }
0x1a: {  	[tilespmem:s19+$0x41F0] =	vst v1  }
0x1b: {  	[tilespmem:s19+$0x4180] =	vst v1  }
0x1c: {  	[tilespmem:s19+$0x4190] =	vst v1  }
0x1d: {  	[tilespmem:s19+$0x41A0] =	vst v1  }
0x1e: {  	[tilespmem:s19+$0x41B0] =	vst v1  }
0x1f: {  	[tilespmem:s19+$0x41C0] =	vst v1  }
0x20: {  	[tilespmem:s19+$0x41D0] =	vst v1  }
0x21: {  	[tilespmem:s19+$0x41E0] =	vst v1  }
0x22: {  	[spmem:s5] =	stream.linear.scatter [tilespmem:s10], [sflag:$0x2], $0xA000, $0x38;
	[tilespmem:$0x18180] =	vst v63  }
0x23: {  	_ =	swait.ge [sflag:s11], $0xA000  }
0x24: {  	[sflag:s11] =	ssyncset.done $0x0  }
0x25: {  	[sflag:s11] =	ssyncadd.s32 $0xFFFF6000  }
0x26: {  	s30 =	sadd.s32 $0x0, s9;
	[bflag:$0x0] =	sbarrier.arrive $0xFFFF  }
0x27: {  	[tilespmem:s3], [sflag:$0x2] =	stream.linear.gather [hbm4b:s30+s3], $0x80, $0x38;
	[tilespmem:$0x18180] =	vst v63  }
0x28: {  	_ =	swait.ge [sflag:s11], $0x80  }
0x29: {  	[sflag:s11] =	ssyncset.done $0x0  }
0x2a: {  	s31 =	sadd.s32 $0x0, s8;
	[sflag:s11] =	ssyncadd.s32 $0xFFFFFF80  }
0x2b: {  	[tilespmem:s12], [sflag:$0x2] =	stream.linear.gather [hbm4b:s31+s3], $0x80, $0x38;
	[tilespmem:$0x18180] =	vst v63  }
0x2c: {  	_ =	swait.ge [sflag:s11], $0x80  }
0x2d: {  	[sflag:s11] =	ssyncset.done $0x0  }
0x2e: {  	[sflag:s11] =	ssyncadd.s32 $0xFFFFFF80  }
0x2f: {  	v2 =	vld [tilespmem:$0xD0]  }
0x30: {  	v3 =	vld [tilespmem:$0xB0]  }
0x31: {  	v4 =	vld [tilespmem:$0xA0]  }
0x32: {  	v5 =	vld [tilespmem:$0x90]  }
0x33: {  	v6 =	vld [tilespmem:$0xC0]  }
0x34: {  	v7 =	vld [tilespmem:$0x80];
	v2 =	vsub.s32 v2, v0  }
0x35: {  	v8 =	vld [tilespmem:$0xE0];
	v3 =	vsub.s32 v3, v0;
	v2 =	vmin.u32 v2, $0x13C0  }
0x36: {  	v9 =	vld [tilespmem:$0xF0];
	v4 =	vsub.s32 v4, v0;
	v3 =	vmin.u32 v3, $0x13C0;
	[tilespmem:$0x150] =	vst v2  }
0x37: {  	v4 =	vmin.u32 v4, $0x13C0;
	v2 =	vsub.s32 v5, v0;
	[tilespmem:$0x130] =	vst v3  }
0x38: {  	[tilespmem:$0x120] =	vst v4;
	v3 =	vsub.s32 v6, v0;
	v2 =	vmin.u32 v2, $0x13C0  }
0x39: {  	v4 =	vsub.s32 v7, v0;
	[tilespmem:$0x110] =	vst v2;
	v2 =	vmin.u32 v3, $0x13C0  }
0x3a: {  	v3 =	vmin.u32 v4, $0x13C0;
	[tilespmem:$0x140] =	vst v2;
	v2 =	vsub.s32 v8, v0  }
0x3b: {  	s19 =	simm.s32 $0x10;
	[tilespmem:$0x100] =	vst v3;
	v3 =	vsub.s32 v9, v0;
	v2 =	vmin.u32 v2, $0x13C0  }
.LBB2_4:
0x3c: {  	p1 =	sne.s32 s19, $0x9D0;
	[tilespmem:$0x160] =	vst v2;
	v2 =	vmin.u32 v3, $0x13C0;
	s20 =	smov.u32 s19;
	s19 =	sadd.s32 $0x10, s19  }
0x3d: {  	[tilespmem:$0x170] =	vst v2  }
0x3e: {  	[tilespmem:s13], [sflag:$0x1] =	stream.indirect.gather [hbm4b:s4+s12], $0x80, s3, s12, $0xb8;
	[tilespmem:$0x18180] =	vst v63  }
0x3f: {  	_ =	swait.ge [sflag:s14], $0x4000  }
0x40: {  	[sflag:s14] =	ssyncset.done $0x0  }
0x41: {  	[sflag:s14] =	ssyncadd.s32 $0xFFFFC000  }
0x42: {  	[spmem:s2] =	stream.indirect.scatter.add.f32 [tilespmem:s13], [sflag:$0x2], $0x80, s15, s12, $0xb8;
	[tilespmem:$0x18180] =	vst v63  }
0x43: {  	s21 =	sadd.s32 s20, s9;
	_ =	swait.ge [sflag:s11], $0x4000  }
0x44: {  	[sflag:s11] =	ssyncset.done $0x0  }
0x45: {  	[sflag:s11] =	ssyncadd.s32 $0xFFFFC000  }
0x46: {  	[tilespmem:s3], [sflag:$0x2] =	stream.linear.gather [hbm4b:s21+s3], $0x80, $0x38;
	[tilespmem:$0x18180] =	vst v63  }
0x47: {  	_ =	swait.ge [sflag:s11], $0x80  }
0x48: {  	[sflag:s11] =	ssyncset.done $0x0  }
0x49: {  	s20 =	sadd.s32 s20, s8;
	[sflag:s11] =	ssyncadd.s32 $0xFFFFFF80  }
0x4a: {  	[tilespmem:s12], [sflag:$0x2] =	stream.linear.gather [hbm4b:s20+s3], $0x80, $0x38;
	[tilespmem:$0x18180] =	vst v63  }
0x4b: {  	_ =	swait.ge [sflag:s11], $0x80  }
0x4c: {  	[sflag:s11] =	ssyncset.done $0x0  }
0x4d: {  	[sflag:s11] =	ssyncadd.s32 $0xFFFFFF80  }
0x4e: {  	v2 =	vld [tilespmem:$0xD0]  }
0x4f: {  	v3 =	vld [tilespmem:$0xB0]  }
0x50: {  	v4 =	vld [tilespmem:$0xA0]  }
0x51: {  	v5 =	vld [tilespmem:$0x90]  }
0x52: {  	v6 =	vld [tilespmem:$0xC0]  }
0x53: {  	v7 =	vld [tilespmem:$0x80];
	v2 =	vsub.s32 v2, v0  }
0x54: {  	v3 =	vsub.s32 v3, v0;
	v2 =	vmin.u32 v2, $0x13C0;
	v8 =	vld [tilespmem:$0xE0]  }
0x55: {  	v4 =	vsub.s32 v4, v0;
	v3 =	vmin.u32 v3, $0x13C0;
	[tilespmem:$0x150] =	vst v2;
	v9 =	vld [tilespmem:$0xF0]  }
.Ltmp1:
0x56: {  	v2 =	vsub.s32 v5, v0;
	v4 =	vmin.u32 v4, $0x13C0;
	[tilespmem:$0x130] =	vst v3;
	(pc) =	sbr.rel @p1 .LBB2_4-.Ltmp1, $4  }
0x57: {  	v2 =	vmin.u32 v2, $0x13C0;
	[tilespmem:$0x120] =	vst v4;
	v3 =	vsub.s32 v6, v0  }
0x58: {  	v4 =	vsub.s32 v7, v0;
	[tilespmem:$0x110] =	vst v2;
	v2 =	vmin.u32 v3, $0x13C0  }
0x59: {  	v3 =	vmin.u32 v4, $0x13C0;
	[tilespmem:$0x140] =	vst v2;
	v2 =	vsub.s32 v8, v0  }
0x5a: {  	[tilespmem:$0x100] =	vst v3;
	v2 =	vmin.u32 v2, $0x13C0;
	v3 =	vsub.s32 v9, v0  }
0x5b: {  	[tilespmem:$0x160] =	vst v2;
	v2 =	vmin.u32 v3, $0x13C0  }
0x5c: {  	[tilespmem:$0x170] =	vst v2  }
0x5d: {  	[tilespmem:s13], [sflag:$0x1] =	stream.indirect.gather [hbm4b:s4+s12], $0x80, s3, s12, $0xb8;
	[tilespmem:$0x18180] =	vst v63  }
0x5e: {  	_ =	swait.ge [sflag:s14], $0x4000  }
0x5f: {  	[sflag:s14] =	ssyncset.done $0x0  }
0x60: {  	[sflag:s14] =	ssyncadd.s32 $0xFFFFC000  }
0x61: {  	[spmem:s2] =	stream.indirect.scatter.add.f32 [tilespmem:s13], [sflag:$0x2], $0x80, s15, s12, $0xb8;
	[tilespmem:$0x18180] =	vst v63  }
0x62: {  	_ =	swait.ge [sflag:s11], $0x4000  }
0x63: {  	s18 =	sadd.s32 $0x1, s18;
	[sflag:s11] =	ssyncset.done $0x0  }
0x64: {  	p1 =	sne.s32 s18, s7;
	[sflag:s11] =	ssyncadd.s32 $0xFFFFC000  }
.Ltmp2:
0x65: {  	s19 =	simm.s32 @!p0 $0x2;
	[bflag:$0x0] =	sbarrier.arrive $0xFFFF;
	(pc) =	sbr.rel @p1 .LBB2_1-.Ltmp2, $4  }
0x66: {  	[hbm:s6], [sflag:s16] =	dma.local @!p0 [spmem:s17], $0x2780  }
0x67: {  	_ =	swait.ge @!p0 [sflag:s19], $0x2780  }
0x68: {  	[sflag:s19] =	ssyncset.done @!p0 $0x0  }
0x69: {  	[sflag:s19] =	ssyncadd.s32 @!p0 $0xFFFFD880  }
0x6a: {  	_ =	sfence.sel $0x180000  }
0x6b: {  	[bflag:$0x0] =	sbarrier.arrive $0xFFFF  }
0x6c: {  	p0 =	sne.s32 s1, $0x0;
	_ =	strace $0x90000047  }
0x6d: {  	s0 =	sadd.s32 @!p0 $0x100000, s0;
	[bflag:$0x2] =	sbarrier.arrive $0xFFFF  }
0x6e: {  	[sflag:s0] =	ssyncadd.tile.s32 @!p0 $0x1;
	_ =	shalt  }
.Lfunc_end2:
_tile_overlayer_lowered:
.L_overlay_start_2:
0x6f: {  	(tag) =	ssettag $0x2  }
0x70: {  	s0 =	rddreg [dreg:$0x0];
	s2 =	stileid.u32  }
0x71: {  	s1 =	rddreg [dreg:$0x1];
	p0 =	sne.s32 s2, $0x0  }
0x72: {  	s3 =	rddreg [dreg:$0x2];
	[bflag:$0x3] =	sbarrier.arrive $0xFFFF;
	s2 =	simm.s32 @!p0 $0x1C02  }
0x73: {  	[timem:s3], [sflag:s2] =	dma.local @!p0 [hbm:s0], s1  }
0x74: {  	s0 =	simm.s32 @!p0 $0x2  }
0x75: {  	_ =	swait.ge @!p0 [sflag:s0], s1  }
0x76: {  	s1 =	ssub.s32 @!p0 $0x0, s1;
	[sflag:s0] =	ssyncset.done @!p0 $0x0  }
0x77: {  	[sflag:s0] =	ssyncadd.s32 @!p0 s1  }
0x78: {  	[bflag:$0x3] =	sbarrier.arrive $0xFFFF  }
0x79: {  	_ =	shalt  }

// kernel: kernel.14.cloned.1.call-start
scs
__scs_entry_jumppad:
0x0: {  	(pc) =	sbr.rel $0x88, $3  }
0x1: {  	(tag) =	ssettag $0x0;
	lr =	simm.s32 $0x1  }
0x2: {  	[smem:$0x3F99] =	sst lr;
	_ =	strace $0xD0000000  }
0x3: {  	_ = 	snop  }
0x4: {  	_ = 	snop  }
0x5: {  	_ = 	snop  }
0x6: {  	_ = 	snop  }
0x7: {  	_ = 	snop  }
__scs_overlays_trampoline_lowered:
0x8: {  	[smem:$0x3FA8] =	sst s0  }
0x9: {  	[smem:$0x3FA9] =	sst s1  }
0xa: {  	[smem:$0x3FAA] =	sst s2  }
0xb: {  	[smem:$0x3FAB] =	sst s3  }
0xc: {  	[smem:$0x3FAC] =	sst s4  }
0xd: {  	[smem:$0x3FAD] =	sst s5  }
0xe: {  	[smem:$0x3FAE] =	sst s6  }
0xf: {  	[smem:$0x3FAF] =	sst s7  }
0x10: {  	[smem:$0x3FB0] =	sst s8  }
0x11: {  	[smem:$0x3FB1] =	sst s9;
	s0 =	simm.s32 @!p0 $0x0  }
0x12: {  	s1 =	sld [smem:$0x3F97];
	s0 =	simm.s32 @p0 $0x1  }
0x13: {  	[smem:$0x3FB2] =	sst s0;
	s0 =	simm.s32 @!p1 $0x0  }
0x14: {  	s2 =	sld [smem:$0x3F96];
	s0 =	simm.s32 @p1 $0x1  }
0x15: {  	[smem:$0x3FB3] =	sst s0;
	s0 =	simm.s32 @!p2 $0x0  }
0x16: {  	s3 =	sld [smem:$0x3FDB];
	s0 =	simm.s32 @p2 $0x1  }
0x17: {  	s4 =	simm.s32 $0x1BF5;
	[smem:$0x3FB5] =	sst s0  }
0x18: {  	s0 =	sld [smem:$0x3F98];
	_ =	swait.ge [sflag:s4], $0x0  }
0x19: {  	s7 =	sld [smem:$0x3F99]  }
0x1a: {  	s8 =	sadd.s32 $0xFFFFE003, lr  }
0x1b: {  	s9 =	sadd.s32 $0xFFFFFEF7, lr;
	s5 =	simm.s32 $0xFFFFFFFF;
	p2 =	slt.u32 s8, $0xFFFFF086  }
0x1c: {  	p1 =	slt.u32 s9, $0xF7A;
	s5 =	simm.s32 @!p2 $0x0  }
0x1d: {  	s5 =	simm.s32 @p1 $0x1;
	p0 =	seq.s32 s7, s2  }
0x1e: {  	s7 =	smul.u32 @!p0 $0xF7A, s2;
	p2 =	seq.s32 @!p0 s5, $0x0  }
0x1f: {  	s9 =	smul.u32 $0xF7A, s1;
	s8 =	simm.s32 @!p0 $0x1BF5;
	p2 =	por !p2, p0  }
0x20: {  	[sflag:s8] =	ssyncset.s32 @!p0 $0xFFFFF086;
	s6 =	sadd.s32 @!p0 s3, s7;
	s7 =	simm.s32 @!p0 $0x108  }
0x21: {  	s3 =	sadd.s32 s3, s9;
	s6 =	sadd.s32 @!p0 $0x88, s6;
	s7 =	simm.s32 @p2 $0x1082  }
0x22: {  	[simem:s7], [sflag:s8] =	dma.local @!p0 [hbm:s6], $0xF7A  }
0x23: {  	s9 =	sor.u32 $0xD0000000, s2;
	s6 =	simm.s32 $0x108;
	_ =	swait.ge @!p0 [sflag:s8], $0x0  }
0x24: {  	s3 =	sadd.s32 $0x88, s3;
	s6 =	simm.s32 @!p1 $0x1082;
	[sflag:s4] =	ssyncset.s32 $0xFFFFF086  }
0x25: {  	[simem:s6], [sflag:s4] =	dma.local [hbm:s3], $0xF7A  }
0x26: {  	[smem:$0x3F99] =	sst s1;
	(tag) =	ssettag s2;
	_ =	strace s9  }
0x27: {  	s1 =	sld [smem:$0x3FA9]  }
0x28: {  	s2 =	sld [smem:$0x3FAA]  }
0x29: {  	s4 =	sld [smem:$0x3FAC]  }
0x2a: {  	p0 =	seq.s32 s5, $0x0;
	s5 =	sld [smem:$0x3FAD]  }
0x2b: {  	s6 =	sld [smem:$0x3FAE]  }
0x2c: {  	s7 =	sld [smem:$0x3FAF]  }
0x2d: {  	s3 =	simm.s32 $0x108;
	s8 =	sld [smem:$0x3FB0]  }
0x2e: {  	s3 =	simm.s32 @!p0 $0x1082;
	s9 =	sld [smem:$0x3FB1]  }
0x2f: {  	lr =	sadd.s32 s0, s3;
	s0 =	sld [smem:$0x3FA8]  }
0x30: {  	s3 =	sld [smem:$0x3FAB]  }
0x31: {  	[smem:$0x3FB4] =	sst s10  }
0x32: {  	s10 =	sld [smem:$0x3FB2];
	_ =	sdelay $0x3  }
0x33: {  	p0 =	seq.s32 s10, $0x1;
	s10 =	sld [smem:$0x3FB4];
	_ =	sdelay $0x3  }
0x34: {  	[smem:$0x3FB4] =	sst s10  }
0x35: {  	s10 =	sld [smem:$0x3FB3];
	_ =	sdelay $0x3  }
0x36: {  	p1 =	seq.s32 s10, $0x1;
	s10 =	sld [smem:$0x3FB4];
	_ =	sdelay $0x3  }
0x37: {  	[smem:$0x3FB4] =	sst s10  }
0x38: {  	s10 =	sld [smem:$0x3FB5]  }
0x39: {  	_ = 	snop;
	(pc) =	sbr.ind lr, $3  }
0x3a: {  	_ = 	snop  }
0x3b: {  	_ = 	snop  }
0x3c: {  	p2 =	seq.s32 s10, $0x1;
	s10 =	sld [smem:$0x3FB4]  }
0x3d: {  	_ =	shalt  }
0x3e: {  	_ =	shalt  }
0x3f: {  	_ =	shalt  }
0x40: {  	_ =	shalt  }
0x41: {  	_ =	shalt  }
0x42: {  	_ =	shalt  }
0x43: {  	_ =	shalt  }
0x44: {  	_ =	shalt  }
0x45: {  	_ =	shalt  }
0x46: {  	_ =	shalt  }
0x47: {  	_ =	shalt  }
0x48: {  	_ =	shalt  }
0x49: {  	_ =	shalt  }
0x4a: {  	_ =	shalt  }
0x4b: {  	_ =	shalt  }
0x4c: {  	_ =	shalt  }
0x4d: {  	_ =	shalt  }
0x4e: {  	_ =	shalt  }
0x4f: {  	_ =	shalt  }
0x50: {  	_ =	shalt  }
0x51: {  	_ =	shalt  }
0x52: {  	_ =	shalt  }
0x53: {  	_ =	shalt  }
0x54: {  	_ =	shalt  }
0x55: {  	_ =	shalt  }
0x56: {  	_ =	shalt  }
0x57: {  	_ =	shalt  }
0x58: {  	_ =	shalt  }
0x59: {  	_ =	shalt  }
0x5a: {  	_ =	shalt  }
0x5b: {  	_ =	shalt  }
0x5c: {  	_ =	shalt  }
0x5d: {  	_ =	shalt  }
0x5e: {  	_ =	shalt  }
0x5f: {  	_ =	shalt  }
0x60: {  	_ =	shalt  }
0x61: {  	_ =	shalt  }
0x62: {  	_ =	shalt  }
0x63: {  	_ =	shalt  }
0x64: {  	_ =	shalt  }
0x65: {  	_ =	shalt  }
0x66: {  	_ =	shalt  }
0x67: {  	_ =	shalt  }
0x68: {  	_ =	shalt  }
0x69: {  	_ =	shalt  }
0x6a: {  	_ =	shalt  }
0x6b: {  	_ =	shalt  }
0x6c: {  	_ =	shalt  }
0x6d: {  	_ =	shalt  }
0x6e: {  	_ =	shalt  }
0x6f: {  	_ =	shalt  }
0x70: {  	_ =	shalt  }
0x71: {  	_ =	shalt  }
0x72: {  	_ =	shalt  }
0x73: {  	_ =	shalt  }
0x74: {  	_ =	shalt  }
0x75: {  	_ =	shalt  }
0x76: {  	_ =	shalt  }
0x77: {  	_ =	shalt  }
0x78: {  	_ =	shalt  }
0x79: {  	_ =	shalt  }
0x7a: {  	_ =	shalt  }
0x7b: {  	_ =	shalt  }
0x7c: {  	_ =	shalt  }
0x7d: {  	_ =	shalt  }
0x7e: {  	_ =	shalt  }
0x7f: {  	_ =	shalt  }
0x80: {  	_ =	shalt  }
0x81: {  	_ =	shalt  }
0x82: {  	_ =	shalt  }
0x83: {  	_ =	shalt  }
0x84: {  	_ =	shalt  }
0x85: {  	_ =	shalt  }
0x86: {  	_ =	shalt  }
0x87: {  	_ =	shalt  }
.Lfunc_end0:
.L_simem_size_0:
called_computation.1_lowered:
.L_overlay_start_0:
0x88: {  	s2 =	sld [smem:$0x3FD9]  }
0x89: {  	s3 =	sld [smem:$0x3FFE];
	_ =	sdelay $0x1  }
0x8a: {  	s1 =	srdreg.scid  }
0x8b: {  	s0 =	sand.u32 $0x1, s1  }
0x8c: {  	s17 =	sshll.u32 s0, $0xA;
	s2 =	sadd.s32 s3, s2  }
0x8d: {  	s2 =	sadd.s32 s2, s17  }
0x8e: {  	[smem:$0x3FC0] =	sst s2  }
0x8f: {  	_ = 	snop  }
0x90: {  	s2 =	sld [smem:$0x3FD0];
	(tm) =	ssettm $0x1  }
0x91: {  	s18 =	sld [smem:$0x3FFB];
	_ =	sdelay $0x3  }
0x92: {  	_ =	strace s18  }
0x93: {  	s3 =	sld [smem:$0x3FFC];
	_ =	sdelay $0x3  }
0x94: {  	_ =	strace s3  }
0x95: {  	s3 =	sld [smem:$0x3FFD];
	_ =	sdelay $0x3  }
0x96: {  	_ =	strace s3  }
0x97: {  	_ =	strace $0x8FFFFFFF  }
0x98: {  	s19 =	sld [smem:$0x3FDB];
	_ =	sdelay $0x1  }
0x99: {  	s4 =	simm.s32 $_scs_section_size  }
0x9a: {  	s5 =	simm.s32 $_size__tile_overlayer_lowered;
	s6 =	simm.s32 $_tile_overlayer_lowered  }
0x9b: {  	s22 =	simm.s32 $0x1BFF;
	s21 =	sshll.u32 s6, $0x1;
	s3 =	sadd.s32 s4, s19  }
0x9c: {  	s7 =	simm.s32 $0x0;
	s20 =	sshll.u32 s5, $0x1;
	s5 =	sadd.s32 s21, s3  }
0x9d: {  	[timem:s7], [sflag:s22] =	dma.local [hbm:s5], s20  }
0x9e: {  	_ =	swait.ge [sflag:s22], s20  }
0x9f: {  	s4 =	ssub.s32 $0x0, s20;
	[sflag:s22] =	ssyncset.done $0x0  }
0xa0: {  	[sflag:s22] =	ssyncadd.s32 s4;
	_ =	sdelay $0x1  }
0xa1: {  	s23 =	simm.s32 $0x1B8B  }
0xa2: {  	_ =	swait.ge [sflag:s23], $0x1  }
0xa3: {  	[sflag:s23] =	ssyncset.done $0x0  }
0xa4: {  	s25 =	simm.s32 $0x1B8E;
	s24 =	sld [smem:$0x3FFE];
	[sflag:s23] =	ssyncadd.s32 $0xFFFFFFFF  }
0xa5: {  	s26 =	simm.s32 $execute0_lowered;
	[smem:$0x3FD2] =	sst s25  }
0xa6: {  	s5 =	sshll.u32 s26, $0x1;
	_ =	strace $0x80000049;
	[dreg:$0x1] =	wrdreg $0xFFFFFFFF  }
0xa7: {  	s28 =	simm.s32 $_size_execute0_lowered;
	s3 =	sadd.s32 s3, s5;
	[dreg:$0x0] =	wrdreg $0x0  }
0xa8: {  	s5 =	sshll.u32 s28, $0x1;
	[dreg:$0x2] =	wrdreg s3  }
0xa9: {  	[dreg:$0x3] =	wrdreg s5  }
0xaa: {  	[dreg:$0x4] =	wrdreg $0xC0  }
0xab: {  	_ =	task [dreg:s7], $0x5FFFF  }
0xac: {  	[dreg:$0x1] =	wrdreg $0xFFFFFFFF  }
0xad: {  	[dreg:$0x0] =	wrdreg $0x60  }
0xae: {  	[dreg:$0x2] =	wrdreg s24  }
0xaf: {  	[dreg:$0x3] =	wrdreg s2  }
0xb0: {  	[dreg:$0x4] =	wrdreg $0xE1800  }
0xb1: {  	[dreg:$0x5] =	wrdreg $0x9  }
0xb2: {  	_ =	task.clear_ibuf [dreg:s7], $0x6FFFF;
	_ =	strace $0x90000049  }
0xb3: {  	s29 =	simm.s32 $0x9;
	_ =	strace $0x8000004B  }
0xb4: {  	_ =	swait.ge [sflag:s29], $0x1  }
0xb5: {  	[sflag:s29] =	ssyncadd.s32 $0xFFFFFFFF  }
0xb6: {  	_ =	strace $0x9000004B  }
0xb7: {  	_ =	sfence  }
0xb8: {  	s30 =	sld [smem:$0x0];
	_ =	sdelay $0x2  }
0xb9: {  	s31 =	sshll.u32 s1, $0xD;
	s1 =	sshrl.u32 s1, $0x2  }
0xba: {  	s3 =	sand.u32 $0x4000, s31;
	s1 =	sadd.s32 s1, s30  }
0xbb: {  	s0 =	sor.u32 s3, s0;
	s1 =	sshll.u32 s1, $0x11  }
0xbc: {  	s0 =	sor.u32 s1, s0  }
0xbd: {  	s0 =	sadd.s32 $0x8F2B, s0  }
0xbe: {  	[sflag:s0] =	ssyncadd.remote.s32 $0x1  }
0xbf: {  	_ =	sfence.sel $0xFFFF  }
0xc0: {  	[dreg:$0x0] =	wrdreg $0xFFFFFFFF;
	(pc) =	sbr.abs _section_cstart, $3  }
0xc1: {  	[dreg:$0x1] =	wrdreg $0xFFFFFFFF  }
0xc2: {  	_ =	task.clear_ibuf [dreg:s7], $0x2FFFF;
	_ =	strace $0x9FFFFFFF  }
0xc3: {  	(tm) =	ssettm $0x7FFFFFFF  }
tec
execute0_lowered:
.L_overlay_start_1:
0x0: {  	(tag) =	ssettag $0x1  }
0x1: {  	s5 =	rddreg [dreg:$0x0]  }
0x2: {  	s9 =	rddreg [dreg:$0x1]  }
0x3: {  	s0 =	srdreg.scid;
	s1 =	stileid.u32  }
0x4: {  	s2 =	rddreg [dreg:$0x2];
	s4 =	smul.u32 $0x278, s1  }
0x5: {  	s3 =	simm.s32 $0x0;
	s14 =	simm.s32 $0x1;
	s10 =	smul.u32 $0x9E0, s1  }
0x6: {  	s6 =	sand.u32 $0x1, s0;
	s0 =	rddreg [dreg:$0x3];
	s8 =	smul.u32 $0x28000, s1  }
0x7: {  	s15 =	simm.s32 $0x100;
	[smem:$0x7FF] =	sst s3;
	s11 =	smul.u32 $0x4F000, s1  }
0x8: {  	p0 =	sgt.u32 s1, $0x7;
	s16 =	smul.u32 $0x13C0, s6;
	_ =	strace $0x8000004A  }
0x9: {  	s31 =	ssub.s32 $0x2, s6;
	s18 =	sshll.u32 @!p0 s1, $0x6;
	s12 =	sadd.s32 s10, s5  }
0xa: {  	s6 =	sshrl.u32 s31, $0x1;
	s8 =	sshrl.u32 s8, $0x2;
	s11 =	sshrl.u32 s11, $0x2  }
0xb: {  	s9 =	sadd.s32 s10, s9;
	s10 =	simm.s32 $0x4180;
	s7 =	sadd.s32 s4, s16  }
0xc: {  	s4 =	sadd.s32 $0xDC00, s5;
	s13 =	ssub.s32 s31, s6;
	s17 =	sadd.s32 s11, s2  }
0xd: {  	s11 =	simm.s32 $0x2;
	v0 =	vmov s16;
	s16 =	sor.u32 @!p0 $0x1C02, s18;
	s7 =	sshll.u32 s7, $0x4  }
0xe: {  	s18 =	simm.s32 $0x0;
	s17 =	sshrl.u32 @!p0 s17, $0x3;
	s7 =	sadd.s32 s7, s5  }
0xf: {  	s5 =	sadd.s32 s8, s2;
	s8 =	sadd.s32 $0x5CC00, s12;
	s12 =	simm.s32 $0x80  }
0x10: {  	v1 =	vimm.f32 $0.0e+00;
	s6 =	sadd.s32 $0x66A00, s7;
	s7 =	smax.u32 s13, $0x1;
	s13 =	simm.s32 $0x180  }
.LBB2_1:
0x11: {  	s19 =	simm.s32 $0x0;
	s20 =	simm.s32 $0x200  }
.LBB2_2:
0x12: {  	p1 =	sne.s32 s20, $0x27E00;
	[tilespmem:s19+$0x41F0] =	vst v1  }
0x13: {  	[tilespmem:s19+$0x4180] =	vst v1  }
0x14: {  	[tilespmem:s19+$0x4190] =	vst v1  }
.Ltmp0:
0x15: {  	[tilespmem:s19+$0x41A0] =	vst v1;
	(pc) =	sbr.rel @p1 .LBB2_2-.Ltmp0, $4  }
0x16: {  	[tilespmem:s19+$0x41B0] =	vst v1  }
0x17: {  	[tilespmem:s19+$0x41C0] =	vst v1  }
0x18: {  	[tilespmem:s19+$0x41D0] =	vst v1  }
0x19: {  	[tilespmem:s19+$0x41E0] =	vst v1;
	s19 =	sshra.s32 s20, $0x2;
	s20 =	sadd.s32 $0x200, s20  }
0x1a: {  	[tilespmem:s19+$0x41F0] =	vst v1  }
0x1b: {  	[tilespmem:s19+$0x4180] =	vst v1  }
0x1c: {  	[tilespmem:s19+$0x4190] =	vst v1  }
0x1d: {  	[tilespmem:s19+$0x41A0] =	vst v1  }
0x1e: {  	[tilespmem:s19+$0x41B0] =	vst v1  }
0x1f: {  	[tilespmem:s19+$0x41C0] =	vst v1  }
0x20: {  	[tilespmem:s19+$0x41D0] =	vst v1  }
0x21: {  	[tilespmem:s19+$0x41E0] =	vst v1  }
0x22: {  	[spmem:s5] =	stream.linear.scatter [tilespmem:s10], [sflag:$0x2], $0xA000, $0x38;
	[tilespmem:$0x18180] =	vst v63  }
0x23: {  	_ =	swait.ge [sflag:s11], $0xA000  }
0x24: {  	[sflag:s11] =	ssyncset.done $0x0  }
0x25: {  	[sflag:s11] =	ssyncadd.s32 $0xFFFF6000  }
0x26: {  	s30 =	sadd.s32 $0x0, s9;
	[bflag:$0x0] =	sbarrier.arrive $0xFFFF  }
0x27: {  	[tilespmem:s3], [sflag:$0x2] =	stream.linear.gather [hbm4b:s30+s3], $0x80, $0x38;
	[tilespmem:$0x18180] =	vst v63  }
0x28: {  	_ =	swait.ge [sflag:s11], $0x80  }
0x29: {  	[sflag:s11] =	ssyncset.done $0x0  }
0x2a: {  	s31 =	sadd.s32 $0x0, s8;
	[sflag:s11] =	ssyncadd.s32 $0xFFFFFF80  }
0x2b: {  	[tilespmem:s12], [sflag:$0x2] =	stream.linear.gather [hbm4b:s31+s3], $0x80, $0x38;
	[tilespmem:$0x18180] =	vst v63  }
0x2c: {  	_ =	swait.ge [sflag:s11], $0x80  }
0x2d: {  	[sflag:s11] =	ssyncset.done $0x0  }
0x2e: {  	[sflag:s11] =	ssyncadd.s32 $0xFFFFFF80  }
0x2f: {  	v2 =	vld [tilespmem:$0xD0]  }
0x30: {  	v3 =	vld [tilespmem:$0xB0]  }
0x31: {  	v4 =	vld [tilespmem:$0xA0]  }
0x32: {  	v5 =	vld [tilespmem:$0x90]  }
0x33: {  	v6 =	vld [tilespmem:$0xC0]  }
0x34: {  	v7 =	vld [tilespmem:$0x80];
	v2 =	vsub.s32 v2, v0  }
0x35: {  	v8 =	vld [tilespmem:$0xE0];
	v3 =	vsub.s32 v3, v0;
	v2 =	vmin.u32 v2, $0x13C0  }
0x36: {  	v9 =	vld [tilespmem:$0xF0];
	v4 =	vsub.s32 v4, v0;
	v3 =	vmin.u32 v3, $0x13C0;
	[tilespmem:$0x150] =	vst v2  }
0x37: {  	v4 =	vmin.u32 v4, $0x13C0;
	v2 =	vsub.s32 v5, v0;
	[tilespmem:$0x130] =	vst v3  }
0x38: {  	[tilespmem:$0x120] =	vst v4;
	v3 =	vsub.s32 v6, v0;
	v2 =	vmin.u32 v2, $0x13C0  }
0x39: {  	v4 =	vsub.s32 v7, v0;
	[tilespmem:$0x110] =	vst v2;
	v2 =	vmin.u32 v3, $0x13C0  }
0x3a: {  	v3 =	vmin.u32 v4, $0x13C0;
	[tilespmem:$0x140] =	vst v2;
	v2 =	vsub.s32 v8, v0  }
0x3b: {  	s19 =	simm.s32 $0x10;
	[tilespmem:$0x100] =	vst v3;
	v3 =	vsub.s32 v9, v0;
	v2 =	vmin.u32 v2, $0x13C0  }
.LBB2_4:
0x3c: {  	p1 =	sne.s32 s19, $0x9D0;
	[tilespmem:$0x160] =	vst v2;
	v2 =	vmin.u32 v3, $0x13C0;
	s20 =	smov.u32 s19;
	s19 =	sadd.s32 $0x10, s19  }
0x3d: {  	[tilespmem:$0x170] =	vst v2  }
0x3e: {  	[tilespmem:s13], [sflag:$0x1] =	stream.indirect.gather [hbm4b:s4+s12], $0x80, s3, s12, $0xb8;
	[tilespmem:$0x18180] =	vst v63  }
0x3f: {  	_ =	swait.ge [sflag:s14], $0x4000  }
0x40: {  	[sflag:s14] =	ssyncset.done $0x0  }
0x41: {  	[sflag:s14] =	ssyncadd.s32 $0xFFFFC000  }
0x42: {  	[spmem:s2] =	stream.indirect.scatter.add.f32 [tilespmem:s13], [sflag:$0x2], $0x80, s15, s12, $0xb8;
	[tilespmem:$0x18180] =	vst v63  }
0x43: {  	s21 =	sadd.s32 s20, s9;
	_ =	swait.ge [sflag:s11], $0x4000  }
0x44: {  	[sflag:s11] =	ssyncset.done $0x0  }
0x45: {  	[sflag:s11] =	ssyncadd.s32 $0xFFFFC000  }
0x46: {  	[tilespmem:s3], [sflag:$0x2] =	stream.linear.gather [hbm4b:s21+s3], $0x80, $0x38;
	[tilespmem:$0x18180] =	vst v63  }
0x47: {  	_ =	swait.ge [sflag:s11], $0x80  }
0x48: {  	[sflag:s11] =	ssyncset.done $0x0  }
0x49: {  	s20 =	sadd.s32 s20, s8;
	[sflag:s11] =	ssyncadd.s32 $0xFFFFFF80  }
0x4a: {  	[tilespmem:s12], [sflag:$0x2] =	stream.linear.gather [hbm4b:s20+s3], $0x80, $0x38;
	[tilespmem:$0x18180] =	vst v63  }
0x4b: {  	_ =	swait.ge [sflag:s11], $0x80  }
0x4c: {  	[sflag:s11] =	ssyncset.done $0x0  }
0x4d: {  	[sflag:s11] =	ssyncadd.s32 $0xFFFFFF80  }
0x4e: {  	v2 =	vld [tilespmem:$0xD0]  }
0x4f: {  	v3 =	vld [tilespmem:$0xB0]  }
0x50: {  	v4 =	vld [tilespmem:$0xA0]  }
0x51: {  	v5 =	vld [tilespmem:$0x90]  }
0x52: {  	v6 =	vld [tilespmem:$0xC0]  }
0x53: {  	v7 =	vld [tilespmem:$0x80];
	v2 =	vsub.s32 v2, v0  }
0x54: {  	v3 =	vsub.s32 v3, v0;
	v2 =	vmin.u32 v2, $0x13C0;
	v8 =	vld [tilespmem:$0xE0]  }
0x55: {  	v4 =	vsub.s32 v4, v0;
	v3 =	vmin.u32 v3, $0x13C0;
	[tilespmem:$0x150] =	vst v2;
	v9 =	vld [tilespmem:$0xF0]  }
.Ltmp1:
0x56: {  	v2 =	vsub.s32 v5, v0;
	v4 =	vmin.u32 v4, $0x13C0;
	[tilespmem:$0x130] =	vst v3;
	(pc) =	sbr.rel @p1 .LBB2_4-.Ltmp1, $4  }
0x57: {  	v2 =	vmin.u32 v2, $0x13C0;
	[tilespmem:$0x120] =	vst v4;
	v3 =	vsub.s32 v6, v0  }
0x58: {  	v4 =	vsub.s32 v7, v0;
	[tilespmem:$0x110] =	vst v2;
	v2 =	vmin.u32 v3, $0x13C0  }
0x59: {  	v3 =	vmin.u32 v4, $0x13C0;
	[tilespmem:$0x140] =	vst v2;
	v2 =	vsub.s32 v8, v0  }
0x5a: {  	[tilespmem:$0x100] =	vst v3;
	v2 =	vmin.u32 v2, $0x13C0;
	v3 =	vsub.s32 v9, v0  }
0x5b: {  	[tilespmem:$0x160] =	vst v2;
	v2 =	vmin.u32 v3, $0x13C0  }
0x5c: {  	[tilespmem:$0x170] =	vst v2  }
0x5d: {  	[tilespmem:s13], [sflag:$0x1] =	stream.indirect.gather [hbm4b:s4+s12], $0x80, s3, s12, $0xb8;
	[tilespmem:$0x18180] =	vst v63  }
0x5e: {  	_ =	swait.ge [sflag:s14], $0x4000  }
0x5f: {  	[sflag:s14] =	ssyncset.done $0x0  }
0x60: {  	[sflag:s14] =	ssyncadd.s32 $0xFFFFC000  }
0x61: {  	[spmem:s2] =	stream.indirect.scatter.add.f32 [tilespmem:s13], [sflag:$0x2], $0x80, s15, s12, $0xb8;
	[tilespmem:$0x18180] =	vst v63  }
0x62: {  	_ =	swait.ge [sflag:s11], $0x4000  }
0x63: {  	s18 =	sadd.s32 $0x1, s18;
	[sflag:s11] =	ssyncset.done $0x0  }
0x64: {  	p1 =	sne.s32 s18, s7;
	[sflag:s11] =	ssyncadd.s32 $0xFFFFC000  }
.Ltmp2:
0x65: {  	s19 =	simm.s32 @!p0 $0x2;
	[bflag:$0x0] =	sbarrier.arrive $0xFFFF;
	(pc) =	sbr.rel @p1 .LBB2_1-.Ltmp2, $4  }
0x66: {  	[hbm:s6], [sflag:s16] =	dma.local @!p0 [spmem:s17], $0x2780  }
0x67: {  	_ =	swait.ge @!p0 [sflag:s19], $0x2780  }
0x68: {  	[sflag:s19] =	ssyncset.done @!p0 $0x0  }
0x69: {  	[sflag:s19] =	ssyncadd.s32 @!p0 $0xFFFFD880  }
0x6a: {  	_ =	sfence.sel $0x180000  }
0x6b: {  	[bflag:$0x0] =	sbarrier.arrive $0xFFFF  }
0x6c: {  	p0 =	sne.s32 s1, $0x0;
	_ =	strace $0x9000004A  }
0x6d: {  	s0 =	sadd.s32 @!p0 $0x100000, s0;
	[bflag:$0x2] =	sbarrier.arrive $0xFFFF  }
0x6e: {  	[sflag:s0] =	ssyncadd.tile.s32 @!p0 $0x1;
	_ =	shalt  }
.Lfunc_end2:
_tile_overlayer_lowered:
.L_overlay_start_2:
0x6f: {  	(tag) =	ssettag $0x2  }
0x70: {  	s0 =	rddreg [dreg:$0x0];
	s2 =	stileid.u32  }
0x71: {  	s1 =	rddreg [dreg:$0x1];
	p0 =	sne.s32 s2, $0x0  }
0x72: {  	s3 =	rddreg [dreg:$0x2];
	[bflag:$0x3] =	sbarrier.arrive $0xFFFF;
	s2 =	simm.s32 @!p0 $0x1C02  }
0x73: {  	[timem:s3], [sflag:s2] =	dma.local @!p0 [hbm:s0], s1  }
0x74: {  	s0 =	simm.s32 @!p0 $0x2  }
0x75: {  	_ =	swait.ge @!p0 [sflag:s0], s1  }
0x76: {  	s1 =	ssub.s32 @!p0 $0x0, s1;
	[sflag:s0] =	ssyncset.done @!p0 $0x0  }
0x77: {  	[sflag:s0] =	ssyncadd.s32 @!p0 s1  }
0x78: {  	[bflag:$0x3] =	sbarrier.arrive $0xFFFF  }
0x79: {  	_ =	shalt  }

// kernel: kernel.17.cloned.1.call-start
scs
__scs_entry_jumppad:
0x0: {  	(pc) =	sbr.rel $0x88, $3  }
0x1: {  	(tag) =	ssettag $0x0;
	lr =	simm.s32 $0x1  }
0x2: {  	[smem:$0x3F99] =	sst lr;
	_ =	strace $0xD0000000  }
0x3: {  	_ = 	snop  }
0x4: {  	_ = 	snop  }
0x5: {  	_ = 	snop  }
0x6: {  	_ = 	snop  }
0x7: {  	_ = 	snop  }
__scs_overlays_trampoline_lowered:
0x8: {  	[smem:$0x3FA8] =	sst s0  }
0x9: {  	[smem:$0x3FA9] =	sst s1  }
0xa: {  	[smem:$0x3FAA] =	sst s2  }
0xb: {  	[smem:$0x3FAB] =	sst s3  }
0xc: {  	[smem:$0x3FAC] =	sst s4  }
0xd: {  	[smem:$0x3FAD] =	sst s5  }
0xe: {  	[smem:$0x3FAE] =	sst s6  }
0xf: {  	[smem:$0x3FAF] =	sst s7  }
0x10: {  	[smem:$0x3FB0] =	sst s8  }
0x11: {  	[smem:$0x3FB1] =	sst s9;
	s0 =	simm.s32 @!p0 $0x0  }
0x12: {  	s1 =	sld [smem:$0x3F97];
	s0 =	simm.s32 @p0 $0x1  }
0x13: {  	[smem:$0x3FB2] =	sst s0;
	s0 =	simm.s32 @!p1 $0x0  }
0x14: {  	s2 =	sld [smem:$0x3F96];
	s0 =	simm.s32 @p1 $0x1  }
0x15: {  	[smem:$0x3FB3] =	sst s0;
	s0 =	simm.s32 @!p2 $0x0  }
0x16: {  	s3 =	sld [smem:$0x3FDB];
	s0 =	simm.s32 @p2 $0x1  }
0x17: {  	s4 =	simm.s32 $0x1BF5;
	[smem:$0x3FB5] =	sst s0  }
0x18: {  	s0 =	sld [smem:$0x3F98];
	_ =	swait.ge [sflag:s4], $0x0  }
0x19: {  	s7 =	sld [smem:$0x3F99]  }
0x1a: {  	s8 =	sadd.s32 $0xFFFFE003, lr  }
0x1b: {  	s9 =	sadd.s32 $0xFFFFFEF7, lr;
	s5 =	simm.s32 $0xFFFFFFFF;
	p2 =	slt.u32 s8, $0xFFFFF086  }
0x1c: {  	p1 =	slt.u32 s9, $0xF7A;
	s5 =	simm.s32 @!p2 $0x0  }
0x1d: {  	s5 =	simm.s32 @p1 $0x1;
	p0 =	seq.s32 s7, s2  }
0x1e: {  	s7 =	smul.u32 @!p0 $0xF7A, s2;
	p2 =	seq.s32 @!p0 s5, $0x0  }
0x1f: {  	s9 =	smul.u32 $0xF7A, s1;
	s8 =	simm.s32 @!p0 $0x1BF5;
	p2 =	por !p2, p0  }
0x20: {  	[sflag:s8] =	ssyncset.s32 @!p0 $0xFFFFF086;
	s6 =	sadd.s32 @!p0 s3, s7;
	s7 =	simm.s32 @!p0 $0x108  }
0x21: {  	s3 =	sadd.s32 s3, s9;
	s6 =	sadd.s32 @!p0 $0x88, s6;
	s7 =	simm.s32 @p2 $0x1082  }
0x22: {  	[simem:s7], [sflag:s8] =	dma.local @!p0 [hbm:s6], $0xF7A  }
0x23: {  	s9 =	sor.u32 $0xD0000000, s2;
	s6 =	simm.s32 $0x108;
	_ =	swait.ge @!p0 [sflag:s8], $0x0  }
0x24: {  	s3 =	sadd.s32 $0x88, s3;
	s6 =	simm.s32 @!p1 $0x1082;
	[sflag:s4] =	ssyncset.s32 $0xFFFFF086  }
0x25: {  	[simem:s6], [sflag:s4] =	dma.local [hbm:s3], $0xF7A  }
0x26: {  	[smem:$0x3F99] =	sst s1;
	(tag) =	ssettag s2;
	_ =	strace s9  }
0x27: {  	s1 =	sld [smem:$0x3FA9]  }
0x28: {  	s2 =	sld [smem:$0x3FAA]  }
0x29: {  	s4 =	sld [smem:$0x3FAC]  }
0x2a: {  	p0 =	seq.s32 s5, $0x0;
	s5 =	sld [smem:$0x3FAD]  }
0x2b: {  	s6 =	sld [smem:$0x3FAE]  }
0x2c: {  	s7 =	sld [smem:$0x3FAF]  }
0x2d: {  	s3 =	simm.s32 $0x108;
	s8 =	sld [smem:$0x3FB0]  }
0x2e: {  	s3 =	simm.s32 @!p0 $0x1082;
	s9 =	sld [smem:$0x3FB1]  }
0x2f: {  	lr =	sadd.s32 s0, s3;
	s0 =	sld [smem:$0x3FA8]  }
0x30: {  	s3 =	sld [smem:$0x3FAB]  }
0x31: {  	[smem:$0x3FB4] =	sst s10  }
0x32: {  	s10 =	sld [smem:$0x3FB2];
	_ =	sdelay $0x3  }
0x33: {  	p0 =	seq.s32 s10, $0x1;
	s10 =	sld [smem:$0x3FB4];
	_ =	sdelay $0x3  }
0x34: {  	[smem:$0x3FB4] =	sst s10  }
0x35: {  	s10 =	sld [smem:$0x3FB3];
	_ =	sdelay $0x3  }
0x36: {  	p1 =	seq.s32 s10, $0x1;
	s10 =	sld [smem:$0x3FB4];
	_ =	sdelay $0x3  }
0x37: {  	[smem:$0x3FB4] =	sst s10  }
0x38: {  	s10 =	sld [smem:$0x3FB5]  }
0x39: {  	_ = 	snop;
	(pc) =	sbr.ind lr, $3  }
0x3a: {  	_ = 	snop  }
0x3b: {  	_ = 	snop  }
0x3c: {  	p2 =	seq.s32 s10, $0x1;
	s10 =	sld [smem:$0x3FB4]  }
0x3d: {  	_ =	shalt  }
0x3e: {  	_ =	shalt  }
0x3f: {  	_ =	shalt  }
0x40: {  	_ =	shalt  }
0x41: {  	_ =	shalt  }
0x42: {  	_ =	shalt  }
0x43: {  	_ =	shalt  }
0x44: {  	_ =	shalt  }
0x45: {  	_ =	shalt  }
0x46: {  	_ =	shalt  }
0x47: {  	_ =	shalt  }
0x48: {  	_ =	shalt  }
0x49: {  	_ =	shalt  }
0x4a: {  	_ =	shalt  }
0x4b: {  	_ =	shalt  }
0x4c: {  	_ =	shalt  }
0x4d: {  	_ =	shalt  }
0x4e: {  	_ =	shalt  }
0x4f: {  	_ =	shalt  }
0x50: {  	_ =	shalt  }
0x51: {  	_ =	shalt  }
0x52: {  	_ =	shalt  }
0x53: {  	_ =	shalt  }
0x54: {  	_ =	shalt  }
0x55: {  	_ =	shalt  }
0x56: {  	_ =	shalt  }
0x57: {  	_ =	shalt  }
0x58: {  	_ =	shalt  }
0x59: {  	_ =	shalt  }
0x5a: {  	_ =	shalt  }
0x5b: {  	_ =	shalt  }
0x5c: {  	_ =	shalt  }
0x5d: {  	_ =	shalt  }
0x5e: {  	_ =	shalt  }
0x5f: {  	_ =	shalt  }
0x60: {  	_ =	shalt  }
0x61: {  	_ =	shalt  }
0x62: {  	_ =	shalt  }
0x63: {  	_ =	shalt  }
0x64: {  	_ =	shalt  }
0x65: {  	_ =	shalt  }
0x66: {  	_ =	shalt  }
0x67: {  	_ =	shalt  }
0x68: {  	_ =	shalt  }
0x69: {  	_ =	shalt  }
0x6a: {  	_ =	shalt  }
0x6b: {  	_ =	shalt  }
0x6c: {  	_ =	shalt  }
0x6d: {  	_ =	shalt  }
0x6e: {  	_ =	shalt  }
0x6f: {  	_ =	shalt  }
0x70: {  	_ =	shalt  }
0x71: {  	_ =	shalt  }
0x72: {  	_ =	shalt  }
0x73: {  	_ =	shalt  }
0x74: {  	_ =	shalt  }
0x75: {  	_ =	shalt  }
0x76: {  	_ =	shalt  }
0x77: {  	_ =	shalt  }
0x78: {  	_ =	shalt  }
0x79: {  	_ =	shalt  }
0x7a: {  	_ =	shalt  }
0x7b: {  	_ =	shalt  }
0x7c: {  	_ =	shalt  }
0x7d: {  	_ =	shalt  }
0x7e: {  	_ =	shalt  }
0x7f: {  	_ =	shalt  }
0x80: {  	_ =	shalt  }
0x81: {  	_ =	shalt  }
0x82: {  	_ =	shalt  }
0x83: {  	_ =	shalt  }
0x84: {  	_ =	shalt  }
0x85: {  	_ =	shalt  }
0x86: {  	_ =	shalt  }
0x87: {  	_ =	shalt  }
.Lfunc_end0:
.L_simem_size_0:
called_computation.2_lowered:
.L_overlay_start_0:
0x88: {  	s2 =	sld [smem:$0x3FD9]  }
0x89: {  	s3 =	sld [smem:$0x3FFE];
	_ =	sdelay $0x1  }
0x8a: {  	s1 =	srdreg.scid  }
0x8b: {  	s0 =	sand.u32 $0x1, s1  }
0x8c: {  	s17 =	sshll.u32 s0, $0xA;
	s2 =	sadd.s32 s3, s2  }
0x8d: {  	s2 =	sadd.s32 s2, s17  }
0x8e: {  	[smem:$0x3FC0] =	sst s2  }
0x8f: {  	_ = 	snop  }
0x90: {  	(tm) =	ssettm $0x1  }
0x91: {  	s18 =	sld [smem:$0x3FFB];
	_ =	sdelay $0x3  }
0x92: {  	_ =	strace s18  }
0x93: {  	s2 =	sld [smem:$0x3FFC];
	_ =	sdelay $0x3  }
0x94: {  	_ =	strace s2  }
0x95: {  	s2 =	sld [smem:$0x3FFD];
	_ =	sdelay $0x3  }
0x96: {  	_ =	strace s2  }
0x97: {  	_ =	strace $0x8FFFFFFF  }
0x98: {  	s19 =	sld [smem:$0x3FDB];
	_ =	sdelay $0x1  }
0x99: {  	s20 =	simm.s32 $_scs_section_size  }
0x9a: {  	s4 =	simm.s32 $_size__tile_overlayer_lowered;
	s5 =	simm.s32 $_tile_overlayer_lowered  }
0x9b: {  	s6 =	simm.s32 $0x1BFF;
	s21 =	sshll.u32 s5, $0x1;
	s3 =	sadd.s32 s20, s19  }
0x9c: {  	s22 =	simm.s32 $0x0;
	s4 =	sshll.u32 s4, $0x1;
	s5 =	sadd.s32 s21, s3  }
0x9d: {  	[timem:s22], [sflag:s6] =	dma.local [hbm:s5], s4  }
0x9e: {  	_ =	swait.ge [sflag:s6], s4  }
0x9f: {  	s4 =	ssub.s32 $0x0, s4;
	[sflag:s6] =	ssyncset.done $0x0  }
0xa0: {  	[sflag:s6] =	ssyncadd.s32 s4;
	_ =	sdelay $0x1  }
0xa1: {  	s23 =	simm.s32 $0x1B8B  }
0xa2: {  	_ =	swait.ge [sflag:s23], $0x1  }
0xa3: {  	[sflag:s23] =	ssyncset.done $0x0  }
0xa4: {  	[sflag:s23] =	ssyncadd.s32 $0xFFFFFFFF  }
0xa5: {  	s4 =	sld [smem:$0x0]  }
0xa6: {  	s5 =	sand.u32 $0xFFFFFFFE, s1  }
0xa7: {  	p0 =	sne.s32 s1, s5  }
0xa8: {  	s5 =	sshll.u32 @p0 s5, $0xE  }
0xa9: {  	s5 =	sadd.s32 @p0 $0x11B8D, s5;
	s6 =	sshll.u32 @p0 s4, $0x11  }
0xaa: {  	s5 =	sor.u32 @p0 s6, s5  }
0xab: {  	[sflag:s5] =	ssyncadd.remote.s32 @p0 $0x1;
	_ =	sdelay $0x1  }
0xac: {  	s5 =	simm.s32 @p0 $0x1B8D  }
0xad: {  	_ =	swait.eq @p0 [sflag:s5], $0x1  }
0xae: {  	[sflag:s5] =	ssyncadd.s32 @p0 $0xFFFFFFFF  }
0xaf: {  	s6 =	sshll.u32 @!p0 s1, $0xE  }
0xb0: {  	s6 =	sor.u32 @!p0 $0x4000, s6;
	s5 =	simm.s32 @!p0 $0x1B8D  }
0xb1: {  	s4 =	sshll.u32 @!p0 s4, $0x11;
	s6 =	sadd.s32 @!p0 $0x11B8D, s6;
	_ =	swait.eq @!p0 [sflag:s5], $0x1  }
0xb2: {  	s4 =	sor.u32 @!p0 s4, s6;
	[sflag:s5] =	ssyncadd.s32 @!p0 $0xFFFFFFFF  }
0xb3: {  	s25 =	simm.s32 $0x1B8E;
	s24 =	sld [smem:$0x3FFE];
	[sflag:s4] =	ssyncadd.remote.s32 @!p0 $0x1  }
0xb4: {  	s26 =	simm.s32 $execute0_lowered;
	[smem:$0x3FD2] =	sst s25  }
0xb5: {  	s5 =	sshll.u32 s26, $0x1;
	_ =	strace $0x8000004C;
	[dreg:$0x1] =	wrdreg $0xFFFFFFFF  }
0xb6: {  	s28 =	simm.s32 $_size_execute0_lowered;
	s3 =	sadd.s32 s3, s5;
	[dreg:$0x0] =	wrdreg $0x0  }
0xb7: {  	s5 =	sshll.u32 s28, $0x1;
	[dreg:$0x2] =	wrdreg s3  }
0xb8: {  	[dreg:$0x3] =	wrdreg s5  }
0xb9: {  	[dreg:$0x4] =	wrdreg $0xC0  }
0xba: {  	_ =	task [dreg:s22], $0x5FFFF  }
0xbb: {  	[dreg:$0x1] =	wrdreg $0xFFFFFFFF  }
0xbc: {  	[dreg:$0x0] =	wrdreg $0x60  }
0xbd: {  	[dreg:$0x2] =	wrdreg s24  }
0xbe: {  	[dreg:$0x3] =	wrdreg $0xE1800  }
0xbf: {  	[dreg:$0x4] =	wrdreg $0xA  }
0xc0: {  	_ =	task.clear_ibuf [dreg:s22], $0x5FFFF;
	_ =	strace $0x9000004C  }
0xc1: {  	s29 =	simm.s32 $0xA;
	_ =	strace $0x8000004E  }
0xc2: {  	_ =	swait.ge [sflag:s29], $0x1  }
0xc3: {  	[sflag:s29] =	ssyncadd.s32 $0xFFFFFFFF  }
0xc4: {  	_ =	strace $0x9000004E  }
0xc5: {  	_ =	sfence  }
0xc6: {  	s30 =	sld [smem:$0x0];
	_ =	sdelay $0x2  }
0xc7: {  	s31 =	sshll.u32 s1, $0xD;
	s1 =	sshrl.u32 s1, $0x2  }
0xc8: {  	s4 =	sand.u32 $0x4000, s31;
	s1 =	sadd.s32 s1, s30  }
0xc9: {  	s0 =	sor.u32 s4, s0;
	s1 =	sshll.u32 s1, $0x11  }
0xca: {  	s0 =	sor.u32 s1, s0  }
0xcb: {  	s0 =	sadd.s32 $0x8F2B, s0  }
0xcc: {  	[sflag:s0] =	ssyncadd.remote.s32 $0x1  }
0xcd: {  	_ =	sfence.sel $0xFFFF  }
0xce: {  	[dreg:$0x0] =	wrdreg $0xFFFFFFFF;
	(pc) =	sbr.abs _section_cstart, $3  }
0xcf: {  	[dreg:$0x1] =	wrdreg $0xFFFFFFFF  }
0xd0: {  	_ =	task.clear_ibuf [dreg:s22], $0x2FFFF;
	_ =	strace $0x9FFFFFFF  }
0xd1: {  	(tm) =	ssettm $0x7FFFFFFF  }
tec
execute0_lowered:
.L_overlay_start_1:
0x0: {  	(tag) =	ssettag $0x1  }
0x1: {  	s5 =	rddreg [dreg:$0x0];
	s0 =	srdreg.scid  }
0x2: {  	s2 =	rddreg [dreg:$0x1];
	s1 =	stileid.u32;
	s3 =	simm.s32 $0x0  }
0x3: {  	s12 =	simm.s32 $0x80;
	s13 =	simm.s32 $0x180;
	s4 =	smul.u32 $0x278, s1  }
0x4: {  	s14 =	simm.s32 $0x1;
	s15 =	simm.s32 $0x100;
	s7 =	smul.u32 $0x9E0, s1  }
0x5: {  	s6 =	sand.u32 $0x1, s0;
	s0 =	rddreg [dreg:$0x2];
	s9 =	smul.u32 $0x28000, s1  }
0x6: {  	[smem:$0x7FF] =	sst s3;
	s10 =	smul.u32 $0x4F000, s1;
	p0 =	sgt.u32 s1, $0x7  }
0x7: {  	s16 =	smul.u32 $0x13C0, s6;
	_ =	strace $0x8000004D;
	s28 =	ssub.s32 $0x2, s6  }
0x8: {  	s18 =	sshll.u32 @!p0 s1, $0x6;
	s11 =	sadd.s32 s7, s5;
	s6 =	sshrl.u32 s28, $0x1  }
0x9: {  	s29 =	sshrl.u32 s9, $0x2;
	s30 =	sshrl.u32 s10, $0x2;
	s10 =	simm.s32 $0x4180  }
0xa: {  	s8 =	sadd.s32 s4, s16;
	s4 =	sadd.s32 $0x35400, s5;
	s31 =	ssub.s32 s28, s6  }
0xb: {  	s17 =	sadd.s32 s30, s2;
	s9 =	sadd.s32 $0x3E00, s11;
	v0 =	vmov s16;
	s16 =	sor.u32 @!p0 $0x1C02, s18  }
0xc: {  	s18 =	simm.s32 $0x0;
	s8 =	sshll.u32 s8, $0x4;
	s7 =	smax.u32 s31, $0x1  }
0xd: {  	s17 =	sshrl.u32 @!p0 s17, $0x3;
	s26 =	sadd.s32 s8, s5;
	s5 =	sadd.s32 s29, s2  }
0xe: {  	v1 =	vimm.f32 $0.0e+00;
	s8 =	sadd.s32 $0x5CC00, s11;
	s11 =	simm.s32 $0x2;
	s6 =	sadd.s32 $0x8E200, s26  }
.LBB2_1:
0xf: {  	s19 =	simm.s32 $0x0;
	s20 =	simm.s32 $0x200  }
.LBB2_2:
0x10: {  	p1 =	sne.s32 s20, $0x27E00;
	[tilespmem:s19+$0x41F0] =	vst v1  }
0x11: {  	[tilespmem:s19+$0x4180] =	vst v1  }
0x12: {  	[tilespmem:s19+$0x4190] =	vst v1  }
.Ltmp0:
0x13: {  	[tilespmem:s19+$0x41A0] =	vst v1;
	(pc) =	sbr.rel @p1 .LBB2_2-.Ltmp0, $4  }
0x14: {  	[tilespmem:s19+$0x41B0] =	vst v1  }
0x15: {  	[tilespmem:s19+$0x41C0] =	vst v1  }
0x16: {  	[tilespmem:s19+$0x41D0] =	vst v1  }
0x17: {  	[tilespmem:s19+$0x41E0] =	vst v1;
	s19 =	sshra.s32 s20, $0x2;
	s20 =	sadd.s32 $0x200, s20  }
0x18: {  	[tilespmem:s19+$0x41F0] =	vst v1  }
0x19: {  	[tilespmem:s19+$0x4180] =	vst v1  }
0x1a: {  	[tilespmem:s19+$0x4190] =	vst v1  }
0x1b: {  	[tilespmem:s19+$0x41A0] =	vst v1  }
0x1c: {  	[tilespmem:s19+$0x41B0] =	vst v1  }
0x1d: {  	[tilespmem:s19+$0x41C0] =	vst v1  }
0x1e: {  	[tilespmem:s19+$0x41D0] =	vst v1  }
0x1f: {  	[tilespmem:s19+$0x41E0] =	vst v1  }
0x20: {  	[spmem:s5] =	stream.linear.scatter [tilespmem:s10], [sflag:$0x2], $0xA000, $0x38;
	[tilespmem:$0x18180] =	vst v63  }
0x21: {  	_ =	swait.ge [sflag:s11], $0xA000  }
0x22: {  	[sflag:s11] =	ssyncset.done $0x0  }
0x23: {  	[sflag:s11] =	ssyncadd.s32 $0xFFFF6000  }
0x24: {  	s30 =	sadd.s32 $0x0, s9;
	[bflag:$0x0] =	sbarrier.arrive $0xFFFF  }
0x25: {  	[tilespmem:s3], [sflag:$0x2] =	stream.linear.gather [hbm4b:s30+s3], $0x80, $0x38;
	[tilespmem:$0x18180] =	vst v63  }
0x26: {  	_ =	swait.ge [sflag:s11], $0x80  }
0x27: {  	[sflag:s11] =	ssyncset.done $0x0  }
0x28: {  	s31 =	sadd.s32 $0x0, s8;
	[sflag:s11] =	ssyncadd.s32 $0xFFFFFF80  }
0x29: {  	[tilespmem:s12], [sflag:$0x2] =	stream.linear.gather [hbm4b:s31+s3], $0x80, $0x38;
	[tilespmem:$0x18180] =	vst v63  }
0x2a: {  	_ =	swait.ge [sflag:s11], $0x80  }
0x2b: {  	[sflag:s11] =	ssyncset.done $0x0  }
0x2c: {  	[sflag:s11] =	ssyncadd.s32 $0xFFFFFF80  }
0x2d: {  	v2 =	vld [tilespmem:$0xD0]  }
0x2e: {  	v3 =	vld [tilespmem:$0xB0]  }
0x2f: {  	v4 =	vld [tilespmem:$0xA0]  }
0x30: {  	v5 =	vld [tilespmem:$0x90]  }
0x31: {  	v6 =	vld [tilespmem:$0xC0]  }
0x32: {  	v7 =	vld [tilespmem:$0x80];
	v2 =	vsub.s32 v2, v0  }
0x33: {  	v8 =	vld [tilespmem:$0xE0];
	v3 =	vsub.s32 v3, v0;
	v2 =	vmin.u32 v2, $0x13C0  }
0x34: {  	v9 =	vld [tilespmem:$0xF0];
	v4 =	vsub.s32 v4, v0;
	v3 =	vmin.u32 v3, $0x13C0;
	[tilespmem:$0x150] =	vst v2  }
0x35: {  	v4 =	vmin.u32 v4, $0x13C0;
	v2 =	vsub.s32 v5, v0;
	[tilespmem:$0x130] =	vst v3  }
0x36: {  	[tilespmem:$0x120] =	vst v4;
	v3 =	vsub.s32 v6, v0;
	v2 =	vmin.u32 v2, $0x13C0  }
0x37: {  	v4 =	vsub.s32 v7, v0;
	[tilespmem:$0x110] =	vst v2;
	v2 =	vmin.u32 v3, $0x13C0  }
0x38: {  	v3 =	vmin.u32 v4, $0x13C0;
	[tilespmem:$0x140] =	vst v2;
	v2 =	vsub.s32 v8, v0  }
0x39: {  	s19 =	simm.s32 $0x10;
	[tilespmem:$0x100] =	vst v3;
	v3 =	vsub.s32 v9, v0;
	v2 =	vmin.u32 v2, $0x13C0  }
.LBB2_4:
0x3a: {  	p1 =	sne.s32 s19, $0x9D0;
	[tilespmem:$0x160] =	vst v2;
	v2 =	vmin.u32 v3, $0x13C0;
	s20 =	smov.u32 s19;
	s19 =	sadd.s32 $0x10, s19  }
0x3b: {  	[tilespmem:$0x170] =	vst v2  }
0x3c: {  	[tilespmem:s13], [sflag:$0x1] =	stream.indirect.gather [hbm4b:s4+s12], $0x80, s3, s12, $0xb8;
	[tilespmem:$0x18180] =	vst v63  }
0x3d: {  	_ =	swait.ge [sflag:s14], $0x4000  }
0x3e: {  	[sflag:s14] =	ssyncset.done $0x0  }
0x3f: {  	[sflag:s14] =	ssyncadd.s32 $0xFFFFC000  }
0x40: {  	[spmem:s2] =	stream.indirect.scatter.add.f32 [tilespmem:s13], [sflag:$0x2], $0x80, s15, s12, $0xb8;
	[tilespmem:$0x18180] =	vst v63  }
0x41: {  	s21 =	sadd.s32 s20, s9;
	_ =	swait.ge [sflag:s11], $0x4000  }
0x42: {  	[sflag:s11] =	ssyncset.done $0x0  }
0x43: {  	[sflag:s11] =	ssyncadd.s32 $0xFFFFC000  }
0x44: {  	[tilespmem:s3], [sflag:$0x2] =	stream.linear.gather [hbm4b:s21+s3], $0x80, $0x38;
	[tilespmem:$0x18180] =	vst v63  }
0x45: {  	_ =	swait.ge [sflag:s11], $0x80  }
0x46: {  	[sflag:s11] =	ssyncset.done $0x0  }
0x47: {  	s20 =	sadd.s32 s20, s8;
	[sflag:s11] =	ssyncadd.s32 $0xFFFFFF80  }
0x48: {  	[tilespmem:s12], [sflag:$0x2] =	stream.linear.gather [hbm4b:s20+s3], $0x80, $0x38;
	[tilespmem:$0x18180] =	vst v63  }
0x49: {  	_ =	swait.ge [sflag:s11], $0x80  }
0x4a: {  	[sflag:s11] =	ssyncset.done $0x0  }
0x4b: {  	[sflag:s11] =	ssyncadd.s32 $0xFFFFFF80  }
0x4c: {  	v2 =	vld [tilespmem:$0xD0]  }
0x4d: {  	v3 =	vld [tilespmem:$0xB0]  }
0x4e: {  	v4 =	vld [tilespmem:$0xA0]  }
0x4f: {  	v5 =	vld [tilespmem:$0x90]  }
0x50: {  	v6 =	vld [tilespmem:$0xC0]  }
0x51: {  	v7 =	vld [tilespmem:$0x80];
	v2 =	vsub.s32 v2, v0  }
0x52: {  	v3 =	vsub.s32 v3, v0;
	v2 =	vmin.u32 v2, $0x13C0;
	v8 =	vld [tilespmem:$0xE0]  }
0x53: {  	v4 =	vsub.s32 v4, v0;
	v3 =	vmin.u32 v3, $0x13C0;
	[tilespmem:$0x150] =	vst v2;
	v9 =	vld [tilespmem:$0xF0]  }
.Ltmp1:
0x54: {  	v2 =	vsub.s32 v5, v0;
	v4 =	vmin.u32 v4, $0x13C0;
	[tilespmem:$0x130] =	vst v3;
	(pc) =	sbr.rel @p1 .LBB2_4-.Ltmp1, $4  }
0x55: {  	v2 =	vmin.u32 v2, $0x13C0;
	[tilespmem:$0x120] =	vst v4;
	v3 =	vsub.s32 v6, v0  }
0x56: {  	v4 =	vsub.s32 v7, v0;
	[tilespmem:$0x110] =	vst v2;
	v2 =	vmin.u32 v3, $0x13C0  }
0x57: {  	v3 =	vmin.u32 v4, $0x13C0;
	[tilespmem:$0x140] =	vst v2;
	v2 =	vsub.s32 v8, v0  }
0x58: {  	[tilespmem:$0x100] =	vst v3;
	v2 =	vmin.u32 v2, $0x13C0;
	v3 =	vsub.s32 v9, v0  }
0x59: {  	[tilespmem:$0x160] =	vst v2;
	v2 =	vmin.u32 v3, $0x13C0  }
0x5a: {  	[tilespmem:$0x170] =	vst v2  }
0x5b: {  	[tilespmem:s13], [sflag:$0x1] =	stream.indirect.gather [hbm4b:s4+s12], $0x80, s3, s12, $0xb8;
	[tilespmem:$0x18180] =	vst v63  }
0x5c: {  	_ =	swait.ge [sflag:s14], $0x4000  }
0x5d: {  	[sflag:s14] =	ssyncset.done $0x0  }
0x5e: {  	[sflag:s14] =	ssyncadd.s32 $0xFFFFC000  }
0x5f: {  	[spmem:s2] =	stream.indirect.scatter.add.f32 [tilespmem:s13], [sflag:$0x2], $0x80, s15, s12, $0xb8;
	[tilespmem:$0x18180] =	vst v63  }
0x60: {  	_ =	swait.ge [sflag:s11], $0x4000  }
0x61: {  	s18 =	sadd.s32 $0x1, s18;
	[sflag:s11] =	ssyncset.done $0x0  }
0x62: {  	p1 =	sne.s32 s18, s7;
	[sflag:s11] =	ssyncadd.s32 $0xFFFFC000  }
.Ltmp2:
0x63: {  	s19 =	simm.s32 @!p0 $0x2;
	[bflag:$0x0] =	sbarrier.arrive $0xFFFF;
	(pc) =	sbr.rel @p1 .LBB2_1-.Ltmp2, $4  }
0x64: {  	[hbm:s6], [sflag:s16] =	dma.local @!p0 [spmem:s17], $0x2780  }
0x65: {  	_ =	swait.ge @!p0 [sflag:s19], $0x2780  }
0x66: {  	[sflag:s19] =	ssyncset.done @!p0 $0x0  }
0x67: {  	[sflag:s19] =	ssyncadd.s32 @!p0 $0xFFFFD880  }
0x68: {  	_ =	sfence.sel $0x180000  }
0x69: {  	[bflag:$0x0] =	sbarrier.arrive $0xFFFF  }
0x6a: {  	p0 =	sne.s32 s1, $0x0;
	_ =	strace $0x9000004D  }
0x6b: {  	s0 =	sadd.s32 @!p0 $0x100000, s0;
	[bflag:$0x2] =	sbarrier.arrive $0xFFFF  }
0x6c: {  	[sflag:s0] =	ssyncadd.tile.s32 @!p0 $0x1;
	_ =	shalt  }
.Lfunc_end2:
_tile_overlayer_lowered:
.L_overlay_start_2:
0x6d: {  	(tag) =	ssettag $0x2  }
0x6e: {  	s0 =	rddreg [dreg:$0x0];
	s2 =	stileid.u32  }
0x6f: {  	s1 =	rddreg [dreg:$0x1];
	p0 =	sne.s32 s2, $0x0  }
0x70: {  	s3 =	rddreg [dreg:$0x2];
	[bflag:$0x3] =	sbarrier.arrive $0xFFFF;
	s2 =	simm.s32 @!p0 $0x1C02  }
0x71: {  	[timem:s3], [sflag:s2] =	dma.local @!p0 [hbm:s0], s1  }
0x72: {  	s0 =	simm.s32 @!p0 $0x2  }
0x73: {  	_ =	swait.ge @!p0 [sflag:s0], s1  }
0x74: {  	s1 =	ssub.s32 @!p0 $0x0, s1;
	[sflag:s0] =	ssyncset.done @!p0 $0x0  }
0x75: {  	[sflag:s0] =	ssyncadd.s32 @!p0 s1  }
0x76: {  	[bflag:$0x3] =	sbarrier.arrive $0xFFFF  }
0x77: {  	_ =	shalt  }

// kernel: kernel.20.cloned.1.call-start
scs
__scs_entry_jumppad:
0x0: {  	(pc) =	sbr.rel $0x88, $3  }
0x1: {  	(tag) =	ssettag $0x0;
	lr =	simm.s32 $0x1  }
0x2: {  	[smem:$0x3F99] =	sst lr;
	_ =	strace $0xD0000000  }
0x3: {  	_ = 	snop  }
0x4: {  	_ = 	snop  }
0x5: {  	_ = 	snop  }
0x6: {  	_ = 	snop  }
0x7: {  	_ = 	snop  }
__scs_overlays_trampoline_lowered:
0x8: {  	[smem:$0x3FA8] =	sst s0  }
0x9: {  	[smem:$0x3FA9] =	sst s1  }
0xa: {  	[smem:$0x3FAA] =	sst s2  }
0xb: {  	[smem:$0x3FAB] =	sst s3  }
0xc: {  	[smem:$0x3FAC] =	sst s4  }
0xd: {  	[smem:$0x3FAD] =	sst s5  }
0xe: {  	[smem:$0x3FAE] =	sst s6  }
0xf: {  	[smem:$0x3FAF] =	sst s7  }
0x10: {  	[smem:$0x3FB0] =	sst s8  }
0x11: {  	[smem:$0x3FB1] =	sst s9;
	s0 =	simm.s32 @!p0 $0x0  }
0x12: {  	s1 =	sld [smem:$0x3F97];
	s0 =	simm.s32 @p0 $0x1  }
0x13: {  	[smem:$0x3FB2] =	sst s0;
	s0 =	simm.s32 @!p1 $0x0  }
0x14: {  	s2 =	sld [smem:$0x3F96];
	s0 =	simm.s32 @p1 $0x1  }
0x15: {  	[smem:$0x3FB3] =	sst s0;
	s0 =	simm.s32 @!p2 $0x0  }
0x16: {  	s3 =	sld [smem:$0x3FDB];
	s0 =	simm.s32 @p2 $0x1  }
0x17: {  	s4 =	simm.s32 $0x1BF5;
	[smem:$0x3FB5] =	sst s0  }
0x18: {  	s0 =	sld [smem:$0x3F98];
	_ =	swait.ge [sflag:s4], $0x0  }
0x19: {  	s7 =	sld [smem:$0x3F99]  }
0x1a: {  	s8 =	sadd.s32 $0xFFFFE003, lr  }
0x1b: {  	s9 =	sadd.s32 $0xFFFFFEF7, lr;
	s5 =	simm.s32 $0xFFFFFFFF;
	p2 =	slt.u32 s8, $0xFFFFF086  }
0x1c: {  	p1 =	slt.u32 s9, $0xF7A;
	s5 =	simm.s32 @!p2 $0x0  }
0x1d: {  	s5 =	simm.s32 @p1 $0x1;
	p0 =	seq.s32 s7, s2  }
0x1e: {  	s7 =	smul.u32 @!p0 $0xF7A, s2;
	p2 =	seq.s32 @!p0 s5, $0x0  }
0x1f: {  	s9 =	smul.u32 $0xF7A, s1;
	s8 =	simm.s32 @!p0 $0x1BF5;
	p2 =	por !p2, p0  }
0x20: {  	[sflag:s8] =	ssyncset.s32 @!p0 $0xFFFFF086;
	s6 =	sadd.s32 @!p0 s3, s7;
	s7 =	simm.s32 @!p0 $0x108  }
0x21: {  	s3 =	sadd.s32 s3, s9;
	s6 =	sadd.s32 @!p0 $0x88, s6;
	s7 =	simm.s32 @p2 $0x1082  }
0x22: {  	[simem:s7], [sflag:s8] =	dma.local @!p0 [hbm:s6], $0xF7A  }
0x23: {  	s9 =	sor.u32 $0xD0000000, s2;
	s6 =	simm.s32 $0x108;
	_ =	swait.ge @!p0 [sflag:s8], $0x0  }
0x24: {  	s3 =	sadd.s32 $0x88, s3;
	s6 =	simm.s32 @!p1 $0x1082;
	[sflag:s4] =	ssyncset.s32 $0xFFFFF086  }
0x25: {  	[simem:s6], [sflag:s4] =	dma.local [hbm:s3], $0xF7A  }
0x26: {  	[smem:$0x3F99] =	sst s1;
	(tag) =	ssettag s2;
	_ =	strace s9  }
0x27: {  	s1 =	sld [smem:$0x3FA9]  }
0x28: {  	s2 =	sld [smem:$0x3FAA]  }
0x29: {  	s4 =	sld [smem:$0x3FAC]  }
0x2a: {  	p0 =	seq.s32 s5, $0x0;
	s5 =	sld [smem:$0x3FAD]  }
0x2b: {  	s6 =	sld [smem:$0x3FAE]  }
0x2c: {  	s7 =	sld [smem:$0x3FAF]  }
0x2d: {  	s3 =	simm.s32 $0x108;
	s8 =	sld [smem:$0x3FB0]  }
0x2e: {  	s3 =	simm.s32 @!p0 $0x1082;
	s9 =	sld [smem:$0x3FB1]  }
0x2f: {  	lr =	sadd.s32 s0, s3;
	s0 =	sld [smem:$0x3FA8]  }
0x30: {  	s3 =	sld [smem:$0x3FAB]  }
0x31: {  	[smem:$0x3FB4] =	sst s10  }
0x32: {  	s10 =	sld [smem:$0x3FB2];
	_ =	sdelay $0x3  }
0x33: {  	p0 =	seq.s32 s10, $0x1;
	s10 =	sld [smem:$0x3FB4];
	_ =	sdelay $0x3  }
0x34: {  	[smem:$0x3FB4] =	sst s10  }
0x35: {  	s10 =	sld [smem:$0x3FB3];
	_ =	sdelay $0x3  }
0x36: {  	p1 =	seq.s32 s10, $0x1;
	s10 =	sld [smem:$0x3FB4];
	_ =	sdelay $0x3  }
0x37: {  	[smem:$0x3FB4] =	sst s10  }
0x38: {  	s10 =	sld [smem:$0x3FB5]  }
0x39: {  	_ = 	snop;
	(pc) =	sbr.ind lr, $3  }
0x3a: {  	_ = 	snop  }
0x3b: {  	_ = 	snop  }
0x3c: {  	p2 =	seq.s32 s10, $0x1;
	s10 =	sld [smem:$0x3FB4]  }
0x3d: {  	_ =	shalt  }
0x3e: {  	_ =	shalt  }
0x3f: {  	_ =	shalt  }
0x40: {  	_ =	shalt  }
0x41: {  	_ =	shalt  }
0x42: {  	_ =	shalt  }
0x43: {  	_ =	shalt  }
0x44: {  	_ =	shalt  }
0x45: {  	_ =	shalt  }
0x46: {  	_ =	shalt  }
0x47: {  	_ =	shalt  }
0x48: {  	_ =	shalt  }
0x49: {  	_ =	shalt  }
0x4a: {  	_ =	shalt  }
0x4b: {  	_ =	shalt  }
0x4c: {  	_ =	shalt  }
0x4d: {  	_ =	shalt  }
0x4e: {  	_ =	shalt  }
0x4f: {  	_ =	shalt  }
0x50: {  	_ =	shalt  }
0x51: {  	_ =	shalt  }
0x52: {  	_ =	shalt  }
0x53: {  	_ =	shalt  }
0x54: {  	_ =	shalt  }
0x55: {  	_ =	shalt  }
0x56: {  	_ =	shalt  }
0x57: {  	_ =	shalt  }
0x58: {  	_ =	shalt  }
0x59: {  	_ =	shalt  }
0x5a: {  	_ =	shalt  }
0x5b: {  	_ =	shalt  }
0x5c: {  	_ =	shalt  }
0x5d: {  	_ =	shalt  }
0x5e: {  	_ =	shalt  }
0x5f: {  	_ =	shalt  }
0x60: {  	_ =	shalt  }
0x61: {  	_ =	shalt  }
0x62: {  	_ =	shalt  }
0x63: {  	_ =	shalt  }
0x64: {  	_ =	shalt  }
0x65: {  	_ =	shalt  }
0x66: {  	_ =	shalt  }
0x67: {  	_ =	shalt  }
0x68: {  	_ =	shalt  }
0x69: {  	_ =	shalt  }
0x6a: {  	_ =	shalt  }
0x6b: {  	_ =	shalt  }
0x6c: {  	_ =	shalt  }
0x6d: {  	_ =	shalt  }
0x6e: {  	_ =	shalt  }
0x6f: {  	_ =	shalt  }
0x70: {  	_ =	shalt  }
0x71: {  	_ =	shalt  }
0x72: {  	_ =	shalt  }
0x73: {  	_ =	shalt  }
0x74: {  	_ =	shalt  }
0x75: {  	_ =	shalt  }
0x76: {  	_ =	shalt  }
0x77: {  	_ =	shalt  }
0x78: {  	_ =	shalt  }
0x79: {  	_ =	shalt  }
0x7a: {  	_ =	shalt  }
0x7b: {  	_ =	shalt  }
0x7c: {  	_ =	shalt  }
0x7d: {  	_ =	shalt  }
0x7e: {  	_ =	shalt  }
0x7f: {  	_ =	shalt  }
0x80: {  	_ =	shalt  }
0x81: {  	_ =	shalt  }
0x82: {  	_ =	shalt  }
0x83: {  	_ =	shalt  }
0x84: {  	_ =	shalt  }
0x85: {  	_ =	shalt  }
0x86: {  	_ =	shalt  }
0x87: {  	_ =	shalt  }
.Lfunc_end0:
.L_simem_size_0:
called_computation.3_lowered:
.L_overlay_start_0:
0x88: {  	s2 =	sld [smem:$0x3FD9]  }
0x89: {  	s3 =	sld [smem:$0x3FFE];
	_ =	sdelay $0x1  }
0x8a: {  	s1 =	srdreg.scid  }
0x8b: {  	s0 =	sand.u32 $0x1, s1  }
0x8c: {  	s16 =	sshll.u32 s0, $0xA;
	s2 =	sadd.s32 s3, s2  }
0x8d: {  	s2 =	sadd.s32 s2, s16  }
0x8e: {  	[smem:$0x3FC0] =	sst s2  }
0x8f: {  	_ = 	snop  }
0x90: {  	(tm) =	ssettm $0x1  }
0x91: {  	s17 =	sld [smem:$0x3FFB];
	_ =	sdelay $0x3  }
0x92: {  	_ =	strace s17  }
0x93: {  	s2 =	sld [smem:$0x3FFC];
	_ =	sdelay $0x3  }
0x94: {  	_ =	strace s2  }
0x95: {  	s2 =	sld [smem:$0x3FFD];
	_ =	sdelay $0x3  }
0x96: {  	_ =	strace s2  }
0x97: {  	_ =	strace $0x8FFFFFFF  }
0x98: {  	s18 =	sld [smem:$0x3FDB];
	_ =	sdelay $0x1  }
0x99: {  	s19 =	simm.s32 $_scs_section_size  }
0x9a: {  	s4 =	simm.s32 $_size__tile_overlayer_lowered;
	s5 =	simm.s32 $_tile_overlayer_lowered  }
0x9b: {  	s22 =	simm.s32 $0x1BFF;
	s21 =	sshll.u32 s5, $0x1;
	s2 =	sadd.s32 s19, s18  }
0x9c: {  	s6 =	simm.s32 $0x0;
	s20 =	sshll.u32 s4, $0x1;
	s4 =	sadd.s32 s21, s2  }
0x9d: {  	[timem:s6], [sflag:s22] =	dma.local [hbm:s4], s20  }
0x9e: {  	_ =	swait.ge [sflag:s22], s20  }
0x9f: {  	s3 =	ssub.s32 $0x0, s20;
	[sflag:s22] =	ssyncset.done $0x0  }
0xa0: {  	[sflag:s22] =	ssyncadd.s32 s3;
	_ =	sdelay $0x1  }
0xa1: {  	s23 =	simm.s32 $0x1B8B  }
0xa2: {  	_ =	swait.ge [sflag:s23], $0x1  }
0xa3: {  	[sflag:s23] =	ssyncset.done $0x0  }
0xa4: {  	s25 =	simm.s32 $0x1B8E;
	s24 =	sld [smem:$0x3FFE];
	[sflag:s23] =	ssyncadd.s32 $0xFFFFFFFF  }
0xa5: {  	s26 =	simm.s32 $execute0_lowered;
	[smem:$0x3FD2] =	sst s25  }
0xa6: {  	s4 =	sshll.u32 s26, $0x1;
	_ =	strace $0x8000004F;
	[dreg:$0x1] =	wrdreg $0xFFFFFFFF  }
0xa7: {  	s28 =	simm.s32 $_size_execute0_lowered;
	s2 =	sadd.s32 s2, s4;
	[dreg:$0x0] =	wrdreg $0x0  }
0xa8: {  	s4 =	sshll.u32 s28, $0x1;
	[dreg:$0x2] =	wrdreg s2  }
0xa9: {  	[dreg:$0x3] =	wrdreg s4  }
0xaa: {  	[dreg:$0x4] =	wrdreg $0xC0  }
0xab: {  	_ =	task [dreg:s6], $0x5FFFF  }
0xac: {  	[dreg:$0x1] =	wrdreg $0xFFFFFFFF  }
0xad: {  	[dreg:$0x0] =	wrdreg $0x60  }
0xae: {  	[dreg:$0x2] =	wrdreg s24  }
0xaf: {  	[dreg:$0x3] =	wrdreg $0xE1800  }
0xb0: {  	[dreg:$0x4] =	wrdreg $0x9  }
0xb1: {  	_ =	task.clear_ibuf [dreg:s6], $0x5FFFF;
	_ =	strace $0x9000004F  }
0xb2: {  	s29 =	simm.s32 $0x9;
	_ =	strace $0x80000051  }
0xb3: {  	_ =	swait.ge [sflag:s29], $0x1  }
0xb4: {  	[sflag:s29] =	ssyncadd.s32 $0xFFFFFFFF  }
0xb5: {  	_ =	strace $0x90000051  }
0xb6: {  	_ =	sfence  }
0xb7: {  	s30 =	sld [smem:$0x0];
	_ =	sdelay $0x2  }
0xb8: {  	s31 =	sshll.u32 s1, $0xD;
	s1 =	sshrl.u32 s1, $0x2  }
0xb9: {  	s3 =	sand.u32 $0x4000, s31;
	s1 =	sadd.s32 s1, s30  }
0xba: {  	s0 =	sor.u32 s3, s0;
	s1 =	sshll.u32 s1, $0x11  }
0xbb: {  	s0 =	sor.u32 s1, s0  }
0xbc: {  	s0 =	sadd.s32 $0x8F2B, s0  }
0xbd: {  	[sflag:s0] =	ssyncadd.remote.s32 $0x1  }
0xbe: {  	_ =	sfence.sel $0xFFFF  }
0xbf: {  	[dreg:$0x0] =	wrdreg $0xFFFFFFFF;
	(pc) =	sbr.abs _section_cstart, $3  }
0xc0: {  	[dreg:$0x1] =	wrdreg $0xFFFFFFFF  }
0xc1: {  	_ =	task.clear_ibuf [dreg:s6], $0x2FFFF;
	_ =	strace $0x9FFFFFFF  }
0xc2: {  	(tm) =	ssettm $0x7FFFFFFF  }
0xc3: {  	_ =	shalt  }
tec
execute0_lowered:
.L_overlay_start_1:
0x0: {  	(tag) =	ssettag $0x1  }
0x1: {  	s5 =	rddreg [dreg:$0x0];
	s0 =	srdreg.scid  }
0x2: {  	s2 =	rddreg [dreg:$0x1];
	s1 =	stileid.u32;
	s3 =	simm.s32 $0x0  }
0x3: {  	s12 =	simm.s32 $0x80;
	s13 =	simm.s32 $0x180;
	s4 =	smul.u32 $0x278, s1  }
0x4: {  	s14 =	simm.s32 $0x1;
	s15 =	simm.s32 $0x100;
	s7 =	smul.u32 $0x9E0, s1  }
0x5: {  	s6 =	sand.u32 $0x1, s0;
	s0 =	rddreg [dreg:$0x2];
	s9 =	smul.u32 $0x28000, s1  }
0x6: {  	[smem:$0x7FF] =	sst s3;
	s10 =	smul.u32 $0x4F000, s1;
	p0 =	sgt.u32 s1, $0x7  }
0x7: {  	s16 =	smul.u32 $0x13C0, s6;
	_ =	strace $0x80000050;
	s28 =	ssub.s32 $0x2, s6  }
0x8: {  	s18 =	sshll.u32 @!p0 s1, $0x6;
	s11 =	sadd.s32 s7, s5;
	s6 =	sshrl.u32 s28, $0x1  }
0x9: {  	s29 =	sshrl.u32 s9, $0x2;
	s30 =	sshrl.u32 s10, $0x2;
	s10 =	simm.s32 $0x4180  }
0xa: {  	s8 =	sadd.s32 s4, s16;
	s4 =	sadd.s32 $0xDC00, s5;
	s31 =	ssub.s32 s28, s6  }
0xb: {  	s17 =	sadd.s32 s30, s2;
	s9 =	sadd.s32 $0x3E00, s11;
	v0 =	vmov s16;
	s16 =	sor.u32 @!p0 $0x1C02, s18  }
0xc: {  	s18 =	simm.s32 $0x0;
	s8 =	sshll.u32 s8, $0x4;
	s7 =	smax.u32 s31, $0x1  }
0xd: {  	s17 =	sshrl.u32 @!p0 s17, $0x3;
	s26 =	sadd.s32 s8, s5;
	s5 =	sadd.s32 s29, s2  }
0xe: {  	v1 =	vimm.f32 $0.0e+00;
	s8 =	sadd.s32 $0x5CC00, s11;
	s11 =	simm.s32 $0x2;
	s6 =	sadd.s32 $0x35400, s26  }
.LBB2_1:
0xf: {  	s19 =	simm.s32 $0x0;
	s20 =	simm.s32 $0x200  }
.LBB2_2:
0x10: {  	p1 =	sne.s32 s20, $0x27E00;
	[tilespmem:s19+$0x41F0] =	vst v1  }
0x11: {  	[tilespmem:s19+$0x4180] =	vst v1  }
0x12: {  	[tilespmem:s19+$0x4190] =	vst v1  }
.Ltmp0:
0x13: {  	[tilespmem:s19+$0x41A0] =	vst v1;
	(pc) =	sbr.rel @p1 .LBB2_2-.Ltmp0, $4  }
0x14: {  	[tilespmem:s19+$0x41B0] =	vst v1  }
0x15: {  	[tilespmem:s19+$0x41C0] =	vst v1  }
0x16: {  	[tilespmem:s19+$0x41D0] =	vst v1  }
0x17: {  	[tilespmem:s19+$0x41E0] =	vst v1;
	s19 =	sshra.s32 s20, $0x2;
	s20 =	sadd.s32 $0x200, s20  }
0x18: {  	[tilespmem:s19+$0x41F0] =	vst v1  }
0x19: {  	[tilespmem:s19+$0x4180] =	vst v1  }
0x1a: {  	[tilespmem:s19+$0x4190] =	vst v1  }
0x1b: {  	[tilespmem:s19+$0x41A0] =	vst v1  }
0x1c: {  	[tilespmem:s19+$0x41B0] =	vst v1  }
0x1d: {  	[tilespmem:s19+$0x41C0] =	vst v1  }
0x1e: {  	[tilespmem:s19+$0x41D0] =	vst v1  }
0x1f: {  	[tilespmem:s19+$0x41E0] =	vst v1  }
0x20: {  	[spmem:s5] =	stream.linear.scatter [tilespmem:s10], [sflag:$0x2], $0xA000, $0x38;
	[tilespmem:$0x18180] =	vst v63  }
0x21: {  	_ =	swait.ge [sflag:s11], $0xA000  }
0x22: {  	[sflag:s11] =	ssyncset.done $0x0  }
0x23: {  	[sflag:s11] =	ssyncadd.s32 $0xFFFF6000  }
0x24: {  	s30 =	sadd.s32 $0x0, s9;
	[bflag:$0x0] =	sbarrier.arrive $0xFFFF  }
0x25: {  	[tilespmem:s3], [sflag:$0x2] =	stream.linear.gather [hbm4b:s30+s3], $0x80, $0x38;
	[tilespmem:$0x18180] =	vst v63  }
0x26: {  	_ =	swait.ge [sflag:s11], $0x80  }
0x27: {  	[sflag:s11] =	ssyncset.done $0x0  }
0x28: {  	s31 =	sadd.s32 $0x0, s8;
	[sflag:s11] =	ssyncadd.s32 $0xFFFFFF80  }
0x29: {  	[tilespmem:s12], [sflag:$0x2] =	stream.linear.gather [hbm4b:s31+s3], $0x80, $0x38;
	[tilespmem:$0x18180] =	vst v63  }
0x2a: {  	_ =	swait.ge [sflag:s11], $0x80  }
0x2b: {  	[sflag:s11] =	ssyncset.done $0x0  }
0x2c: {  	[sflag:s11] =	ssyncadd.s32 $0xFFFFFF80  }
0x2d: {  	v2 =	vld [tilespmem:$0xD0]  }
0x2e: {  	v3 =	vld [tilespmem:$0xB0]  }
0x2f: {  	v4 =	vld [tilespmem:$0xA0]  }
0x30: {  	v5 =	vld [tilespmem:$0x90]  }
0x31: {  	v6 =	vld [tilespmem:$0xC0]  }
0x32: {  	v7 =	vld [tilespmem:$0x80];
	v2 =	vsub.s32 v2, v0  }
0x33: {  	v8 =	vld [tilespmem:$0xE0];
	v3 =	vsub.s32 v3, v0;
	v2 =	vmin.u32 v2, $0x13C0  }
0x34: {  	v9 =	vld [tilespmem:$0xF0];
	v4 =	vsub.s32 v4, v0;
	v3 =	vmin.u32 v3, $0x13C0;
	[tilespmem:$0x150] =	vst v2  }
0x35: {  	v4 =	vmin.u32 v4, $0x13C0;
	v2 =	vsub.s32 v5, v0;
	[tilespmem:$0x130] =	vst v3  }
0x36: {  	[tilespmem:$0x120] =	vst v4;
	v3 =	vsub.s32 v6, v0;
	v2 =	vmin.u32 v2, $0x13C0  }
0x37: {  	v4 =	vsub.s32 v7, v0;
	[tilespmem:$0x110] =	vst v2;
	v2 =	vmin.u32 v3, $0x13C0  }
0x38: {  	v3 =	vmin.u32 v4, $0x13C0;
	[tilespmem:$0x140] =	vst v2;
	v2 =	vsub.s32 v8, v0  }
0x39: {  	s19 =	simm.s32 $0x10;
	[tilespmem:$0x100] =	vst v3;
	v3 =	vsub.s32 v9, v0;
	v2 =	vmin.u32 v2, $0x13C0  }
.LBB2_4:
0x3a: {  	p1 =	sne.s32 s19, $0x9D0;
	[tilespmem:$0x160] =	vst v2;
	v2 =	vmin.u32 v3, $0x13C0;
	s20 =	smov.u32 s19;
	s19 =	sadd.s32 $0x10, s19  }
0x3b: {  	[tilespmem:$0x170] =	vst v2  }
0x3c: {  	[tilespmem:s13], [sflag:$0x1] =	stream.indirect.gather [hbm4b:s4+s12], $0x80, s3, s12, $0xb8;
	[tilespmem:$0x18180] =	vst v63  }
0x3d: {  	_ =	swait.ge [sflag:s14], $0x4000  }
0x3e: {  	[sflag:s14] =	ssyncset.done $0x0  }
0x3f: {  	[sflag:s14] =	ssyncadd.s32 $0xFFFFC000  }
0x40: {  	[spmem:s2] =	stream.indirect.scatter.add.f32 [tilespmem:s13], [sflag:$0x2], $0x80, s15, s12, $0xb8;
	[tilespmem:$0x18180] =	vst v63  }
0x41: {  	s21 =	sadd.s32 s20, s9;
	_ =	swait.ge [sflag:s11], $0x4000  }
0x42: {  	[sflag:s11] =	ssyncset.done $0x0  }
0x43: {  	[sflag:s11] =	ssyncadd.s32 $0xFFFFC000  }
0x44: {  	[tilespmem:s3], [sflag:$0x2] =	stream.linear.gather [hbm4b:s21+s3], $0x80, $0x38;
	[tilespmem:$0x18180] =	vst v63  }
0x45: {  	_ =	swait.ge [sflag:s11], $0x80  }
0x46: {  	[sflag:s11] =	ssyncset.done $0x0  }
0x47: {  	s20 =	sadd.s32 s20, s8;
	[sflag:s11] =	ssyncadd.s32 $0xFFFFFF80  }
0x48: {  	[tilespmem:s12], [sflag:$0x2] =	stream.linear.gather [hbm4b:s20+s3], $0x80, $0x38;
	[tilespmem:$0x18180] =	vst v63  }
0x49: {  	_ =	swait.ge [sflag:s11], $0x80  }
0x4a: {  	[sflag:s11] =	ssyncset.done $0x0  }
0x4b: {  	[sflag:s11] =	ssyncadd.s32 $0xFFFFFF80  }
0x4c: {  	v2 =	vld [tilespmem:$0xD0]  }
0x4d: {  	v3 =	vld [tilespmem:$0xB0]  }
0x4e: {  	v4 =	vld [tilespmem:$0xA0]  }
0x4f: {  	v5 =	vld [tilespmem:$0x90]  }
0x50: {  	v6 =	vld [tilespmem:$0xC0]  }
0x51: {  	v7 =	vld [tilespmem:$0x80];
	v2 =	vsub.s32 v2, v0  }
0x52: {  	v3 =	vsub.s32 v3, v0;
	v2 =	vmin.u32 v2, $0x13C0;
	v8 =	vld [tilespmem:$0xE0]  }
0x53: {  	v4 =	vsub.s32 v4, v0;
	v3 =	vmin.u32 v3, $0x13C0;
	[tilespmem:$0x150] =	vst v2;
	v9 =	vld [tilespmem:$0xF0]  }
.Ltmp1:
0x54: {  	v2 =	vsub.s32 v5, v0;
	v4 =	vmin.u32 v4, $0x13C0;
	[tilespmem:$0x130] =	vst v3;
	(pc) =	sbr.rel @p1 .LBB2_4-.Ltmp1, $4  }
0x55: {  	v2 =	vmin.u32 v2, $0x13C0;
	[tilespmem:$0x120] =	vst v4;
	v3 =	vsub.s32 v6, v0  }
0x56: {  	v4 =	vsub.s32 v7, v0;
	[tilespmem:$0x110] =	vst v2;
	v2 =	vmin.u32 v3, $0x13C0  }
0x57: {  	v3 =	vmin.u32 v4, $0x13C0;
	[tilespmem:$0x140] =	vst v2;
	v2 =	vsub.s32 v8, v0  }
0x58: {  	[tilespmem:$0x100] =	vst v3;
	v2 =	vmin.u32 v2, $0x13C0;
	v3 =	vsub.s32 v9, v0  }
0x59: {  	[tilespmem:$0x160] =	vst v2;
	v2 =	vmin.u32 v3, $0x13C0  }
0x5a: {  	[tilespmem:$0x170] =	vst v2  }
0x5b: {  	[tilespmem:s13], [sflag:$0x1] =	stream.indirect.gather [hbm4b:s4+s12], $0x80, s3, s12, $0xb8;
	[tilespmem:$0x18180] =	vst v63  }
0x5c: {  	_ =	swait.ge [sflag:s14], $0x4000  }
0x5d: {  	[sflag:s14] =	ssyncset.done $0x0  }
0x5e: {  	[sflag:s14] =	ssyncadd.s32 $0xFFFFC000  }
0x5f: {  	[spmem:s2] =	stream.indirect.scatter.add.f32 [tilespmem:s13], [sflag:$0x2], $0x80, s15, s12, $0xb8;
	[tilespmem:$0x18180] =	vst v63  }
0x60: {  	_ =	swait.ge [sflag:s11], $0x4000  }
0x61: {  	s18 =	sadd.s32 $0x1, s18;
	[sflag:s11] =	ssyncset.done $0x0  }
0x62: {  	p1 =	sne.s32 s18, s7;
	[sflag:s11] =	ssyncadd.s32 $0xFFFFC000  }
.Ltmp2:
0x63: {  	s19 =	simm.s32 @!p0 $0x2;
	[bflag:$0x0] =	sbarrier.arrive $0xFFFF;
	(pc) =	sbr.rel @p1 .LBB2_1-.Ltmp2, $4  }
0x64: {  	[hbm:s6], [sflag:s16] =	dma.local @!p0 [spmem:s17], $0x2780  }
0x65: {  	_ =	swait.ge @!p0 [sflag:s19], $0x2780  }
0x66: {  	[sflag:s19] =	ssyncset.done @!p0 $0x0  }
0x67: {  	[sflag:s19] =	ssyncadd.s32 @!p0 $0xFFFFD880  }
0x68: {  	_ =	sfence.sel $0x180000  }
0x69: {  	[bflag:$0x0] =	sbarrier.arrive $0xFFFF  }
0x6a: {  	p0 =	sne.s32 s1, $0x0;
	_ =	strace $0x90000050  }
0x6b: {  	s0 =	sadd.s32 @!p0 $0x100000, s0;
	[bflag:$0x2] =	sbarrier.arrive $0xFFFF  }
0x6c: {  	[sflag:s0] =	ssyncadd.tile.s32 @!p0 $0x1;
	_ =	shalt  }
.Lfunc_end2:
_tile_overlayer_lowered:
.L_overlay_start_2:
0x6d: {  	(tag) =	ssettag $0x2  }
0x6e: {  	s0 =	rddreg [dreg:$0x0];
	s2 =	stileid.u32  }
0x6f: {  	s1 =	rddreg [dreg:$0x1];
	p0 =	sne.s32 s2, $0x0  }
0x70: {  	s3 =	rddreg [dreg:$0x2];
	[bflag:$0x3] =	sbarrier.arrive $0xFFFF;
	s2 =	simm.s32 @!p0 $0x1C02  }
0x71: {  	[timem:s3], [sflag:s2] =	dma.local @!p0 [hbm:s0], s1  }
0x72: {  	s0 =	simm.s32 @!p0 $0x2  }
0x73: {  	_ =	swait.ge @!p0 [sflag:s0], s1  }
0x74: {  	s1 =	ssub.s32 @!p0 $0x0, s1;
	[sflag:s0] =	ssyncset.done @!p0 $0x0  }
0x75: {  	[sflag:s0] =	ssyncadd.s32 @!p0 s1  }
0x76: {  	[bflag:$0x3] =	sbarrier.arrive $0xFFFF  }
0x77: {  	_ =	shalt  }

// kernel: kernel.23.cloned.1.call-start
scs
__scs_entry_jumppad:
0x0: {  	(pc) =	sbr.rel $0x88, $3  }
0x1: {  	(tag) =	ssettag $0x0;
	lr =	simm.s32 $0x1  }
0x2: {  	[smem:$0x3F99] =	sst lr;
	_ =	strace $0xD0000000  }
0x3: {  	_ = 	snop  }
0x4: {  	_ = 	snop  }
0x5: {  	_ = 	snop  }
0x6: {  	_ = 	snop  }
0x7: {  	_ = 	snop  }
__scs_overlays_trampoline_lowered:
0x8: {  	[smem:$0x3FA8] =	sst s0  }
0x9: {  	[smem:$0x3FA9] =	sst s1  }
0xa: {  	[smem:$0x3FAA] =	sst s2  }
0xb: {  	[smem:$0x3FAB] =	sst s3  }
0xc: {  	[smem:$0x3FAC] =	sst s4  }
0xd: {  	[smem:$0x3FAD] =	sst s5  }
0xe: {  	[smem:$0x3FAE] =	sst s6  }
0xf: {  	[smem:$0x3FAF] =	sst s7  }
0x10: {  	[smem:$0x3FB0] =	sst s8  }
0x11: {  	[smem:$0x3FB1] =	sst s9;
	s0 =	simm.s32 @!p0 $0x0  }
0x12: {  	s1 =	sld [smem:$0x3F97];
	s0 =	simm.s32 @p0 $0x1  }
0x13: {  	[smem:$0x3FB2] =	sst s0;
	s0 =	simm.s32 @!p1 $0x0  }
0x14: {  	s2 =	sld [smem:$0x3F96];
	s0 =	simm.s32 @p1 $0x1  }
0x15: {  	[smem:$0x3FB3] =	sst s0;
	s0 =	simm.s32 @!p2 $0x0  }
0x16: {  	s3 =	sld [smem:$0x3FDB];
	s0 =	simm.s32 @p2 $0x1  }
0x17: {  	s4 =	simm.s32 $0x1BF5;
	[smem:$0x3FB5] =	sst s0  }
0x18: {  	s0 =	sld [smem:$0x3F98];
	_ =	swait.ge [sflag:s4], $0x0  }
0x19: {  	s7 =	sld [smem:$0x3F99]  }
0x1a: {  	s8 =	sadd.s32 $0xFFFFE003, lr  }
0x1b: {  	s9 =	sadd.s32 $0xFFFFFEF7, lr;
	s5 =	simm.s32 $0xFFFFFFFF;
	p2 =	slt.u32 s8, $0xFFFFF086  }
0x1c: {  	p1 =	slt.u32 s9, $0xF7A;
	s5 =	simm.s32 @!p2 $0x0  }
0x1d: {  	s5 =	simm.s32 @p1 $0x1;
	p0 =	seq.s32 s7, s2  }
0x1e: {  	s7 =	smul.u32 @!p0 $0xF7A, s2;
	p2 =	seq.s32 @!p0 s5, $0x0  }
0x1f: {  	s9 =	smul.u32 $0xF7A, s1;
	s8 =	simm.s32 @!p0 $0x1BF5;
	p2 =	por !p2, p0  }
0x20: {  	[sflag:s8] =	ssyncset.s32 @!p0 $0xFFFFF086;
	s6 =	sadd.s32 @!p0 s3, s7;
	s7 =	simm.s32 @!p0 $0x108  }
0x21: {  	s3 =	sadd.s32 s3, s9;
	s6 =	sadd.s32 @!p0 $0x88, s6;
	s7 =	simm.s32 @p2 $0x1082  }
0x22: {  	[simem:s7], [sflag:s8] =	dma.local @!p0 [hbm:s6], $0xF7A  }
0x23: {  	s9 =	sor.u32 $0xD0000000, s2;
	s6 =	simm.s32 $0x108;
	_ =	swait.ge @!p0 [sflag:s8], $0x0  }
0x24: {  	s3 =	sadd.s32 $0x88, s3;
	s6 =	simm.s32 @!p1 $0x1082;
	[sflag:s4] =	ssyncset.s32 $0xFFFFF086  }
0x25: {  	[simem:s6], [sflag:s4] =	dma.local [hbm:s3], $0xF7A  }
0x26: {  	[smem:$0x3F99] =	sst s1;
	(tag) =	ssettag s2;
	_ =	strace s9  }
0x27: {  	s1 =	sld [smem:$0x3FA9]  }
0x28: {  	s2 =	sld [smem:$0x3FAA]  }
0x29: {  	s4 =	sld [smem:$0x3FAC]  }
0x2a: {  	p0 =	seq.s32 s5, $0x0;
	s5 =	sld [smem:$0x3FAD]  }
0x2b: {  	s6 =	sld [smem:$0x3FAE]  }
0x2c: {  	s7 =	sld [smem:$0x3FAF]  }
0x2d: {  	s3 =	simm.s32 $0x108;
	s8 =	sld [smem:$0x3FB0]  }
0x2e: {  	s3 =	simm.s32 @!p0 $0x1082;
	s9 =	sld [smem:$0x3FB1]  }
0x2f: {  	lr =	sadd.s32 s0, s3;
	s0 =	sld [smem:$0x3FA8]  }
0x30: {  	s3 =	sld [smem:$0x3FAB]  }
0x31: {  	[smem:$0x3FB4] =	sst s10  }
0x32: {  	s10 =	sld [smem:$0x3FB2];
	_ =	sdelay $0x3  }
0x33: {  	p0 =	seq.s32 s10, $0x1;
	s10 =	sld [smem:$0x3FB4];
	_ =	sdelay $0x3  }
0x34: {  	[smem:$0x3FB4] =	sst s10  }
0x35: {  	s10 =	sld [smem:$0x3FB3];
	_ =	sdelay $0x3  }
0x36: {  	p1 =	seq.s32 s10, $0x1;
	s10 =	sld [smem:$0x3FB4];
	_ =	sdelay $0x3  }
0x37: {  	[smem:$0x3FB4] =	sst s10  }
0x38: {  	s10 =	sld [smem:$0x3FB5]  }
0x39: {  	_ = 	snop;
	(pc) =	sbr.ind lr, $3  }
0x3a: {  	_ = 	snop  }
0x3b: {  	_ = 	snop  }
0x3c: {  	p2 =	seq.s32 s10, $0x1;
	s10 =	sld [smem:$0x3FB4]  }
0x3d: {  	_ =	shalt  }
0x3e: {  	_ =	shalt  }
0x3f: {  	_ =	shalt  }
0x40: {  	_ =	shalt  }
0x41: {  	_ =	shalt  }
0x42: {  	_ =	shalt  }
0x43: {  	_ =	shalt  }
0x44: {  	_ =	shalt  }
0x45: {  	_ =	shalt  }
0x46: {  	_ =	shalt  }
0x47: {  	_ =	shalt  }
0x48: {  	_ =	shalt  }
0x49: {  	_ =	shalt  }
0x4a: {  	_ =	shalt  }
0x4b: {  	_ =	shalt  }
0x4c: {  	_ =	shalt  }
0x4d: {  	_ =	shalt  }
0x4e: {  	_ =	shalt  }
0x4f: {  	_ =	shalt  }
0x50: {  	_ =	shalt  }
0x51: {  	_ =	shalt  }
0x52: {  	_ =	shalt  }
0x53: {  	_ =	shalt  }
0x54: {  	_ =	shalt  }
0x55: {  	_ =	shalt  }
0x56: {  	_ =	shalt  }
0x57: {  	_ =	shalt  }
0x58: {  	_ =	shalt  }
0x59: {  	_ =	shalt  }
0x5a: {  	_ =	shalt  }
0x5b: {  	_ =	shalt  }
0x5c: {  	_ =	shalt  }
0x5d: {  	_ =	shalt  }
0x5e: {  	_ =	shalt  }
0x5f: {  	_ =	shalt  }
0x60: {  	_ =	shalt  }
0x61: {  	_ =	shalt  }
0x62: {  	_ =	shalt  }
0x63: {  	_ =	shalt  }
0x64: {  	_ =	shalt  }
0x65: {  	_ =	shalt  }
0x66: {  	_ =	shalt  }
0x67: {  	_ =	shalt  }
0x68: {  	_ =	shalt  }
0x69: {  	_ =	shalt  }
0x6a: {  	_ =	shalt  }
0x6b: {  	_ =	shalt  }
0x6c: {  	_ =	shalt  }
0x6d: {  	_ =	shalt  }
0x6e: {  	_ =	shalt  }
0x6f: {  	_ =	shalt  }
0x70: {  	_ =	shalt  }
0x71: {  	_ =	shalt  }
0x72: {  	_ =	shalt  }
0x73: {  	_ =	shalt  }
0x74: {  	_ =	shalt  }
0x75: {  	_ =	shalt  }
0x76: {  	_ =	shalt  }
0x77: {  	_ =	shalt  }
0x78: {  	_ =	shalt  }
0x79: {  	_ =	shalt  }
0x7a: {  	_ =	shalt  }
0x7b: {  	_ =	shalt  }
0x7c: {  	_ =	shalt  }
0x7d: {  	_ =	shalt  }
0x7e: {  	_ =	shalt  }
0x7f: {  	_ =	shalt  }
0x80: {  	_ =	shalt  }
0x81: {  	_ =	shalt  }
0x82: {  	_ =	shalt  }
0x83: {  	_ =	shalt  }
0x84: {  	_ =	shalt  }
0x85: {  	_ =	shalt  }
0x86: {  	_ =	shalt  }
0x87: {  	_ =	shalt  }
.Lfunc_end0:
.L_simem_size_0:
called_computation.4_lowered:
.L_overlay_start_0:
0x88: {  	s2 =	sld [smem:$0x3FD9]  }
0x89: {  	s3 =	sld [smem:$0x3FFE];
	_ =	sdelay $0x1  }
0x8a: {  	s1 =	srdreg.scid  }
0x8b: {  	s0 =	sand.u32 $0x1, s1  }
0x8c: {  	s16 =	sshll.u32 s0, $0xA;
	s2 =	sadd.s32 s3, s2  }
0x8d: {  	s2 =	sadd.s32 s2, s16  }
0x8e: {  	[smem:$0x3FC0] =	sst s2  }
0x8f: {  	_ = 	snop  }
0x90: {  	(tm) =	ssettm $0x1  }
0x91: {  	s17 =	sld [smem:$0x3FFB];
	_ =	sdelay $0x3  }
0x92: {  	_ =	strace s17  }
0x93: {  	s2 =	sld [smem:$0x3FFC];
	_ =	sdelay $0x3  }
0x94: {  	_ =	strace s2  }
0x95: {  	s2 =	sld [smem:$0x3FFD];
	_ =	sdelay $0x3  }
0x96: {  	_ =	strace s2  }
0x97: {  	_ =	strace $0x8FFFFFFF  }
0x98: {  	s18 =	sld [smem:$0x3FDB];
	_ =	sdelay $0x1  }
0x99: {  	s19 =	simm.s32 $_scs_section_size  }
0x9a: {  	s4 =	simm.s32 $_size__tile_overlayer_lowered;
	s5 =	simm.s32 $_tile_overlayer_lowered  }
0x9b: {  	s22 =	simm.s32 $0x1BFF;
	s21 =	sshll.u32 s5, $0x1;
	s2 =	sadd.s32 s19, s18  }
0x9c: {  	s6 =	simm.s32 $0x0;
	s20 =	sshll.u32 s4, $0x1;
	s4 =	sadd.s32 s21, s2  }
0x9d: {  	[timem:s6], [sflag:s22] =	dma.local [hbm:s4], s20  }
0x9e: {  	_ =	swait.ge [sflag:s22], s20  }
0x9f: {  	s3 =	ssub.s32 $0x0, s20;
	[sflag:s22] =	ssyncset.done $0x0  }
0xa0: {  	[sflag:s22] =	ssyncadd.s32 s3;
	_ =	sdelay $0x1  }
0xa1: {  	s23 =	simm.s32 $0x1B8B  }
0xa2: {  	_ =	swait.ge [sflag:s23], $0x1  }
0xa3: {  	[sflag:s23] =	ssyncset.done $0x0  }
0xa4: {  	s25 =	simm.s32 $0x1B8E;
	s24 =	sld [smem:$0x3FFE];
	[sflag:s23] =	ssyncadd.s32 $0xFFFFFFFF  }
0xa5: {  	s26 =	simm.s32 $execute0_lowered;
	[smem:$0x3FD2] =	sst s25  }
0xa6: {  	s4 =	sshll.u32 s26, $0x1;
	_ =	strace $0x80000052;
	[dreg:$0x1] =	wrdreg $0xFFFFFFFF  }
0xa7: {  	s28 =	simm.s32 $_size_execute0_lowered;
	s2 =	sadd.s32 s2, s4;
	[dreg:$0x0] =	wrdreg $0x0  }
0xa8: {  	s4 =	sshll.u32 s28, $0x1;
	[dreg:$0x2] =	wrdreg s2  }
0xa9: {  	[dreg:$0x3] =	wrdreg s4  }
0xaa: {  	[dreg:$0x4] =	wrdreg $0xC0  }
0xab: {  	_ =	task [dreg:s6], $0x5FFFF  }
0xac: {  	[dreg:$0x1] =	wrdreg $0xFFFFFFFF  }
0xad: {  	[dreg:$0x0] =	wrdreg $0x60  }
0xae: {  	[dreg:$0x2] =	wrdreg s24  }
0xaf: {  	[dreg:$0x3] =	wrdreg $0xE1800  }
0xb0: {  	[dreg:$0x4] =	wrdreg $0x9  }
0xb1: {  	_ =	task.clear_ibuf [dreg:s6], $0x5FFFF;
	_ =	strace $0x90000052  }
0xb2: {  	s29 =	simm.s32 $0x9;
	_ =	strace $0x80000054  }
0xb3: {  	_ =	swait.ge [sflag:s29], $0x1  }
0xb4: {  	[sflag:s29] =	ssyncadd.s32 $0xFFFFFFFF  }
0xb5: {  	_ =	strace $0x90000054  }
0xb6: {  	_ =	sfence  }
0xb7: {  	s30 =	sld [smem:$0x0];
	_ =	sdelay $0x2  }
0xb8: {  	s31 =	sshll.u32 s1, $0xD;
	s1 =	sshrl.u32 s1, $0x2  }
0xb9: {  	s3 =	sand.u32 $0x4000, s31;
	s1 =	sadd.s32 s1, s30  }
0xba: {  	s0 =	sor.u32 s3, s0;
	s1 =	sshll.u32 s1, $0x11  }
0xbb: {  	s0 =	sor.u32 s1, s0  }
0xbc: {  	s0 =	sadd.s32 $0x8F2B, s0  }
0xbd: {  	[sflag:s0] =	ssyncadd.remote.s32 $0x1  }
0xbe: {  	_ =	sfence.sel $0xFFFF  }
0xbf: {  	[dreg:$0x0] =	wrdreg $0xFFFFFFFF;
	(pc) =	sbr.abs _section_cstart, $3  }
0xc0: {  	[dreg:$0x1] =	wrdreg $0xFFFFFFFF  }
0xc1: {  	_ =	task.clear_ibuf [dreg:s6], $0x2FFFF;
	_ =	strace $0x9FFFFFFF  }
0xc2: {  	(tm) =	ssettm $0x7FFFFFFF  }
0xc3: {  	_ =	shalt  }
tec
execute0_lowered:
.L_overlay_start_1:
0x0: {  	(tag) =	ssettag $0x1  }
0x1: {  	s5 =	rddreg [dreg:$0x0];
	s0 =	srdreg.scid  }
0x2: {  	s2 =	rddreg [dreg:$0x1];
	s1 =	stileid.u32;
	s3 =	simm.s32 $0x0  }
0x3: {  	s12 =	simm.s32 $0x80;
	s13 =	simm.s32 $0x180;
	s4 =	smul.u32 $0x278, s1  }
0x4: {  	s14 =	simm.s32 $0x1;
	s15 =	simm.s32 $0x100;
	s7 =	smul.u32 $0x9E0, s1  }
0x5: {  	s6 =	sand.u32 $0x1, s0;
	s0 =	rddreg [dreg:$0x2];
	s9 =	smul.u32 $0x28000, s1  }
0x6: {  	[smem:$0x7FF] =	sst s3;
	s10 =	smul.u32 $0x4F000, s1;
	p0 =	sgt.u32 s1, $0x7  }
0x7: {  	s16 =	smul.u32 $0x13C0, s6;
	_ =	strace $0x80000053;
	s28 =	ssub.s32 $0x2, s6  }
0x8: {  	s18 =	sshll.u32 @!p0 s1, $0x6;
	s11 =	sadd.s32 s7, s5;
	s6 =	sshrl.u32 s28, $0x1  }
0x9: {  	s29 =	sshrl.u32 s9, $0x2;
	s30 =	sshrl.u32 s10, $0x2;
	s10 =	simm.s32 $0x4180  }
0xa: {  	s8 =	sadd.s32 s4, s16;
	s4 =	sadd.s32 $0xDC00, s5;
	s31 =	ssub.s32 s28, s6  }
0xb: {  	s17 =	sadd.s32 s30, s2;
	s9 =	sadd.s32 $0x3E00, s11;
	v0 =	vmov s16;
	s16 =	sor.u32 @!p0 $0x1C02, s18  }
0xc: {  	s18 =	simm.s32 $0x0;
	s8 =	sshll.u32 s8, $0x4;
	s7 =	smax.u32 s31, $0x1  }
0xd: {  	s17 =	sshrl.u32 @!p0 s17, $0x3;
	s26 =	sadd.s32 s8, s5;
	s5 =	sadd.s32 s29, s2  }
0xe: {  	v1 =	vimm.f32 $0.0e+00;
	s8 =	sadd.s32 $0x5CC00, s11;
	s11 =	simm.s32 $0x2;
	s6 =	sadd.s32 $0x35400, s26  }
.LBB2_1:
0xf: {  	s19 =	simm.s32 $0x0;
	s20 =	simm.s32 $0x200  }
.LBB2_2:
0x10: {  	p1 =	sne.s32 s20, $0x27E00;
	[tilespmem:s19+$0x41F0] =	vst v1  }
0x11: {  	[tilespmem:s19+$0x4180] =	vst v1  }
0x12: {  	[tilespmem:s19+$0x4190] =	vst v1  }
.Ltmp0:
0x13: {  	[tilespmem:s19+$0x41A0] =	vst v1;
	(pc) =	sbr.rel @p1 .LBB2_2-.Ltmp0, $4  }
0x14: {  	[tilespmem:s19+$0x41B0] =	vst v1  }
0x15: {  	[tilespmem:s19+$0x41C0] =	vst v1  }
0x16: {  	[tilespmem:s19+$0x41D0] =	vst v1  }
0x17: {  	[tilespmem:s19+$0x41E0] =	vst v1;
	s19 =	sshra.s32 s20, $0x2;
	s20 =	sadd.s32 $0x200, s20  }
0x18: {  	[tilespmem:s19+$0x41F0] =	vst v1  }
0x19: {  	[tilespmem:s19+$0x4180] =	vst v1  }
0x1a: {  	[tilespmem:s19+$0x4190] =	vst v1  }
0x1b: {  	[tilespmem:s19+$0x41A0] =	vst v1  }
0x1c: {  	[tilespmem:s19+$0x41B0] =	vst v1  }
0x1d: {  	[tilespmem:s19+$0x41C0] =	vst v1  }
0x1e: {  	[tilespmem:s19+$0x41D0] =	vst v1  }
0x1f: {  	[tilespmem:s19+$0x41E0] =	vst v1  }
0x20: {  	[spmem:s5] =	stream.linear.scatter [tilespmem:s10], [sflag:$0x2], $0xA000, $0x38;
	[tilespmem:$0x18180] =	vst v63  }
0x21: {  	_ =	swait.ge [sflag:s11], $0xA000  }
0x22: {  	[sflag:s11] =	ssyncset.done $0x0  }
0x23: {  	[sflag:s11] =	ssyncadd.s32 $0xFFFF6000  }
0x24: {  	s30 =	sadd.s32 $0x0, s9;
	[bflag:$0x0] =	sbarrier.arrive $0xFFFF  }
0x25: {  	[tilespmem:s3], [sflag:$0x2] =	stream.linear.gather [hbm4b:s30+s3], $0x80, $0x38;
	[tilespmem:$0x18180] =	vst v63  }
0x26: {  	_ =	swait.ge [sflag:s11], $0x80  }
0x27: {  	[sflag:s11] =	ssyncset.done $0x0  }
0x28: {  	s31 =	sadd.s32 $0x0, s8;
	[sflag:s11] =	ssyncadd.s32 $0xFFFFFF80  }
0x29: {  	[tilespmem:s12], [sflag:$0x2] =	stream.linear.gather [hbm4b:s31+s3], $0x80, $0x38;
	[tilespmem:$0x18180] =	vst v63  }
0x2a: {  	_ =	swait.ge [sflag:s11], $0x80  }
0x2b: {  	[sflag:s11] =	ssyncset.done $0x0  }
0x2c: {  	[sflag:s11] =	ssyncadd.s32 $0xFFFFFF80  }
0x2d: {  	v2 =	vld [tilespmem:$0xD0]  }
0x2e: {  	v3 =	vld [tilespmem:$0xB0]  }
0x2f: {  	v4 =	vld [tilespmem:$0xA0]  }
0x30: {  	v5 =	vld [tilespmem:$0x90]  }
0x31: {  	v6 =	vld [tilespmem:$0xC0]  }
0x32: {  	v7 =	vld [tilespmem:$0x80];
	v2 =	vsub.s32 v2, v0  }
0x33: {  	v8 =	vld [tilespmem:$0xE0];
	v3 =	vsub.s32 v3, v0;
	v2 =	vmin.u32 v2, $0x13C0  }
0x34: {  	v9 =	vld [tilespmem:$0xF0];
	v4 =	vsub.s32 v4, v0;
	v3 =	vmin.u32 v3, $0x13C0;
	[tilespmem:$0x150] =	vst v2  }
0x35: {  	v4 =	vmin.u32 v4, $0x13C0;
	v2 =	vsub.s32 v5, v0;
	[tilespmem:$0x130] =	vst v3  }
0x36: {  	[tilespmem:$0x120] =	vst v4;
	v3 =	vsub.s32 v6, v0;
	v2 =	vmin.u32 v2, $0x13C0  }
0x37: {  	v4 =	vsub.s32 v7, v0;
	[tilespmem:$0x110] =	vst v2;
	v2 =	vmin.u32 v3, $0x13C0  }
0x38: {  	v3 =	vmin.u32 v4, $0x13C0;
	[tilespmem:$0x140] =	vst v2;
	v2 =	vsub.s32 v8, v0  }
0x39: {  	s19 =	simm.s32 $0x10;
	[tilespmem:$0x100] =	vst v3;
	v3 =	vsub.s32 v9, v0;
	v2 =	vmin.u32 v2, $0x13C0  }
.LBB2_4:
0x3a: {  	p1 =	sne.s32 s19, $0x9D0;
	[tilespmem:$0x160] =	vst v2;
	v2 =	vmin.u32 v3, $0x13C0;
	s20 =	smov.u32 s19;
	s19 =	sadd.s32 $0x10, s19  }
0x3b: {  	[tilespmem:$0x170] =	vst v2  }
0x3c: {  	[tilespmem:s13], [sflag:$0x1] =	stream.indirect.gather [hbm4b:s4+s12], $0x80, s3, s12, $0xb8;
	[tilespmem:$0x18180] =	vst v63  }
0x3d: {  	_ =	swait.ge [sflag:s14], $0x4000  }
0x3e: {  	[sflag:s14] =	ssyncset.done $0x0  }
0x3f: {  	[sflag:s14] =	ssyncadd.s32 $0xFFFFC000  }
0x40: {  	[spmem:s2] =	stream.indirect.scatter.add.f32 [tilespmem:s13], [sflag:$0x2], $0x80, s15, s12, $0xb8;
	[tilespmem:$0x18180] =	vst v63  }
0x41: {  	s21 =	sadd.s32 s20, s9;
	_ =	swait.ge [sflag:s11], $0x4000  }
0x42: {  	[sflag:s11] =	ssyncset.done $0x0  }
0x43: {  	[sflag:s11] =	ssyncadd.s32 $0xFFFFC000  }
0x44: {  	[tilespmem:s3], [sflag:$0x2] =	stream.linear.gather [hbm4b:s21+s3], $0x80, $0x38;
	[tilespmem:$0x18180] =	vst v63  }
0x45: {  	_ =	swait.ge [sflag:s11], $0x80  }
0x46: {  	[sflag:s11] =	ssyncset.done $0x0  }
0x47: {  	s20 =	sadd.s32 s20, s8;
	[sflag:s11] =	ssyncadd.s32 $0xFFFFFF80  }
0x48: {  	[tilespmem:s12], [sflag:$0x2] =	stream.linear.gather [hbm4b:s20+s3], $0x80, $0x38;
	[tilespmem:$0x18180] =	vst v63  }
0x49: {  	_ =	swait.ge [sflag:s11], $0x80  }
0x4a: {  	[sflag:s11] =	ssyncset.done $0x0  }
0x4b: {  	[sflag:s11] =	ssyncadd.s32 $0xFFFFFF80  }
0x4c: {  	v2 =	vld [tilespmem:$0xD0]  }
0x4d: {  	v3 =	vld [tilespmem:$0xB0]  }
0x4e: {  	v4 =	vld [tilespmem:$0xA0]  }
0x4f: {  	v5 =	vld [tilespmem:$0x90]  }
0x50: {  	v6 =	vld [tilespmem:$0xC0]  }
0x51: {  	v7 =	vld [tilespmem:$0x80];
	v2 =	vsub.s32 v2, v0  }
0x52: {  	v3 =	vsub.s32 v3, v0;
	v2 =	vmin.u32 v2, $0x13C0;
	v8 =	vld [tilespmem:$0xE0]  }
0x53: {  	v4 =	vsub.s32 v4, v0;
	v3 =	vmin.u32 v3, $0x13C0;
	[tilespmem:$0x150] =	vst v2;
	v9 =	vld [tilespmem:$0xF0]  }
.Ltmp1:
0x54: {  	v2 =	vsub.s32 v5, v0;
	v4 =	vmin.u32 v4, $0x13C0;
	[tilespmem:$0x130] =	vst v3;
	(pc) =	sbr.rel @p1 .LBB2_4-.Ltmp1, $4  }
0x55: {  	v2 =	vmin.u32 v2, $0x13C0;
	[tilespmem:$0x120] =	vst v4;
	v3 =	vsub.s32 v6, v0  }
0x56: {  	v4 =	vsub.s32 v7, v0;
	[tilespmem:$0x110] =	vst v2;
	v2 =	vmin.u32 v3, $0x13C0  }
0x57: {  	v3 =	vmin.u32 v4, $0x13C0;
	[tilespmem:$0x140] =	vst v2;
	v2 =	vsub.s32 v8, v0  }
0x58: {  	[tilespmem:$0x100] =	vst v3;
	v2 =	vmin.u32 v2, $0x13C0;
	v3 =	vsub.s32 v9, v0  }
0x59: {  	[tilespmem:$0x160] =	vst v2;
	v2 =	vmin.u32 v3, $0x13C0  }
0x5a: {  	[tilespmem:$0x170] =	vst v2  }
0x5b: {  	[tilespmem:s13], [sflag:$0x1] =	stream.indirect.gather [hbm4b:s4+s12], $0x80, s3, s12, $0xb8;
	[tilespmem:$0x18180] =	vst v63  }
0x5c: {  	_ =	swait.ge [sflag:s14], $0x4000  }
0x5d: {  	[sflag:s14] =	ssyncset.done $0x0  }
0x5e: {  	[sflag:s14] =	ssyncadd.s32 $0xFFFFC000  }
0x5f: {  	[spmem:s2] =	stream.indirect.scatter.add.f32 [tilespmem:s13], [sflag:$0x2], $0x80, s15, s12, $0xb8;
	[tilespmem:$0x18180] =	vst v63  }
0x60: {  	_ =	swait.ge [sflag:s11], $0x4000  }
0x61: {  	s18 =	sadd.s32 $0x1, s18;
	[sflag:s11] =	ssyncset.done $0x0  }
0x62: {  	p1 =	sne.s32 s18, s7;
	[sflag:s11] =	ssyncadd.s32 $0xFFFFC000  }
.Ltmp2:
0x63: {  	s19 =	simm.s32 @!p0 $0x2;
	[bflag:$0x0] =	sbarrier.arrive $0xFFFF;
	(pc) =	sbr.rel @p1 .LBB2_1-.Ltmp2, $4  }
0x64: {  	[hbm:s6], [sflag:s16] =	dma.local @!p0 [spmem:s17], $0x2780  }
0x65: {  	_ =	swait.ge @!p0 [sflag:s19], $0x2780  }
0x66: {  	[sflag:s19] =	ssyncset.done @!p0 $0x0  }
0x67: {  	[sflag:s19] =	ssyncadd.s32 @!p0 $0xFFFFD880  }
0x68: {  	_ =	sfence.sel $0x180000  }
0x69: {  	[bflag:$0x0] =	sbarrier.arrive $0xFFFF  }
0x6a: {  	p0 =	sne.s32 s1, $0x0;
	_ =	strace $0x90000053  }
0x6b: {  	s0 =	sadd.s32 @!p0 $0x100000, s0;
	[bflag:$0x2] =	sbarrier.arrive $0xFFFF  }
0x6c: {  	[sflag:s0] =	ssyncadd.tile.s32 @!p0 $0x1;
	_ =	shalt  }
.Lfunc_end2:
_tile_overlayer_lowered:
.L_overlay_start_2:
0x6d: {  	(tag) =	ssettag $0x2  }
0x6e: {  	s0 =	rddreg [dreg:$0x0];
	s2 =	stileid.u32  }
0x6f: {  	s1 =	rddreg [dreg:$0x1];
	p0 =	sne.s32 s2, $0x0  }
0x70: {  	s3 =	rddreg [dreg:$0x2];
	[bflag:$0x3] =	sbarrier.arrive $0xFFFF;
	s2 =	simm.s32 @!p0 $0x1C02  }
0x71: {  	[timem:s3], [sflag:s2] =	dma.local @!p0 [hbm:s0], s1  }
0x72: {  	s0 =	simm.s32 @!p0 $0x2  }
0x73: {  	_ =	swait.ge @!p0 [sflag:s0], s1  }
0x74: {  	s1 =	ssub.s32 @!p0 $0x0, s1;
	[sflag:s0] =	ssyncset.done @!p0 $0x0  }
0x75: {  	[sflag:s0] =	ssyncadd.s32 @!p0 s1  }
0x76: {  	[bflag:$0x3] =	sbarrier.arrive $0xFFFF  }
0x77: {  	_ =	shalt  }

</sc_bundles>
